<compile_context>
chip_gen: v7x
topology: tpu7x:2x2x1
jax: 0.10.2.dev20260603
libtpu: 0.0.44.dev20260713+nightly
codegen_flags: <defaults>
</compile_context>

<pallas_src>
import functools

import jax
import jax.numpy as jnp
import numpy as np
from jax import lax
from jax.experimental import pallas as pl
from jax.experimental.pallas import tpu as pltpu
from jax.experimental.pallas import tpu_sc as plsc

N = 4096
B = 16
F = 512
K = 512
N_CHUNK = 4096
LANES = 16
NTILE = 16
EPT = N // NTILE
VPT = EPT // LANES
OUT_PAD = K + 2 * LANES

MIN_I32 = np.int32(-2147483648)
MSK_I32 = np.int32(2147483647)


def _reduce_body(w_ref, h_ref, o_ref):
    j = pl.program_id(1)
    part = jnp.sum(h_ref[0], axis=1, keepdims=True)

    @pl.when(j == 0)
    def _():
        o_ref[...] = part

    @pl.when(j > 0)
    def _():
        o_ref[...] = o_ref[...] + part

    @pl.when(j == B - 1)
    def _():
        w0 = w_ref[0]
        o_ref[...] = o_ref[...] * (w0 / jnp.sqrt(w0 * w0))


def _scores_tc(H, w):
    return pl.pallas_call(
        _reduce_body,
        grid=(N // N_CHUNK, B),
        in_specs=[
            pl.BlockSpec(memory_space=pltpu.SMEM),
            pl.BlockSpec((1, N_CHUNK, F), lambda i, j: (j, i, 0)),
        ],
        out_specs=pl.BlockSpec((N_CHUNK, 1), lambda i, j: (i, 0)),
        out_shape=jax.ShapeDtypeStruct((N, 1), jnp.float32),
    )(w.reshape(1), H)


def _topk_body(score_hbm, out_hbm,
               score_v, keys_v, lhist_v, hback_v, zeros_v, row_v, cidx_v,
               cnts_v, ident_lo, ident_hi, idxa_v, idxb_v, vala_v, valb_v,
               h_sp0, h_sp1, h_sp2, h_sp3, cnts_sp, out_sp):
    cid = lax.axis_index("c")
    sid = lax.axis_index("s")
    h_sps = [h_sp0, h_sp1, h_sp2, h_sp3]

    @pl.when(cid == 0)
    def _work():
        wid = sid
        base = wid * EPT
        iota = lax.iota(jnp.int32, LANES)
        ones = jnp.ones((LANES,), jnp.int32)

        def _init(i, _):
            zeros_v[pl.ds(i * LANES, LANES)] = jnp.zeros((LANES,), jnp.int32)
            return 0

        lax.fori_loop(0, VPT, _init, 0)

        def _idn(i, _):
            ident_lo[pl.ds(i * LANES, LANES)] = iota + i * LANES
            ident_hi[pl.ds(i * LANES, LANES)] = iota + i * LANES + 128
            return 0

        lax.fori_loop(0, 8, _idn, 0)

        @pl.when(wid == 0)
        def _():
            for p in range(4):
                pltpu.sync_copy(zeros_v, h_sps[p])
            pltpu.sync_copy(zeros_v.at[pl.ds(0, 3 * NTILE)], cnts_sp)

        pltpu.sync_copy(score_hbm.at[pl.ds(base, EPT)], score_v)

        def _mk(i, _):
            f = score_v[pl.ds(i * LANES, LANES)]
            u = lax.bitcast_convert_type(f, jnp.int32)
            m = lax.shift_right_arithmetic(u, 31)
            keys_v[pl.ds(i * LANES, LANES)] = u ^ (m & MSK_I32) ^ MIN_I32
            return 0

        lax.fori_loop(0, VPT, _mk, 0)
        plsc.subcore_barrier()

        prefix = jnp.int32(0)
        k_rem = jnp.int32(K)
        for p in range(4):
            shift = 24 - 8 * p

            def _zl(i, _):
                lhist_v[pl.ds(i * LANES, LANES)] = jnp.zeros((LANES,),
                                                             jnp.int32)
                return 0

            lax.fori_loop(0, VPT, _zl, 0)

            def _scan(i, carry, shift=shift, p=p):
                kb = keys_v[pl.ds(i * LANES, LANES)]
                bucket = lax.shift_right_logical(kb, shift) & 255
                if p == 0:
                    plsc.addupdate_scatter(lhist_v, [bucket], ones)
                else:
                    hi = lax.shift_right_logical(kb, shift + 8)
                    plsc.addupdate_scatter(lhist_v, [bucket], ones,
                                           mask=hi == carry[0])
                return carry

            lax.fori_loop(0, VPT, _scan, (prefix,))

            pltpu.sync_copy(lhist_v.at[pl.ds(0, 128)],
                            h_sps[p].at[ident_lo], add=True)
            pltpu.sync_copy(lhist_v.at[pl.ds(128, 128)],
                            h_sps[p].at[ident_hi], add=True)
            plsc.subcore_barrier()
            pltpu.sync_copy(h_sps[p], hback_v)

            def _solve(i, carry):
                accum, found, tb, g_above = carry
                j = 15 - i
                hv = hback_v[pl.ds(j * LANES, LANES)]
                rev = lax.rev(hv, (0,))
                c = plsc.cumsum(rev)
                cond = (accum + c) >= k_rem
                npos = jnp.sum(cond.astype(jnp.int32))
                l = jnp.max(plsc.all_reduce_ffs(cond))
                c_l = jnp.sum(jnp.where(iota == l, c, 0))
                h_l = jnp.sum(jnp.where(iota == (15 - l), hv, 0))
                hit = jnp.logical_and(found == 0, npos > 0)
                tb = jnp.where(hit, j * LANES + 15 - l, tb)
                g_above = jnp.where(hit, accum + c_l - h_l, g_above)
                found = jnp.where(hit, jnp.int32(1), found)
                accum = accum + jnp.sum(hv)
                return accum, found, tb, g_above

            _, _, tb, g_above = lax.fori_loop(
                0, 16, _solve,
                (jnp.int32(0), jnp.int32(0), jnp.int32(0), jnp.int32(0)))
            if p == 0:
                prefix = tb
            else:
                prefix = lax.shift_left(prefix, 8) | tb
            k_rem = k_rem - g_above

        t_b = prefix
        t_s = t_b ^ MIN_I32

        def _cnt(i, carry):
            cg, ce = carry
            kb = keys_v[pl.ds(i * LANES, LANES)]
            gt = (kb ^ MIN_I32) > t_s
            eq = kb == t_b
            return (cg + jnp.sum(gt.astype(jnp.int32)),
                    ce + jnp.sum(eq.astype(jnp.int32)))

        cg, ce = lax.fori_loop(0, VPT, _cnt, (jnp.int32(0), jnp.int32(0)))
        row_v[...] = jnp.where(iota == 0, cg, jnp.where(iota == 1, ce, 0))
        cidx_v[...] = jnp.where(iota == 0, wid,
                                jnp.where(iota == 1, NTILE + wid,
                                          2 * NTILE + iota))
        pltpu.sync_copy(row_v, cnts_sp.at[cidx_v], add=True)
        plsc.subcore_barrier()
        pltpu.sync_copy(cnts_sp, cnts_v)

        cntg = cnts_v[pl.ds(0, LANES)]
        cnte = cnts_v[pl.ds(LANES, LANES)]
        need_eq = jnp.int32(K) - jnp.sum(cntg)
        gt_before = jnp.sum(jnp.where(iota == wid, plsc.cumsum(cntg), 0)) - cg
        eq_before = jnp.sum(jnp.where(iota == wid, plsc.cumsum(cnte), 0)) - ce
        my_off = gt_before + jnp.minimum(eq_before, need_eq)
        my_eq_budget = jnp.clip(need_eq - eq_before, 0, ce)
        trash = jnp.int32(K) + wid

        def _tgt(i, carry, buf_i, buf_v, voff):
            off, eq_taken = carry
            kb = keys_v[pl.ds((i + voff) * LANES, LANES)]
            gt = (kb ^ MIN_I32) > t_s
            eq = kb == t_b
            eqc = plsc.cumsum(eq.astype(jnp.int32))
            take_eq = jnp.logical_and(eq, eqc + eq_taken <= my_eq_budget)
            m = jnp.logical_or(gt, take_eq)
            mi = m.astype(jnp.int32)
            rank = plsc.cumsum(mi)
            buf_i[pl.ds(i * LANES, LANES)] = jnp.where(m, off + rank - 1,
                                                       trash)
            buf_v[pl.ds(i * LANES, LANES)] = iota + (base + (i + voff) * LANES)
            return (off + jnp.sum(mi),
                    eq_taken + jnp.sum(take_eq.astype(jnp.int32)))

        carry = lax.fori_loop(
            0, 8, functools.partial(_tgt, buf_i=idxa_v, buf_v=vala_v, voff=0),
            (my_off, jnp.int32(0)))
        lax.fori_loop(
            0, 8, functools.partial(_tgt, buf_i=idxb_v, buf_v=valb_v, voff=8),
            carry)

        pltpu.sync_copy(vala_v, out_sp.at[idxa_v])
        pltpu.sync_copy(valb_v, out_sp.at[idxb_v])
        plsc.subcore_barrier()

        @pl.when(wid == 0)
        def _flush():
            pltpu.sync_copy(out_sp, out_hbm)


@functools.lru_cache(maxsize=None)
def _get_topk_sc():
    return pl.kernel(
        _topk_body,
        out_type=jax.ShapeDtypeStruct((OUT_PAD,), jnp.int32),
        mesh=plsc.VectorSubcoreMesh(core_axis_name="c", subcore_axis_name="s"),
        compiler_params=pltpu.CompilerParams(needs_layout_passes=False),
        scratch_types=[
            pltpu.VMEM((EPT,), jnp.float32),
            pltpu.VMEM((EPT,), jnp.int32),
            pltpu.VMEM((256,), jnp.int32),
            pltpu.VMEM((256,), jnp.int32),
            pltpu.VMEM((256,), jnp.int32),
            pltpu.VMEM((LANES,), jnp.int32),
            pltpu.VMEM((LANES,), jnp.int32),
            pltpu.VMEM((3 * NTILE,), jnp.int32),
            pltpu.VMEM((128,), jnp.int32),
            pltpu.VMEM((128,), jnp.int32),
            pltpu.VMEM((128,), jnp.int32),
            pltpu.VMEM((128,), jnp.int32),
            pltpu.VMEM((128,), jnp.int32),
            pltpu.VMEM((128,), jnp.int32),
            pltpu.VMEM_SHARED((256,), jnp.int32),
            pltpu.VMEM_SHARED((256,), jnp.int32),
            pltpu.VMEM_SHARED((256,), jnp.int32),
            pltpu.VMEM_SHARED((256,), jnp.int32),
            pltpu.VMEM_SHARED((3 * NTILE,), jnp.int32),
            pltpu.VMEM_SHARED((OUT_PAD,), jnp.int32),
        ],
    )


def kernel(H, w):
    score = _scores_tc(H, jnp.asarray(w, jnp.float32)).reshape(N)
    return _get_topk_sc()(score)[:K]

# --- scband reference (transcript-rebuilt; emitter-appended) ---
"""Pipeline reference for scband-top-kpool-798863917376 (READ-ONLY COPY).

The authoritative reference and input builder live on the scoring server;
editing this copy changes nothing except your own understanding.
"""

import jax, jax.numpy as jnp
import numpy as np

K = 512

def setup_inputs(seed: int = 0) -> dict:
    key = jax.random.key(seed)
    kH, = jax.random.split(key, 1)
    H = jax.random.normal(kH, (16, 4096, 512), dtype=jnp.float32)
    # nn.Parameter(torch.tensor(num_feature).float()) -> scalar parameter initialized to num_feature
    w = jnp.asarray(512.0, dtype=jnp.float32)
    return {"H": H, "w": w}

def reference(H, w):
    # sub_nodes_score[b, n] = sum_f H[b, n, f] * w / ||w||_2  (w is a scalar, so ||w||_2 = |w|)
    sub_nodes_score = jnp.sum(H * w, axis=2) / jnp.sqrt(w * w)
    # score[n] = sum over subgraphs
    score = jnp.sum(sub_nodes_score, axis=0)
    _, index = jax.lax.top_k(score, K)
    sorted_index = jnp.argsort(index)
    return index[sorted_index]

if __name__ == "__main__":
    import jax
    _d = setup_inputs()
    print(jax.jit(kernel)(*tuple(_d.values())))

</pallas_src>

<mosaic_0001>
#map = affine_map<(d0, d1) -> (0)>
module attributes {stable_mosaic.version = 14 : i64} {
  func.func @_topk_body(%arg0: i32, %arg1: i32, %arg2: memref<4096xf32, #tpu.memory_space<hbm>>, %arg3: memref<544xi32, #tpu.memory_space<hbm>>, %arg4: memref<256xf32, #tpu.memory_space<vmem>>, %arg5: memref<256xi32, #tpu.memory_space<vmem>>, %arg6: memref<256xi32, #tpu.memory_space<vmem>>, %arg7: memref<256xi32, #tpu.memory_space<vmem>>, %arg8: memref<256xi32, #tpu.memory_space<vmem>>, %arg9: memref<16xi32, #tpu.memory_space<vmem>>, %arg10: memref<16xi32, #tpu.memory_space<vmem>>, %arg11: memref<48xi32, #tpu.memory_space<vmem>>, %arg12: memref<128xi32, #tpu.memory_space<vmem>>, %arg13: memref<128xi32, #tpu.memory_space<vmem>>, %arg14: memref<128xi32, #tpu.memory_space<vmem>>, %arg15: memref<128xi32, #tpu.memory_space<vmem>>, %arg16: memref<128xi32, #tpu.memory_space<vmem>>, %arg17: memref<128xi32, #tpu.memory_space<vmem>>, %arg18: memref<256xi32, #tpu.memory_space<vmem_shared>>, %arg19: memref<256xi32, #tpu.memory_space<vmem_shared>>, %arg20: memref<256xi32, #tpu.memory_space<vmem_shared>>, %arg21: memref<256xi32, #tpu.memory_space<vmem_shared>>, %arg22: memref<48xi32, #tpu.memory_space<vmem_shared>>, %arg23: memref<544xi32, #tpu.memory_space<vmem_shared>>) attributes {dimension_semantics = [#tpu.dimension_semantics<core_parallel>, #tpu.dimension_semantics<subcore_parallel>], iteration_bounds = array<i64: 2, 16>, scalar_prefetch = 0 : i64, scratch_operands = 20 : i64, tpu.core_type = #tpu.core_type<sc_vector_subcore>, window_params = [{transform_indices = #map}, {transform_indices = #map}]} {
    %eq3A = arith.constant 0 : i32
    %eq3A_0 = arith.cmpi eq, %arg0, %eq3A : i32
    %convert_element_type3A = arith.extui %eq3A_0 : i1 to i32
    %cond3A = arith.constant 0 : i32
    %cond3A_1 = arith.cmpi ne, %convert_element_type3A, %cond3A : i32
    scf.if %cond3A_1 {
      %mul3A = arith.constant 256 : i32
      %mul3A_2 = arith.muli %arg1, %mul3A : i32
      %iota3A = tpu.iota {dimensions = array<i32: 0>} : vector<16xi32>
      %broadcast_in_dim3A = arith.constant 1 : i32
      %broadcast_in_dim3A_3 = vector.broadcast %broadcast_in_dim3A : i32 to vector<16xi32>
      %scan3A = arith.constant 0 : i32
      %scan3A_4 = arith.constant 0 : i32
      %scan3A_5 = arith.constant 16 : i32
      %scan3A_6 = arith.addi %scan3A_4, %scan3A_5 : i32
      %scan3A_7 = arith.constant 1 : i32
      %scan3A_8 = scf.for %scan3A_229 = %scan3A_4 to %scan3A_6 step %scan3A_7 iter_args(%scan3A_230 = %scan3A) -> (i32)  : i32 {
        %broadcast_in_dim3A_231 = arith.constant 0 : i32
        %broadcast_in_dim3A_232 = vector.broadcast %broadcast_in_dim3A_231 : i32 to vector<16xi32>
        %mul3A_233 = arith.constant 16 : i32
        %mul3A_234 = arith.muli %scan3A_229, %mul3A_233 : i32
        %swap3A_235 = arith.index_cast %mul3A_234 : i32 to index
        %swap3A_236 = tpu.vector_load %arg8[%swap3A_235] {strides = array<i32>} : memref<256xi32, #tpu.memory_space<vmem>>, vector<16xi32>,
        tpu.vector_store %arg8[%swap3A_235], %broadcast_in_dim3A_232 {strides = array<i32>} : memref<256xi32, #tpu.memory_space<vmem>>, vector<16xi32>,
        %scan3A_237 = arith.constant 0 : i32
        scf.yield %scan3A_237 : i32
      }
      %scan3A_9 = arith.constant 16 : i32
      %scan3A_10 = arith.constant 0 : i32
      %scan3A_11 = arith.constant 0 : i32
      %scan3A_12 = arith.constant 8 : i32
      %scan3A_13 = arith.addi %scan3A_11, %scan3A_12 : i32
      %scan3A_14 = arith.constant 1 : i32
      %scan3A_15 = scf.for %scan3A_229 = %scan3A_11 to %scan3A_13 step %scan3A_14 iter_args(%scan3A_230 = %scan3A_10) -> (i32)  : i32 {
        %mul3A_231 = arith.constant 16 : i32
        %mul3A_232 = arith.muli %scan3A_229, %mul3A_231 : i32
        %add3A_233 = vector.broadcast %mul3A_232 : i32 to vector<16xi32>
        %add3A_234 = arith.addi %iota3A, %add3A_233 : vector<16xi32>
        %mul3A_235 = arith.constant 16 : i32
        %mul3A_236 = arith.muli %scan3A_229, %mul3A_235 : i32
        %swap3A_237 = arith.index_cast %mul3A_236 : i32 to index
        %swap3A_238 = tpu.vector_load %arg12[%swap3A_237] {strides = array<i32>} : memref<128xi32, #tpu.memory_space<vmem>>, vector<16xi32>,
        tpu.vector_store %arg12[%swap3A_237], %add3A_234 {strides = array<i32>} : memref<128xi32, #tpu.memory_space<vmem>>, vector<16xi32>,
        %mul3A_239 = arith.constant 16 : i32
        %mul3A_240 = arith.muli %scan3A_229, %mul3A_239 : i32
        %add3A_241 = vector.broadcast %mul3A_240 : i32 to vector<16xi32>
        %add3A_242 = arith.addi %iota3A, %add3A_241 : vector<16xi32>
        %add3A_243 = arith.constant 128 : i32
        %add3A_244 = vector.broadcast %add3A_243 : i32 to vector<16xi32>
        %add3A_245 = arith.addi %add3A_242, %add3A_244 : vector<16xi32>
        %mul3A_246 = arith.constant 16 : i32
        %mul3A_247 = arith.muli %scan3A_229, %mul3A_246 : i32
        %swap3A_248 = arith.index_cast %mul3A_247 : i32 to index
        %swap3A_249 = tpu.vector_load %arg13[%swap3A_248] {strides = array<i32>} : memref<128xi32, #tpu.memory_space<vmem>>, vector<16xi32>,
        tpu.vector_store %arg13[%swap3A_248], %add3A_245 {strides = array<i32>} : memref<128xi32, #tpu.memory_space<vmem>>, vector<16xi32>,
        %scan3A_250 = arith.constant 0 : i32
        scf.yield %scan3A_250 : i32
      }
      %scan3A_16 = arith.constant 8 : i32
      %eq3A_17 = arith.constant 0 : i32
      %eq3A_18 = arith.cmpi eq, %arg1, %eq3A_17 : i32
      %convert_element_type3A_19 = arith.extui %eq3A_18 : i1 to i32
      %cond3A_20 = arith.constant 0 : i32
      %cond3A_21 = arith.cmpi ne, %convert_element_type3A_19, %cond3A_20 : i32
      scf.if %cond3A_21 {
        "tpu.region"() ({
          %run_scoped3A = tpu.sem_alloc : memref<!tpu.dma_semaphore, #tpu.memory_space<semaphore_mem>>
          tpu.enqueue_dma source(%arg8 : memref<256xi32, #tpu.memory_space<vmem>>) target(%arg18 : memref<256xi32, #tpu.memory_space<vmem_shared>>) target_semaphore(%run_scoped3A : memref<!tpu.dma_semaphore, #tpu.memory_space<semaphore_mem>>)
          tpu.wait_dma2 semaphore(%run_scoped3A : memref<!tpu.dma_semaphore, #tpu.memory_space<semaphore_mem>>) src(%arg8 : memref<256xi32, #tpu.memory_space<vmem>>) dst(%arg18 : memref<256xi32, #tpu.memory_space<vmem_shared>>)
          tpu.yield
        }) : () -> ()
        "tpu.region"() ({
          %run_scoped3A = tpu.sem_alloc : memref<!tpu.dma_semaphore, #tpu.memory_space<semaphore_mem>>
          tpu.enqueue_dma source(%arg8 : memref<256xi32, #tpu.memory_space<vmem>>) target(%arg19 : memref<256xi32, #tpu.memory_space<vmem_shared>>) target_semaphore(%run_scoped3A : memref<!tpu.dma_semaphore, #tpu.memory_space<semaphore_mem>>)
          tpu.wait_dma2 semaphore(%run_scoped3A : memref<!tpu.dma_semaphore, #tpu.memory_space<semaphore_mem>>) src(%arg8 : memref<256xi32, #tpu.memory_space<vmem>>) dst(%arg19 : memref<256xi32, #tpu.memory_space<vmem_shared>>)
          tpu.yield
        }) : () -> ()
        "tpu.region"() ({
          %run_scoped3A = tpu.sem_alloc : memref<!tpu.dma_semaphore, #tpu.memory_space<semaphore_mem>>
          tpu.enqueue_dma source(%arg8 : memref<256xi32, #tpu.memory_space<vmem>>) target(%arg20 : memref<256xi32, #tpu.memory_space<vmem_shared>>) target_semaphore(%run_scoped3A : memref<!tpu.dma_semaphore, #tpu.memory_space<semaphore_mem>>)
          tpu.wait_dma2 semaphore(%run_scoped3A : memref<!tpu.dma_semaphore, #tpu.memory_space<semaphore_mem>>) src(%arg8 : memref<256xi32, #tpu.memory_space<vmem>>) dst(%arg20 : memref<256xi32, #tpu.memory_space<vmem_shared>>)
          tpu.yield
        }) : () -> ()
        "tpu.region"() ({
          %run_scoped3A = tpu.sem_alloc : memref<!tpu.dma_semaphore, #tpu.memory_space<semaphore_mem>>
          tpu.enqueue_dma source(%arg8 : memref<256xi32, #tpu.memory_space<vmem>>) target(%arg21 : memref<256xi32, #tpu.memory_space<vmem_shared>>) target_semaphore(%run_scoped3A : memref<!tpu.dma_semaphore, #tpu.memory_space<semaphore_mem>>)
          tpu.wait_dma2 semaphore(%run_scoped3A : memref<!tpu.dma_semaphore, #tpu.memory_space<semaphore_mem>>) src(%arg8 : memref<256xi32, #tpu.memory_space<vmem>>) dst(%arg21 : memref<256xi32, #tpu.memory_space<vmem_shared>>)
          tpu.yield
        }) : () -> ()
        "tpu.region"() ({
          %run_scoped3A = tpu.sem_alloc : memref<!tpu.dma_semaphore, #tpu.memory_space<semaphore_mem>>
          %dma_start3A = arith.constant 0 : i32
          %dma_start3A_229 = tpu.memref_slice %arg8[%dma_start3A] : memref<256xi32, #tpu.memory_space<vmem>> -> memref<48xi32, #tpu.memory_space<vmem>>
          %dma_start3A_230 = arith.constant 0 : i32
          %dma_start3A_231 = tpu.memref_slice %arg8[%dma_start3A_230] : memref<256xi32, #tpu.memory_space<vmem>> -> memref<48xi32, #tpu.memory_space<vmem>>
          tpu.enqueue_dma source(%dma_start3A_231 : memref<48xi32, #tpu.memory_space<vmem>>) target(%arg22 : memref<48xi32, #tpu.memory_space<vmem_shared>>) target_semaphore(%run_scoped3A : memref<!tpu.dma_semaphore, #tpu.memory_space<semaphore_mem>>)
          %dma_wait3A = arith.constant 0 : i32
          %dma_wait3A_232 = tpu.memref_slice %arg8[%dma_wait3A] : memref<256xi32, #tpu.memory_space<vmem>> -> memref<48xi32, #tpu.memory_space<vmem>>
          %dma_wait3A_233 = arith.constant 0 : i32
          %dma_wait3A_234 = tpu.memref_slice %arg8[%dma_wait3A_233] : memref<256xi32, #tpu.memory_space<vmem>> -> memref<48xi32, #tpu.memory_space<vmem>>
          tpu.wait_dma2 semaphore(%run_scoped3A : memref<!tpu.dma_semaphore, #tpu.memory_space<semaphore_mem>>) src(%dma_wait3A_234 : memref<48xi32, #tpu.memory_space<vmem>>) dst(%arg22 : memref<48xi32, #tpu.memory_space<vmem_shared>>)
          tpu.yield
        }) : () -> ()
      } else {
      }
      "tpu.region"() ({
        %run_scoped3A = tpu.sem_alloc : memref<!tpu.dma_semaphore, #tpu.memory_space<semaphore_mem>>
        %dma_start3A = tpu.memref_slice %arg2[%mul3A_2] : memref<4096xf32, #tpu.memory_space<hbm>> -> memref<256xf32, #tpu.memory_space<hbm>>
        %dma_start3A_229 = tpu.memref_slice %arg2[%mul3A_2] : memref<4096xf32, #tpu.memory_space<hbm>> -> memref<256xf32, #tpu.memory_space<hbm>>
        tpu.enqueue_dma source(%dma_start3A_229 : memref<256xf32, #tpu.memory_space<hbm>>) target(%arg4 : memref<256xf32, #tpu.memory_space<vmem>>) target_semaphore(%run_scoped3A : memref<!tpu.dma_semaphore, #tpu.memory_space<semaphore_mem>>)
        %dma_wait3A = tpu.memref_slice %arg2[%mul3A_2] : memref<4096xf32, #tpu.memory_space<hbm>> -> memref<256xf32, #tpu.memory_space<hbm>>
        %dma_wait3A_230 = tpu.memref_slice %arg2[%mul3A_2] : memref<4096xf32, #tpu.memory_space<hbm>> -> memref<256xf32, #tpu.memory_space<hbm>>
        tpu.wait_dma2 semaphore(%run_scoped3A : memref<!tpu.dma_semaphore, #tpu.memory_space<semaphore_mem>>) src(%dma_wait3A_230 : memref<256xf32, #tpu.memory_space<hbm>>) dst(%arg4 : memref<256xf32, #tpu.memory_space<vmem>>)
        tpu.yield
      }) : () -> ()
      %scan3A_22 = arith.constant 0 : i32
      %scan3A_23 = arith.constant 0 : i32
      %scan3A_24 = arith.constant 16 : i32
      %scan3A_25 = arith.addi %scan3A_23, %scan3A_24 : i32
      %scan3A_26 = arith.constant 1 : i32
      %scan3A_27 = scf.for %scan3A_229 = %scan3A_23 to %scan3A_25 step %scan3A_26 iter_args(%scan3A_230 = %scan3A_22) -> (i32)  : i32 {
        %mul3A_231 = arith.constant 16 : i32
        %mul3A_232 = arith.muli %scan3A_229, %mul3A_231 : i32
        %get3A_233 = arith.index_cast %mul3A_232 : i32 to index
        %get3A_234 = tpu.vector_load %arg4[%get3A_233] {strides = array<i32>} : memref<256xf32, #tpu.memory_space<vmem>>, vector<16xf32>,
        %bitcast_convert_type3A = tpu.bitcast %get3A_234 : vector<16xf32> -> vector<16xi32>
        %shift_right_arithmetic3A = arith.constant 31 : i32
        %shift_right_arithmetic3A_235 = vector.broadcast %shift_right_arithmetic3A : i32 to vector<16xi32>
        %shift_right_arithmetic3A_236 = arith.shrsi %bitcast_convert_type3A, %shift_right_arithmetic3A_235 : vector<16xi32>
        %and3A = arith.constant 2147483647 : i32
        %and3A_237 = vector.broadcast %and3A : i32 to vector<16xi32>
        %and3A_238 = arith.andi %shift_right_arithmetic3A_236, %and3A_237 : vector<16xi32>
        %xor3A_239 = arith.xori %bitcast_convert_type3A, %and3A_238 : vector<16xi32>
        %xor3A_240 = arith.constant -2147483648 : i32
        %xor3A_241 = vector.broadcast %xor3A_240 : i32 to vector<16xi32>
        %xor3A_242 = arith.xori %xor3A_239, %xor3A_241 : vector<16xi32>
        %mul3A_243 = arith.constant 16 : i32
        %mul3A_244 = arith.muli %scan3A_229, %mul3A_243 : i32
        %swap3A_245 = arith.index_cast %mul3A_244 : i32 to index
        %swap3A_246 = tpu.vector_load %arg5[%swap3A_245] {strides = array<i32>} : memref<256xi32, #tpu.memory_space<vmem>>, vector<16xi32>,
        tpu.vector_store %arg5[%swap3A_245], %xor3A_242 {strides = array<i32>} : memref<256xi32, #tpu.memory_space<vmem>>, vector<16xi32>,
        %scan3A_247 = arith.constant 0 : i32
        scf.yield %scan3A_247 : i32
      }
      %scan3A_28 = arith.constant 16 : i32
      %barrier3A = arith.constant 0 : index
      tpu.barrier barrier_id(%barrier3A)
      %scan3A_29 = arith.constant 0 : i32
      %scan3A_30 = arith.constant 0 : i32
      %scan3A_31 = arith.constant 16 : i32
      %scan3A_32 = arith.addi %scan3A_30, %scan3A_31 : i32
      %scan3A_33 = arith.constant 1 : i32
      %scan3A_34 = scf.for %scan3A_229 = %scan3A_30 to %scan3A_32 step %scan3A_33 iter_args(%scan3A_230 = %scan3A_29) -> (i32)  : i32 {
        %broadcast_in_dim3A_231 = arith.constant 0 : i32
        %broadcast_in_dim3A_232 = vector.broadcast %broadcast_in_dim3A_231 : i32 to vector<16xi32>
        %mul3A_233 = arith.constant 16 : i32
        %mul3A_234 = arith.muli %scan3A_229, %mul3A_233 : i32
        %swap3A_235 = arith.index_cast %mul3A_234 : i32 to index
        %swap3A_236 = tpu.vector_load %arg6[%swap3A_235] {strides = array<i32>} : memref<256xi32, #tpu.memory_space<vmem>>, vector<16xi32>,
        tpu.vector_store %arg6[%swap3A_235], %broadcast_in_dim3A_232 {strides = array<i32>} : memref<256xi32, #tpu.memory_space<vmem>>, vector<16xi32>,
        %scan3A_237 = arith.constant 0 : i32
        scf.yield %scan3A_237 : i32
      }
      %scan3A_35 = arith.constant 16 : i32
      %scan3A_36 = arith.constant 0 : i32
      %scan3A_37 = arith.constant 0 : i32
      %scan3A_38 = arith.constant 16 : i32
      %scan3A_39 = arith.addi %scan3A_37, %scan3A_38 : i32
      %scan3A_40 = arith.constant 1 : i32
      scf.for %scan3A_229 = %scan3A_37 to %scan3A_39 step %scan3A_40  : i32 {
        %mul3A_230 = arith.constant 16 : i32
        %mul3A_231 = arith.muli %scan3A_229, %mul3A_230 : i32
        %get3A_232 = arith.index_cast %mul3A_231 : i32 to index
        %get3A_233 = tpu.vector_load %arg5[%get3A_232] {strides = array<i32>} : memref<256xi32, #tpu.memory_space<vmem>>, vector<16xi32>,
        %shift_right_logical3A = arith.constant 24 : i32
        %shift_right_logical3A_234 = vector.broadcast %shift_right_logical3A : i32 to vector<16xi32>
        %shift_right_logical3A_235 = arith.shrui %get3A_233, %shift_right_logical3A_234 : vector<16xi32>
        %and3A = arith.constant 255 : i32
        %and3A_236 = vector.broadcast %and3A : i32 to vector<16xi32>
        %and3A_237 = arith.andi %shift_right_logical3A_235, %and3A_236 : vector<16xi32>
        tpu.vector_store_idx %arg6[%and3A_237], %broadcast_in_dim3A_3 {add = true} : memref<256xi32, #tpu.memory_space<vmem>>[vector<16xi32>], vector<16xi32>,
      }
      %scan3A_41 = arith.constant 16 : i32
      "tpu.region"() ({
        %run_scoped3A = tpu.sem_alloc : memref<!tpu.dma_semaphore, #tpu.memory_space<semaphore_mem>>
        %dma_start3A = arith.constant 0 : i32
        %dma_start3A_229 = tpu.memref_slice %arg6[%dma_start3A] : memref<256xi32, #tpu.memory_space<vmem>> -> memref<128xi32, #tpu.memory_space<vmem>>
        %dma_start3A_230 = arith.constant 0 : i32
        %dma_start3A_231 = tpu.memref_slice %arg18[%dma_start3A_230] : memref<256xi32, #tpu.memory_space<vmem_shared>> -> memref<256xi32, #tpu.memory_space<vmem_shared>>
        tpu.enqueue_indirect_dma source(%dma_start3A_229 : memref<128xi32, #tpu.memory_space<vmem>>) target(%dma_start3A_231 : memref<256xi32, #tpu.memory_space<vmem_shared>>) offsets(%arg12 : memref<128xi32, #tpu.memory_space<vmem>>) semaphore(%run_scoped3A : memref<!tpu.dma_semaphore, #tpu.memory_space<semaphore_mem>>) {add = true}
        %dma_wait3A = arith.constant 0 : i32
        %dma_wait3A_232 = tpu.memref_slice %arg6[%dma_wait3A] : memref<256xi32, #tpu.memory_space<vmem>> -> memref<128xi32, #tpu.memory_space<vmem>>
        %dma_wait3A_233 = arith.constant 0 : i32
        %dma_wait3A_234 = tpu.memref_slice %arg18[%dma_wait3A_233] : memref<256xi32, #tpu.memory_space<vmem_shared>> -> memref<256xi32, #tpu.memory_space<vmem_shared>>
        tpu.wait_indirect_dma semaphore(%run_scoped3A : memref<!tpu.dma_semaphore, #tpu.memory_space<semaphore_mem>>) src(%dma_wait3A_232 : memref<128xi32, #tpu.memory_space<vmem>>) dst(%dma_wait3A_234 : memref<256xi32, #tpu.memory_space<vmem_shared>>)
        tpu.yield
      }) : () -> ()
      "tpu.region"() ({
        %run_scoped3A = tpu.sem_alloc : memref<!tpu.dma_semaphore, #tpu.memory_space<semaphore_mem>>
        %dma_start3A = arith.constant 128 : i32
        %dma_start3A_229 = tpu.memref_slice %arg6[%dma_start3A] : memref<256xi32, #tpu.memory_space<vmem>> -> memref<128xi32, #tpu.memory_space<vmem>>
        %dma_start3A_230 = arith.constant 0 : i32
        %dma_start3A_231 = tpu.memref_slice %arg18[%dma_start3A_230] : memref<256xi32, #tpu.memory_space<vmem_shared>> -> memref<256xi32, #tpu.memory_space<vmem_shared>>
        tpu.enqueue_indirect_dma source(%dma_start3A_229 : memref<128xi32, #tpu.memory_space<vmem>>) target(%dma_start3A_231 : memref<256xi32, #tpu.memory_space<vmem_shared>>) offsets(%arg13 : memref<128xi32, #tpu.memory_space<vmem>>) semaphore(%run_scoped3A : memref<!tpu.dma_semaphore, #tpu.memory_space<semaphore_mem>>) {add = true}
        %dma_wait3A = arith.constant 128 : i32
        %dma_wait3A_232 = tpu.memref_slice %arg6[%dma_wait3A] : memref<256xi32, #tpu.memory_space<vmem>> -> memref<128xi32, #tpu.memory_space<vmem>>
        %dma_wait3A_233 = arith.constant 0 : i32
        %dma_wait3A_234 = tpu.memref_slice %arg18[%dma_wait3A_233] : memref<256xi32, #tpu.memory_space<vmem_shared>> -> memref<256xi32, #tpu.memory_space<vmem_shared>>
        tpu.wait_indirect_dma semaphore(%run_scoped3A : memref<!tpu.dma_semaphore, #tpu.memory_space<semaphore_mem>>) src(%dma_wait3A_232 : memref<128xi32, #tpu.memory_space<vmem>>) dst(%dma_wait3A_234 : memref<256xi32, #tpu.memory_space<vmem_shared>>)
        tpu.yield
      }) : () -> ()
      %barrier3A_42 = arith.constant 0 : index
      tpu.barrier barrier_id(%barrier3A_42)
      "tpu.region"() ({
        %run_scoped3A = tpu.sem_alloc : memref<!tpu.dma_semaphore, #tpu.memory_space<semaphore_mem>>
        tpu.enqueue_dma source(%arg18 : memref<256xi32, #tpu.memory_space<vmem_shared>>) target(%arg7 : memref<256xi32, #tpu.memory_space<vmem>>) target_semaphore(%run_scoped3A : memref<!tpu.dma_semaphore, #tpu.memory_space<semaphore_mem>>)
        tpu.wait_dma2 semaphore(%run_scoped3A : memref<!tpu.dma_semaphore, #tpu.memory_space<semaphore_mem>>) src(%arg18 : memref<256xi32, #tpu.memory_space<vmem_shared>>) dst(%arg7 : memref<256xi32, #tpu.memory_space<vmem>>)
        tpu.yield
      }) : () -> ()
      %scan3A_43 = arith.constant 512 : i32
      %scan3A_44 = arith.constant 0 : i32
      %scan3A_45 = arith.constant 0 : i32
      %scan3A_46 = arith.constant 0 : i32
      %scan3A_47 = arith.constant 0 : i32
      %scan3A_48 = arith.constant 0 : i32
      %scan3A_49 = arith.constant 16 : i32
      %scan3A_50 = arith.addi %scan3A_48, %scan3A_49 : i32
      %scan3A_51 = arith.constant 1 : i32
      %scan3A_52:4 = scf.for %scan3A_229 = %scan3A_48 to %scan3A_50 step %scan3A_51 iter_args(%scan3A_230 = %scan3A_44, %scan3A_231 = %scan3A_45, %scan3A_232 = %scan3A_46, %scan3A_233 = %scan3A_47) -> (i32, i32, i32, i32)  : i32 {
        %sub3A_234 = arith.constant 15 : i32
        %sub3A_235 = arith.subi %sub3A_234, %scan3A_229 : i32
        %mul3A_236 = arith.constant 16 : i32
        %mul3A_237 = arith.muli %sub3A_235, %mul3A_236 : i32
        %get3A_238 = arith.index_cast %mul3A_237 : i32 to index
        %get3A_239 = tpu.vector_load %arg7[%get3A_238] {strides = array<i32>} : memref<256xi32, #tpu.memory_space<vmem>>, vector<16xi32>,
        %rev3A = arith.constant 15 : i32
        %rev3A_240 = vector.broadcast %rev3A : i32 to vector<16xi32>
        %rev3A_241 = tpu.iota {dimensions = array<i32: 0>} : vector<16xi32>
        %rev3A_242 = arith.subi %rev3A_240, %rev3A_241 : vector<16xi32>
        %rev3A_243 = tpu.dynamic_gather %get3A_239[%rev3A_242] in [0] : vector<16xi32>, vector<16xi32> -> vector<16xi32>
        %broadcast_in_dim3A_244 = arith.constant true
        %broadcast_in_dim3A_245 = vector.broadcast %broadcast_in_dim3A_244 : i1 to vector<16xi1>
        %masked_cumsum3A_246 = tpu.scan <sum>, %rev3A_243 masked %broadcast_in_dim3A_245 : vector<16xi32>, vector<16xi1> -> vector<16xi32>
        %add3A_247 = vector.broadcast %scan3A_230 : i32 to vector<16xi32>
        %add3A_248 = arith.addi %add3A_247, %masked_cumsum3A_246 : vector<16xi32>
        %ge3A = vector.broadcast %scan3A_43 : i32 to vector<16xi32>
        %ge3A_249 = arith.cmpi sge, %add3A_248, %ge3A : vector<16xi32>
        %convert_element_type3A_250 = arith.extui %ge3A_249 : vector<16xi1> to vector<16xi32>
        %reduce_sum3A_251 = arith.constant true
        %reduce_sum3A_252 = vector.broadcast %reduce_sum3A_251 : i1 to vector<16xi1>
        %reduce_sum3A_253 = tpu.scan <sum>, %convert_element_type3A_250 masked %reduce_sum3A_252 : vector<16xi32>, vector<16xi1> -> vector<16xi32>
        %reduce_sum3A_254 = vector.extract %reduce_sum3A_253[15] : i32 from vector<16xi32>
        %all_reduce_ffs3A = tpu.all_reduce %ge3A_249 {dim = 0 : i64, kind = #tpu.reduction_kind<find_first_set>} : vector<16xi1> -> vector<16xi32>
        %reduce_max3A = arith.constant true
        %reduce_max3A_255 = vector.broadcast %reduce_max3A : i1 to vector<16xi1>
        %reduce_max3A_256 = arith.constant -2147483648 : i32
        %reduce_max3A_257 = vector.broadcast %reduce_max3A_256 : i32 to vector<16xi32>
        %reduce_max3A_258 = arith.xori %all_reduce_ffs3A, %reduce_max3A_257 : vector<16xi32>
        %reduce_max3A_259 = tpu.scan <max>, %reduce_max3A_258 masked %reduce_max3A_255 : vector<16xi32>, vector<16xi1> -> vector<16xi32>
        %reduce_max3A_260 = arith.xori %reduce_max3A_259, %reduce_max3A_257 : vector<16xi32>
        %reduce_max3A_261 = vector.extract %reduce_max3A_260[15] : i32 from vector<16xi32>
        %eq3A_262 = vector.broadcast %reduce_max3A_261 : i32 to vector<16xi32>
        %eq3A_263 = arith.cmpi eq, %iota3A, %eq3A_262 : vector<16xi32>
        %jit3A_264 = arith.constant 0 : i32
        %broadcast_in_dim3A_265 = vector.broadcast %jit3A_264 : i32 to vector<16xi32>
        %select_n3A_266 = arith.select %eq3A_263, %masked_cumsum3A_246, %broadcast_in_dim3A_265 : vector<16xi1>, vector<16xi32>
        %reduce_sum3A_267 = arith.constant true
        %reduce_sum3A_268 = vector.broadcast %reduce_sum3A_267 : i1 to vector<16xi1>
        %reduce_sum3A_269 = tpu.scan <sum>, %select_n3A_266 masked %reduce_sum3A_268 : vector<16xi32>, vector<16xi1> -> vector<16xi32>
        %reduce_sum3A_270 = vector.extract %reduce_sum3A_269[15] : i32 from vector<16xi32>
        %sub3A_271 = arith.constant 15 : i32
        %sub3A_272 = arith.subi %sub3A_271, %reduce_max3A_261 : i32
        %eq3A_273 = vector.broadcast %sub3A_272 : i32 to vector<16xi32>
        %eq3A_274 = arith.cmpi eq, %iota3A, %eq3A_273 : vector<16xi32>
        %jit3A_275 = arith.constant 0 : i32
        %broadcast_in_dim3A_276 = vector.broadcast %jit3A_275 : i32 to vector<16xi32>
        %select_n3A_277 = arith.select %eq3A_274, %get3A_239, %broadcast_in_dim3A_276 : vector<16xi1>, vector<16xi32>
        %reduce_sum3A_278 = arith.constant true
        %reduce_sum3A_279 = vector.broadcast %reduce_sum3A_278 : i1 to vector<16xi1>
        %reduce_sum3A_280 = tpu.scan <sum>, %select_n3A_277 masked %reduce_sum3A_279 : vector<16xi32>, vector<16xi1> -> vector<16xi32>
        %reduce_sum3A_281 = vector.extract %reduce_sum3A_280[15] : i32 from vector<16xi32>
        %eq3A_282 = arith.constant 0 : i32
        %eq3A_283 = arith.cmpi eq, %scan3A_231, %eq3A_282 : i32
        %gt3A = arith.constant 0 : i32
        %gt3A_284 = arith.cmpi sgt, %reduce_sum3A_254, %gt3A : i32
        %and3A = arith.andi %eq3A_283, %gt3A_284 : i1
        %mul3A_285 = arith.constant 16 : i32
        %mul3A_286 = arith.muli %sub3A_235, %mul3A_285 : i32
        %add3A_287 = arith.constant 15 : i32
        %add3A_288 = arith.addi %mul3A_286, %add3A_287 : i32
        %sub3A_289 = arith.subi %add3A_288, %reduce_max3A_261 : i32
        %select_n3A_290 = arith.select %and3A, %sub3A_289, %scan3A_232 : i32
        %add3A_291 = arith.addi %scan3A_230, %reduce_sum3A_270 : i32
        %sub3A_292 = arith.subi %add3A_291, %reduce_sum3A_281 : i32
        %select_n3A_293 = arith.select %and3A, %sub3A_292, %scan3A_233 : i32
        %jit3A_294 = arith.constant 1 : i32
        %select_n3A_295 = arith.select %and3A, %jit3A_294, %scan3A_231 : i32
        %reduce_sum3A_296 = arith.constant true
        %reduce_sum3A_297 = vector.broadcast %reduce_sum3A_296 : i1 to vector<16xi1>
        %reduce_sum3A_298 = tpu.scan <sum>, %get3A_239 masked %reduce_sum3A_297 : vector<16xi32>, vector<16xi1> -> vector<16xi32>
        %reduce_sum3A_299 = vector.extract %reduce_sum3A_298[15] : i32 from vector<16xi32>
        %add3A_300 = arith.addi %scan3A_230, %reduce_sum3A_299 : i32
        scf.yield %add3A_300, %select_n3A_295, %select_n3A_290, %select_n3A_293 : i32, i32, i32, i32
      }
      %scan3A_53 = arith.constant 16 : i32
      %sub3A = arith.constant 512 : i32
      %sub3A_54 = arith.subi %sub3A, %scan3A_52#3 : i32
      %scan3A_55 = arith.constant 0 : i32
      %scan3A_56 = arith.constant 0 : i32
      %scan3A_57 = arith.constant 16 : i32
      %scan3A_58 = arith.addi %scan3A_56, %scan3A_57 : i32
      %scan3A_59 = arith.constant 1 : i32
      %scan3A_60 = scf.for %scan3A_229 = %scan3A_56 to %scan3A_58 step %scan3A_59 iter_args(%scan3A_230 = %scan3A_55) -> (i32)  : i32 {
        %broadcast_in_dim3A_231 = arith.constant 0 : i32
        %broadcast_in_dim3A_232 = vector.broadcast %broadcast_in_dim3A_231 : i32 to vector<16xi32>
        %mul3A_233 = arith.constant 16 : i32
        %mul3A_234 = arith.muli %scan3A_229, %mul3A_233 : i32
        %swap3A_235 = arith.index_cast %mul3A_234 : i32 to index
        %swap3A_236 = tpu.vector_load %arg6[%swap3A_235] {strides = array<i32>} : memref<256xi32, #tpu.memory_space<vmem>>, vector<16xi32>,
        tpu.vector_store %arg6[%swap3A_235], %broadcast_in_dim3A_232 {strides = array<i32>} : memref<256xi32, #tpu.memory_space<vmem>>, vector<16xi32>,
        %scan3A_237 = arith.constant 0 : i32
        scf.yield %scan3A_237 : i32
      }
      %scan3A_61 = arith.constant 16 : i32
      %scan3A_62 = arith.constant 0 : i32
      %scan3A_63 = arith.constant 16 : i32
      %scan3A_64 = arith.addi %scan3A_62, %scan3A_63 : i32
      %scan3A_65 = arith.constant 1 : i32
      scf.for %scan3A_229 = %scan3A_62 to %scan3A_64 step %scan3A_65  : i32 {
        %mul3A_230 = arith.constant 16 : i32
        %mul3A_231 = arith.muli %scan3A_229, %mul3A_230 : i32
        %get3A_232 = arith.index_cast %mul3A_231 : i32 to index
        %get3A_233 = tpu.vector_load %arg5[%get3A_232] {strides = array<i32>} : memref<256xi32, #tpu.memory_space<vmem>>, vector<16xi32>,
        %shift_right_logical3A = arith.constant 16 : i32
        %shift_right_logical3A_234 = vector.broadcast %shift_right_logical3A : i32 to vector<16xi32>
        %shift_right_logical3A_235 = arith.shrui %get3A_233, %shift_right_logical3A_234 : vector<16xi32>
        %and3A = arith.constant 255 : i32
        %and3A_236 = vector.broadcast %and3A : i32 to vector<16xi32>
        %and3A_237 = arith.andi %shift_right_logical3A_235, %and3A_236 : vector<16xi32>
        %shift_right_logical3A_238 = arith.constant 24 : i32
        %shift_right_logical3A_239 = vector.broadcast %shift_right_logical3A_238 : i32 to vector<16xi32>
        %shift_right_logical3A_240 = arith.shrui %get3A_233, %shift_right_logical3A_239 : vector<16xi32>
        %eq3A_241 = vector.broadcast %scan3A_52#2 : i32 to vector<16xi32>
        %eq3A_242 = arith.cmpi eq, %shift_right_logical3A_240, %eq3A_241 : vector<16xi32>
        tpu.vector_store_idx %arg6[%and3A_237], %broadcast_in_dim3A_3 masked %eq3A_242 {add = true} : memref<256xi32, #tpu.memory_space<vmem>>[vector<16xi32>], vector<16xi32>, vector<16xi1>
      }
      %scan3A_66 = arith.constant 16 : i32
      "tpu.region"() ({
        %run_scoped3A = tpu.sem_alloc : memref<!tpu.dma_semaphore, #tpu.memory_space<semaphore_mem>>
        %dma_start3A = arith.constant 0 : i32
        %dma_start3A_229 = tpu.memref_slice %arg6[%dma_start3A] : memref<256xi32, #tpu.memory_space<vmem>> -> memref<128xi32, #tpu.memory_space<vmem>>
        %dma_start3A_230 = arith.constant 0 : i32
        %dma_start3A_231 = tpu.memref_slice %arg19[%dma_start3A_230] : memref<256xi32, #tpu.memory_space<vmem_shared>> -> memref<256xi32, #tpu.memory_space<vmem_shared>>
        tpu.enqueue_indirect_dma source(%dma_start3A_229 : memref<128xi32, #tpu.memory_space<vmem>>) target(%dma_start3A_231 : memref<256xi32, #tpu.memory_space<vmem_shared>>) offsets(%arg12 : memref<128xi32, #tpu.memory_space<vmem>>) semaphore(%run_scoped3A : memref<!tpu.dma_semaphore, #tpu.memory_space<semaphore_mem>>) {add = true}
        %dma_wait3A = arith.constant 0 : i32
        %dma_wait3A_232 = tpu.memref_slice %arg6[%dma_wait3A] : memref<256xi32, #tpu.memory_space<vmem>> -> memref<128xi32, #tpu.memory_space<vmem>>
        %dma_wait3A_233 = arith.constant 0 : i32
        %dma_wait3A_234 = tpu.memref_slice %arg19[%dma_wait3A_233] : memref<256xi32, #tpu.memory_space<vmem_shared>> -> memref<256xi32, #tpu.memory_space<vmem_shared>>
        tpu.wait_indirect_dma semaphore(%run_scoped3A : memref<!tpu.dma_semaphore, #tpu.memory_space<semaphore_mem>>) src(%dma_wait3A_232 : memref<128xi32, #tpu.memory_space<vmem>>) dst(%dma_wait3A_234 : memref<256xi32, #tpu.memory_space<vmem_shared>>)
        tpu.yield
      }) : () -> ()
      "tpu.region"() ({
        %run_scoped3A = tpu.sem_alloc : memref<!tpu.dma_semaphore, #tpu.memory_space<semaphore_mem>>
        %dma_start3A = arith.constant 128 : i32
        %dma_start3A_229 = tpu.memref_slice %arg6[%dma_start3A] : memref<256xi32, #tpu.memory_space<vmem>> -> memref<128xi32, #tpu.memory_space<vmem>>
        %dma_start3A_230 = arith.constant 0 : i32
        %dma_start3A_231 = tpu.memref_slice %arg19[%dma_start3A_230] : memref<256xi32, #tpu.memory_space<vmem_shared>> -> memref<256xi32, #tpu.memory_space<vmem_shared>>
        tpu.enqueue_indirect_dma source(%dma_start3A_229 : memref<128xi32, #tpu.memory_space<vmem>>) target(%dma_start3A_231 : memref<256xi32, #tpu.memory_space<vmem_shared>>) offsets(%arg13 : memref<128xi32, #tpu.memory_space<vmem>>) semaphore(%run_scoped3A : memref<!tpu.dma_semaphore, #tpu.memory_space<semaphore_mem>>) {add = true}
        %dma_wait3A = arith.constant 128 : i32
        %dma_wait3A_232 = tpu.memref_slice %arg6[%dma_wait3A] : memref<256xi32, #tpu.memory_space<vmem>> -> memref<128xi32, #tpu.memory_space<vmem>>
        %dma_wait3A_233 = arith.constant 0 : i32
        %dma_wait3A_234 = tpu.memref_slice %arg19[%dma_wait3A_233] : memref<256xi32, #tpu.memory_space<vmem_shared>> -> memref<256xi32, #tpu.memory_space<vmem_shared>>
        tpu.wait_indirect_dma semaphore(%run_scoped3A : memref<!tpu.dma_semaphore, #tpu.memory_space<semaphore_mem>>) src(%dma_wait3A_232 : memref<128xi32, #tpu.memory_space<vmem>>) dst(%dma_wait3A_234 : memref<256xi32, #tpu.memory_space<vmem_shared>>)
        tpu.yield
      }) : () -> ()
      %barrier3A_67 = arith.constant 0 : index
      tpu.barrier barrier_id(%barrier3A_67)
      "tpu.region"() ({
        %run_scoped3A = tpu.sem_alloc : memref<!tpu.dma_semaphore, #tpu.memory_space<semaphore_mem>>
        tpu.enqueue_dma source(%arg19 : memref<256xi32, #tpu.memory_space<vmem_shared>>) target(%arg7 : memref<256xi32, #tpu.memory_space<vmem>>) target_semaphore(%run_scoped3A : memref<!tpu.dma_semaphore, #tpu.memory_space<semaphore_mem>>)
        tpu.wait_dma2 semaphore(%run_scoped3A : memref<!tpu.dma_semaphore, #tpu.memory_space<semaphore_mem>>) src(%arg19 : memref<256xi32, #tpu.memory_space<vmem_shared>>) dst(%arg7 : memref<256xi32, #tpu.memory_space<vmem>>)
        tpu.yield
      }) : () -> ()
      %scan3A_68 = arith.constant 0 : i32
      %scan3A_69 = arith.constant 0 : i32
      %scan3A_70 = arith.constant 0 : i32
      %scan3A_71 = arith.constant 0 : i32
      %scan3A_72 = arith.constant 0 : i32
      %scan3A_73 = arith.constant 16 : i32
      %scan3A_74 = arith.addi %scan3A_72, %scan3A_73 : i32
      %scan3A_75 = arith.constant 1 : i32
      %scan3A_76:4 = scf.for %scan3A_229 = %scan3A_72 to %scan3A_74 step %scan3A_75 iter_args(%scan3A_230 = %scan3A_68, %scan3A_231 = %scan3A_69, %scan3A_232 = %scan3A_70, %scan3A_233 = %scan3A_71) -> (i32, i32, i32, i32)  : i32 {
        %sub3A_234 = arith.constant 15 : i32
        %sub3A_235 = arith.subi %sub3A_234, %scan3A_229 : i32
        %mul3A_236 = arith.constant 16 : i32
        %mul3A_237 = arith.muli %sub3A_235, %mul3A_236 : i32
        %get3A_238 = arith.index_cast %mul3A_237 : i32 to index
        %get3A_239 = tpu.vector_load %arg7[%get3A_238] {strides = array<i32>} : memref<256xi32, #tpu.memory_space<vmem>>, vector<16xi32>,
        %rev3A = arith.constant 15 : i32
        %rev3A_240 = vector.broadcast %rev3A : i32 to vector<16xi32>
        %rev3A_241 = tpu.iota {dimensions = array<i32: 0>} : vector<16xi32>
        %rev3A_242 = arith.subi %rev3A_240, %rev3A_241 : vector<16xi32>
        %rev3A_243 = tpu.dynamic_gather %get3A_239[%rev3A_242] in [0] : vector<16xi32>, vector<16xi32> -> vector<16xi32>
        %broadcast_in_dim3A_244 = arith.constant true
        %broadcast_in_dim3A_245 = vector.broadcast %broadcast_in_dim3A_244 : i1 to vector<16xi1>
        %masked_cumsum3A_246 = tpu.scan <sum>, %rev3A_243 masked %broadcast_in_dim3A_245 : vector<16xi32>, vector<16xi1> -> vector<16xi32>
        %add3A_247 = vector.broadcast %scan3A_230 : i32 to vector<16xi32>
        %add3A_248 = arith.addi %add3A_247, %masked_cumsum3A_246 : vector<16xi32>
        %ge3A = vector.broadcast %sub3A_54 : i32 to vector<16xi32>
        %ge3A_249 = arith.cmpi sge, %add3A_248, %ge3A : vector<16xi32>
        %convert_element_type3A_250 = arith.extui %ge3A_249 : vector<16xi1> to vector<16xi32>
        %reduce_sum3A_251 = arith.constant true
        %reduce_sum3A_252 = vector.broadcast %reduce_sum3A_251 : i1 to vector<16xi1>
        %reduce_sum3A_253 = tpu.scan <sum>, %convert_element_type3A_250 masked %reduce_sum3A_252 : vector<16xi32>, vector<16xi1> -> vector<16xi32>
        %reduce_sum3A_254 = vector.extract %reduce_sum3A_253[15] : i32 from vector<16xi32>
        %all_reduce_ffs3A = tpu.all_reduce %ge3A_249 {dim = 0 : i64, kind = #tpu.reduction_kind<find_first_set>} : vector<16xi1> -> vector<16xi32>
        %reduce_max3A = arith.constant true
        %reduce_max3A_255 = vector.broadcast %reduce_max3A : i1 to vector<16xi1>
        %reduce_max3A_256 = arith.constant -2147483648 : i32
        %reduce_max3A_257 = vector.broadcast %reduce_max3A_256 : i32 to vector<16xi32>
        %reduce_max3A_258 = arith.xori %all_reduce_ffs3A, %reduce_max3A_257 : vector<16xi32>
        %reduce_max3A_259 = tpu.scan <max>, %reduce_max3A_258 masked %reduce_max3A_255 : vector<16xi32>, vector<16xi1> -> vector<16xi32>
        %reduce_max3A_260 = arith.xori %reduce_max3A_259, %reduce_max3A_257 : vector<16xi32>
        %reduce_max3A_261 = vector.extract %reduce_max3A_260[15] : i32 from vector<16xi32>
        %eq3A_262 = vector.broadcast %reduce_max3A_261 : i32 to vector<16xi32>
        %eq3A_263 = arith.cmpi eq, %iota3A, %eq3A_262 : vector<16xi32>
        %jit3A_264 = arith.constant 0 : i32
        %broadcast_in_dim3A_265 = vector.broadcast %jit3A_264 : i32 to vector<16xi32>
        %select_n3A_266 = arith.select %eq3A_263, %masked_cumsum3A_246, %broadcast_in_dim3A_265 : vector<16xi1>, vector<16xi32>
        %reduce_sum3A_267 = arith.constant true
        %reduce_sum3A_268 = vector.broadcast %reduce_sum3A_267 : i1 to vector<16xi1>
        %reduce_sum3A_269 = tpu.scan <sum>, %select_n3A_266 masked %reduce_sum3A_268 : vector<16xi32>, vector<16xi1> -> vector<16xi32>
        %reduce_sum3A_270 = vector.extract %reduce_sum3A_269[15] : i32 from vector<16xi32>
        %sub3A_271 = arith.constant 15 : i32
        %sub3A_272 = arith.subi %sub3A_271, %reduce_max3A_261 : i32
        %eq3A_273 = vector.broadcast %sub3A_272 : i32 to vector<16xi32>
        %eq3A_274 = arith.cmpi eq, %iota3A, %eq3A_273 : vector<16xi32>
        %jit3A_275 = arith.constant 0 : i32
        %broadcast_in_dim3A_276 = vector.broadcast %jit3A_275 : i32 to vector<16xi32>
        %select_n3A_277 = arith.select %eq3A_274, %get3A_239, %broadcast_in_dim3A_276 : vector<16xi1>, vector<16xi32>
        %reduce_sum3A_278 = arith.constant true
        %reduce_sum3A_279 = vector.broadcast %reduce_sum3A_278 : i1 to vector<16xi1>
        %reduce_sum3A_280 = tpu.scan <sum>, %select_n3A_277 masked %reduce_sum3A_279 : vector<16xi32>, vector<16xi1> -> vector<16xi32>
        %reduce_sum3A_281 = vector.extract %reduce_sum3A_280[15] : i32 from vector<16xi32>
        %eq3A_282 = arith.constant 0 : i32
        %eq3A_283 = arith.cmpi eq, %scan3A_231, %eq3A_282 : i32
        %gt3A = arith.constant 0 : i32
        %gt3A_284 = arith.cmpi sgt, %reduce_sum3A_254, %gt3A : i32
        %and3A = arith.andi %eq3A_283, %gt3A_284 : i1
        %mul3A_285 = arith.constant 16 : i32
        %mul3A_286 = arith.muli %sub3A_235, %mul3A_285 : i32
        %add3A_287 = arith.constant 15 : i32
        %add3A_288 = arith.addi %mul3A_286, %add3A_287 : i32
        %sub3A_289 = arith.subi %add3A_288, %reduce_max3A_261 : i32
        %select_n3A_290 = arith.select %and3A, %sub3A_289, %scan3A_232 : i32
        %add3A_291 = arith.addi %scan3A_230, %reduce_sum3A_270 : i32
        %sub3A_292 = arith.subi %add3A_291, %reduce_sum3A_281 : i32
        %select_n3A_293 = arith.select %and3A, %sub3A_292, %scan3A_233 : i32
        %jit3A_294 = arith.constant 1 : i32
        %select_n3A_295 = arith.select %and3A, %jit3A_294, %scan3A_231 : i32
        %reduce_sum3A_296 = arith.constant true
        %reduce_sum3A_297 = vector.broadcast %reduce_sum3A_296 : i1 to vector<16xi1>
        %reduce_sum3A_298 = tpu.scan <sum>, %get3A_239 masked %reduce_sum3A_297 : vector<16xi32>, vector<16xi1> -> vector<16xi32>
        %reduce_sum3A_299 = vector.extract %reduce_sum3A_298[15] : i32 from vector<16xi32>
        %add3A_300 = arith.addi %scan3A_230, %reduce_sum3A_299 : i32
        scf.yield %add3A_300, %select_n3A_295, %select_n3A_290, %select_n3A_293 : i32, i32, i32, i32
      }
      %scan3A_77 = arith.constant 16 : i32
      %shift_left3A = arith.constant 8 : i32
      %shift_left3A_78 = arith.shli %scan3A_52#2, %shift_left3A : i32
      %or3A = arith.ori %shift_left3A_78, %scan3A_76#2 : i32
      %sub3A_79 = arith.subi %sub3A_54, %scan3A_76#3 : i32
      %scan3A_80 = arith.constant 0 : i32
      %scan3A_81 = arith.constant 0 : i32
      %scan3A_82 = arith.constant 16 : i32
      %scan3A_83 = arith.addi %scan3A_81, %scan3A_82 : i32
      %scan3A_84 = arith.constant 1 : i32
      %scan3A_85 = scf.for %scan3A_229 = %scan3A_81 to %scan3A_83 step %scan3A_84 iter_args(%scan3A_230 = %scan3A_80) -> (i32)  : i32 {
        %broadcast_in_dim3A_231 = arith.constant 0 : i32
        %broadcast_in_dim3A_232 = vector.broadcast %broadcast_in_dim3A_231 : i32 to vector<16xi32>
        %mul3A_233 = arith.constant 16 : i32
        %mul3A_234 = arith.muli %scan3A_229, %mul3A_233 : i32
        %swap3A_235 = arith.index_cast %mul3A_234 : i32 to index
        %swap3A_236 = tpu.vector_load %arg6[%swap3A_235] {strides = array<i32>} : memref<256xi32, #tpu.memory_space<vmem>>, vector<16xi32>,
        tpu.vector_store %arg6[%swap3A_235], %broadcast_in_dim3A_232 {strides = array<i32>} : memref<256xi32, #tpu.memory_space<vmem>>, vector<16xi32>,
        %scan3A_237 = arith.constant 0 : i32
        scf.yield %scan3A_237 : i32
      }
      %scan3A_86 = arith.constant 16 : i32
      %scan3A_87 = arith.constant 0 : i32
      %scan3A_88 = arith.constant 16 : i32
      %scan3A_89 = arith.addi %scan3A_87, %scan3A_88 : i32
      %scan3A_90 = arith.constant 1 : i32
      scf.for %scan3A_229 = %scan3A_87 to %scan3A_89 step %scan3A_90  : i32 {
        %mul3A_230 = arith.constant 16 : i32
        %mul3A_231 = arith.muli %scan3A_229, %mul3A_230 : i32
        %get3A_232 = arith.index_cast %mul3A_231 : i32 to index
        %get3A_233 = tpu.vector_load %arg5[%get3A_232] {strides = array<i32>} : memref<256xi32, #tpu.memory_space<vmem>>, vector<16xi32>,
        %shift_right_logical3A = arith.constant 8 : i32
        %shift_right_logical3A_234 = vector.broadcast %shift_right_logical3A : i32 to vector<16xi32>
        %shift_right_logical3A_235 = arith.shrui %get3A_233, %shift_right_logical3A_234 : vector<16xi32>
        %and3A = arith.constant 255 : i32
        %and3A_236 = vector.broadcast %and3A : i32 to vector<16xi32>
        %and3A_237 = arith.andi %shift_right_logical3A_235, %and3A_236 : vector<16xi32>
        %shift_right_logical3A_238 = arith.constant 16 : i32
        %shift_right_logical3A_239 = vector.broadcast %shift_right_logical3A_238 : i32 to vector<16xi32>
        %shift_right_logical3A_240 = arith.shrui %get3A_233, %shift_right_logical3A_239 : vector<16xi32>
        %eq3A_241 = vector.broadcast %or3A : i32 to vector<16xi32>
        %eq3A_242 = arith.cmpi eq, %shift_right_logical3A_240, %eq3A_241 : vector<16xi32>
        tpu.vector_store_idx %arg6[%and3A_237], %broadcast_in_dim3A_3 masked %eq3A_242 {add = true} : memref<256xi32, #tpu.memory_space<vmem>>[vector<16xi32>], vector<16xi32>, vector<16xi1>
      }
      %scan3A_91 = arith.constant 16 : i32
      "tpu.region"() ({
        %run_scoped3A = tpu.sem_alloc : memref<!tpu.dma_semaphore, #tpu.memory_space<semaphore_mem>>
        %dma_start3A = arith.constant 0 : i32
        %dma_start3A_229 = tpu.memref_slice %arg6[%dma_start3A] : memref<256xi32, #tpu.memory_space<vmem>> -> memref<128xi32, #tpu.memory_space<vmem>>
        %dma_start3A_230 = arith.constant 0 : i32
        %dma_start3A_231 = tpu.memref_slice %arg20[%dma_start3A_230] : memref<256xi32, #tpu.memory_space<vmem_shared>> -> memref<256xi32, #tpu.memory_space<vmem_shared>>
        tpu.enqueue_indirect_dma source(%dma_start3A_229 : memref<128xi32, #tpu.memory_space<vmem>>) target(%dma_start3A_231 : memref<256xi32, #tpu.memory_space<vmem_shared>>) offsets(%arg12 : memref<128xi32, #tpu.memory_space<vmem>>) semaphore(%run_scoped3A : memref<!tpu.dma_semaphore, #tpu.memory_space<semaphore_mem>>) {add = true}
        %dma_wait3A = arith.constant 0 : i32
        %dma_wait3A_232 = tpu.memref_slice %arg6[%dma_wait3A] : memref<256xi32, #tpu.memory_space<vmem>> -> memref<128xi32, #tpu.memory_space<vmem>>
        %dma_wait3A_233 = arith.constant 0 : i32
        %dma_wait3A_234 = tpu.memref_slice %arg20[%dma_wait3A_233] : memref<256xi32, #tpu.memory_space<vmem_shared>> -> memref<256xi32, #tpu.memory_space<vmem_shared>>
        tpu.wait_indirect_dma semaphore(%run_scoped3A : memref<!tpu.dma_semaphore, #tpu.memory_space<semaphore_mem>>) src(%dma_wait3A_232 : memref<128xi32, #tpu.memory_space<vmem>>) dst(%dma_wait3A_234 : memref<256xi32, #tpu.memory_space<vmem_shared>>)
        tpu.yield
      }) : () -> ()
      "tpu.region"() ({
        %run_scoped3A = tpu.sem_alloc : memref<!tpu.dma_semaphore, #tpu.memory_space<semaphore_mem>>
        %dma_start3A = arith.constant 128 : i32
        %dma_start3A_229 = tpu.memref_slice %arg6[%dma_start3A] : memref<256xi32, #tpu.memory_space<vmem>> -> memref<128xi32, #tpu.memory_space<vmem>>
        %dma_start3A_230 = arith.constant 0 : i32
        %dma_start3A_231 = tpu.memref_slice %arg20[%dma_start3A_230] : memref<256xi32, #tpu.memory_space<vmem_shared>> -> memref<256xi32, #tpu.memory_space<vmem_shared>>
        tpu.enqueue_indirect_dma source(%dma_start3A_229 : memref<128xi32, #tpu.memory_space<vmem>>) target(%dma_start3A_231 : memref<256xi32, #tpu.memory_space<vmem_shared>>) offsets(%arg13 : memref<128xi32, #tpu.memory_space<vmem>>) semaphore(%run_scoped3A : memref<!tpu.dma_semaphore, #tpu.memory_space<semaphore_mem>>) {add = true}
        %dma_wait3A = arith.constant 128 : i32
        %dma_wait3A_232 = tpu.memref_slice %arg6[%dma_wait3A] : memref<256xi32, #tpu.memory_space<vmem>> -> memref<128xi32, #tpu.memory_space<vmem>>
        %dma_wait3A_233 = arith.constant 0 : i32
        %dma_wait3A_234 = tpu.memref_slice %arg20[%dma_wait3A_233] : memref<256xi32, #tpu.memory_space<vmem_shared>> -> memref<256xi32, #tpu.memory_space<vmem_shared>>
        tpu.wait_indirect_dma semaphore(%run_scoped3A : memref<!tpu.dma_semaphore, #tpu.memory_space<semaphore_mem>>) src(%dma_wait3A_232 : memref<128xi32, #tpu.memory_space<vmem>>) dst(%dma_wait3A_234 : memref<256xi32, #tpu.memory_space<vmem_shared>>)
        tpu.yield
      }) : () -> ()
      %barrier3A_92 = arith.constant 0 : index
      tpu.barrier barrier_id(%barrier3A_92)
      "tpu.region"() ({
        %run_scoped3A = tpu.sem_alloc : memref<!tpu.dma_semaphore, #tpu.memory_space<semaphore_mem>>
        tpu.enqueue_dma source(%arg20 : memref<256xi32, #tpu.memory_space<vmem_shared>>) target(%arg7 : memref<256xi32, #tpu.memory_space<vmem>>) target_semaphore(%run_scoped3A : memref<!tpu.dma_semaphore, #tpu.memory_space<semaphore_mem>>)
        tpu.wait_dma2 semaphore(%run_scoped3A : memref<!tpu.dma_semaphore, #tpu.memory_space<semaphore_mem>>) src(%arg20 : memref<256xi32, #tpu.memory_space<vmem_shared>>) dst(%arg7 : memref<256xi32, #tpu.memory_space<vmem>>)
        tpu.yield
      }) : () -> ()
      %scan3A_93 = arith.constant 0 : i32
      %scan3A_94 = arith.constant 0 : i32
      %scan3A_95 = arith.constant 0 : i32
      %scan3A_96 = arith.constant 0 : i32
      %scan3A_97 = arith.constant 0 : i32
      %scan3A_98 = arith.constant 16 : i32
      %scan3A_99 = arith.addi %scan3A_97, %scan3A_98 : i32
      %scan3A_100 = arith.constant 1 : i32
      %scan3A_101:4 = scf.for %scan3A_229 = %scan3A_97 to %scan3A_99 step %scan3A_100 iter_args(%scan3A_230 = %scan3A_93, %scan3A_231 = %scan3A_94, %scan3A_232 = %scan3A_95, %scan3A_233 = %scan3A_96) -> (i32, i32, i32, i32)  : i32 {
        %sub3A_234 = arith.constant 15 : i32
        %sub3A_235 = arith.subi %sub3A_234, %scan3A_229 : i32
        %mul3A_236 = arith.constant 16 : i32
        %mul3A_237 = arith.muli %sub3A_235, %mul3A_236 : i32
        %get3A_238 = arith.index_cast %mul3A_237 : i32 to index
        %get3A_239 = tpu.vector_load %arg7[%get3A_238] {strides = array<i32>} : memref<256xi32, #tpu.memory_space<vmem>>, vector<16xi32>,
        %rev3A = arith.constant 15 : i32
        %rev3A_240 = vector.broadcast %rev3A : i32 to vector<16xi32>
        %rev3A_241 = tpu.iota {dimensions = array<i32: 0>} : vector<16xi32>
        %rev3A_242 = arith.subi %rev3A_240, %rev3A_241 : vector<16xi32>
        %rev3A_243 = tpu.dynamic_gather %get3A_239[%rev3A_242] in [0] : vector<16xi32>, vector<16xi32> -> vector<16xi32>
        %broadcast_in_dim3A_244 = arith.constant true
        %broadcast_in_dim3A_245 = vector.broadcast %broadcast_in_dim3A_244 : i1 to vector<16xi1>
        %masked_cumsum3A_246 = tpu.scan <sum>, %rev3A_243 masked %broadcast_in_dim3A_245 : vector<16xi32>, vector<16xi1> -> vector<16xi32>
        %add3A_247 = vector.broadcast %scan3A_230 : i32 to vector<16xi32>
        %add3A_248 = arith.addi %add3A_247, %masked_cumsum3A_246 : vector<16xi32>
        %ge3A = vector.broadcast %sub3A_79 : i32 to vector<16xi32>
        %ge3A_249 = arith.cmpi sge, %add3A_248, %ge3A : vector<16xi32>
        %convert_element_type3A_250 = arith.extui %ge3A_249 : vector<16xi1> to vector<16xi32>
        %reduce_sum3A_251 = arith.constant true
        %reduce_sum3A_252 = vector.broadcast %reduce_sum3A_251 : i1 to vector<16xi1>
        %reduce_sum3A_253 = tpu.scan <sum>, %convert_element_type3A_250 masked %reduce_sum3A_252 : vector<16xi32>, vector<16xi1> -> vector<16xi32>
        %reduce_sum3A_254 = vector.extract %reduce_sum3A_253[15] : i32 from vector<16xi32>
        %all_reduce_ffs3A = tpu.all_reduce %ge3A_249 {dim = 0 : i64, kind = #tpu.reduction_kind<find_first_set>} : vector<16xi1> -> vector<16xi32>
        %reduce_max3A = arith.constant true
        %reduce_max3A_255 = vector.broadcast %reduce_max3A : i1 to vector<16xi1>
        %reduce_max3A_256 = arith.constant -2147483648 : i32
        %reduce_max3A_257 = vector.broadcast %reduce_max3A_256 : i32 to vector<16xi32>
        %reduce_max3A_258 = arith.xori %all_reduce_ffs3A, %reduce_max3A_257 : vector<16xi32>
        %reduce_max3A_259 = tpu.scan <max>, %reduce_max3A_258 masked %reduce_max3A_255 : vector<16xi32>, vector<16xi1> -> vector<16xi32>
        %reduce_max3A_260 = arith.xori %reduce_max3A_259, %reduce_max3A_257 : vector<16xi32>
        %reduce_max3A_261 = vector.extract %reduce_max3A_260[15] : i32 from vector<16xi32>
        %eq3A_262 = vector.broadcast %reduce_max3A_261 : i32 to vector<16xi32>
        %eq3A_263 = arith.cmpi eq, %iota3A, %eq3A_262 : vector<16xi32>
        %jit3A_264 = arith.constant 0 : i32
        %broadcast_in_dim3A_265 = vector.broadcast %jit3A_264 : i32 to vector<16xi32>
        %select_n3A_266 = arith.select %eq3A_263, %masked_cumsum3A_246, %broadcast_in_dim3A_265 : vector<16xi1>, vector<16xi32>
        %reduce_sum3A_267 = arith.constant true
        %reduce_sum3A_268 = vector.broadcast %reduce_sum3A_267 : i1 to vector<16xi1>
        %reduce_sum3A_269 = tpu.scan <sum>, %select_n3A_266 masked %reduce_sum3A_268 : vector<16xi32>, vector<16xi1> -> vector<16xi32>
        %reduce_sum3A_270 = vector.extract %reduce_sum3A_269[15] : i32 from vector<16xi32>
        %sub3A_271 = arith.constant 15 : i32
        %sub3A_272 = arith.subi %sub3A_271, %reduce_max3A_261 : i32
        %eq3A_273 = vector.broadcast %sub3A_272 : i32 to vector<16xi32>
        %eq3A_274 = arith.cmpi eq, %iota3A, %eq3A_273 : vector<16xi32>
        %jit3A_275 = arith.constant 0 : i32
        %broadcast_in_dim3A_276 = vector.broadcast %jit3A_275 : i32 to vector<16xi32>
        %select_n3A_277 = arith.select %eq3A_274, %get3A_239, %broadcast_in_dim3A_276 : vector<16xi1>, vector<16xi32>
        %reduce_sum3A_278 = arith.constant true
        %reduce_sum3A_279 = vector.broadcast %reduce_sum3A_278 : i1 to vector<16xi1>
        %reduce_sum3A_280 = tpu.scan <sum>, %select_n3A_277 masked %reduce_sum3A_279 : vector<16xi32>, vector<16xi1> -> vector<16xi32>
        %reduce_sum3A_281 = vector.extract %reduce_sum3A_280[15] : i32 from vector<16xi32>
        %eq3A_282 = arith.constant 0 : i32
        %eq3A_283 = arith.cmpi eq, %scan3A_231, %eq3A_282 : i32
        %gt3A = arith.constant 0 : i32
        %gt3A_284 = arith.cmpi sgt, %reduce_sum3A_254, %gt3A : i32
        %and3A = arith.andi %eq3A_283, %gt3A_284 : i1
        %mul3A_285 = arith.constant 16 : i32
        %mul3A_286 = arith.muli %sub3A_235, %mul3A_285 : i32
        %add3A_287 = arith.constant 15 : i32
        %add3A_288 = arith.addi %mul3A_286, %add3A_287 : i32
        %sub3A_289 = arith.subi %add3A_288, %reduce_max3A_261 : i32
        %select_n3A_290 = arith.select %and3A, %sub3A_289, %scan3A_232 : i32
        %add3A_291 = arith.addi %scan3A_230, %reduce_sum3A_270 : i32
        %sub3A_292 = arith.subi %add3A_291, %reduce_sum3A_281 : i32
        %select_n3A_293 = arith.select %and3A, %sub3A_292, %scan3A_233 : i32
        %jit3A_294 = arith.constant 1 : i32
        %select_n3A_295 = arith.select %and3A, %jit3A_294, %scan3A_231 : i32
        %reduce_sum3A_296 = arith.constant true
        %reduce_sum3A_297 = vector.broadcast %reduce_sum3A_296 : i1 to vector<16xi1>
        %reduce_sum3A_298 = tpu.scan <sum>, %get3A_239 masked %reduce_sum3A_297 : vector<16xi32>, vector<16xi1> -> vector<16xi32>
        %reduce_sum3A_299 = vector.extract %reduce_sum3A_298[15] : i32 from vector<16xi32>
        %add3A_300 = arith.addi %scan3A_230, %reduce_sum3A_299 : i32
        scf.yield %add3A_300, %select_n3A_295, %select_n3A_290, %select_n3A_293 : i32, i32, i32, i32
      }
      %scan3A_102 = arith.constant 16 : i32
      %shift_left3A_103 = arith.constant 8 : i32
      %shift_left3A_104 = arith.shli %or3A, %shift_left3A_103 : i32
      %or3A_105 = arith.ori %shift_left3A_104, %scan3A_101#2 : i32
      %sub3A_106 = arith.subi %sub3A_79, %scan3A_101#3 : i32
      %scan3A_107 = arith.constant 0 : i32
      %scan3A_108 = arith.constant 0 : i32
      %scan3A_109 = arith.constant 16 : i32
      %scan3A_110 = arith.addi %scan3A_108, %scan3A_109 : i32
      %scan3A_111 = arith.constant 1 : i32
      %scan3A_112 = scf.for %scan3A_229 = %scan3A_108 to %scan3A_110 step %scan3A_111 iter_args(%scan3A_230 = %scan3A_107) -> (i32)  : i32 {
        %broadcast_in_dim3A_231 = arith.constant 0 : i32
        %broadcast_in_dim3A_232 = vector.broadcast %broadcast_in_dim3A_231 : i32 to vector<16xi32>
        %mul3A_233 = arith.constant 16 : i32
        %mul3A_234 = arith.muli %scan3A_229, %mul3A_233 : i32
        %swap3A_235 = arith.index_cast %mul3A_234 : i32 to index
        %swap3A_236 = tpu.vector_load %arg6[%swap3A_235] {strides = array<i32>} : memref<256xi32, #tpu.memory_space<vmem>>, vector<16xi32>,
        tpu.vector_store %arg6[%swap3A_235], %broadcast_in_dim3A_232 {strides = array<i32>} : memref<256xi32, #tpu.memory_space<vmem>>, vector<16xi32>,
        %scan3A_237 = arith.constant 0 : i32
        scf.yield %scan3A_237 : i32
      }
      %scan3A_113 = arith.constant 16 : i32
      %scan3A_114 = arith.constant 0 : i32
      %scan3A_115 = arith.constant 16 : i32
      %scan3A_116 = arith.addi %scan3A_114, %scan3A_115 : i32
      %scan3A_117 = arith.constant 1 : i32
      scf.for %scan3A_229 = %scan3A_114 to %scan3A_116 step %scan3A_117  : i32 {
        %mul3A_230 = arith.constant 16 : i32
        %mul3A_231 = arith.muli %scan3A_229, %mul3A_230 : i32
        %get3A_232 = arith.index_cast %mul3A_231 : i32 to index
        %get3A_233 = tpu.vector_load %arg5[%get3A_232] {strides = array<i32>} : memref<256xi32, #tpu.memory_space<vmem>>, vector<16xi32>,
        %shift_right_logical3A = arith.constant 0 : i32
        %shift_right_logical3A_234 = vector.broadcast %shift_right_logical3A : i32 to vector<16xi32>
        %shift_right_logical3A_235 = arith.shrui %get3A_233, %shift_right_logical3A_234 : vector<16xi32>
        %and3A = arith.constant 255 : i32
        %and3A_236 = vector.broadcast %and3A : i32 to vector<16xi32>
        %and3A_237 = arith.andi %shift_right_logical3A_235, %and3A_236 : vector<16xi32>
        %shift_right_logical3A_238 = arith.constant 8 : i32
        %shift_right_logical3A_239 = vector.broadcast %shift_right_logical3A_238 : i32 to vector<16xi32>
        %shift_right_logical3A_240 = arith.shrui %get3A_233, %shift_right_logical3A_239 : vector<16xi32>
        %eq3A_241 = vector.broadcast %or3A_105 : i32 to vector<16xi32>
        %eq3A_242 = arith.cmpi eq, %shift_right_logical3A_240, %eq3A_241 : vector<16xi32>
        tpu.vector_store_idx %arg6[%and3A_237], %broadcast_in_dim3A_3 masked %eq3A_242 {add = true} : memref<256xi32, #tpu.memory_space<vmem>>[vector<16xi32>], vector<16xi32>, vector<16xi1>
      }
      %scan3A_118 = arith.constant 16 : i32
      "tpu.region"() ({
        %run_scoped3A = tpu.sem_alloc : memref<!tpu.dma_semaphore, #tpu.memory_space<semaphore_mem>>
        %dma_start3A = arith.constant 0 : i32
        %dma_start3A_229 = tpu.memref_slice %arg6[%dma_start3A] : memref<256xi32, #tpu.memory_space<vmem>> -> memref<128xi32, #tpu.memory_space<vmem>>
        %dma_start3A_230 = arith.constant 0 : i32
        %dma_start3A_231 = tpu.memref_slice %arg21[%dma_start3A_230] : memref<256xi32, #tpu.memory_space<vmem_shared>> -> memref<256xi32, #tpu.memory_space<vmem_shared>>
        tpu.enqueue_indirect_dma source(%dma_start3A_229 : memref<128xi32, #tpu.memory_space<vmem>>) target(%dma_start3A_231 : memref<256xi32, #tpu.memory_space<vmem_shared>>) offsets(%arg12 : memref<128xi32, #tpu.memory_space<vmem>>) semaphore(%run_scoped3A : memref<!tpu.dma_semaphore, #tpu.memory_space<semaphore_mem>>) {add = true}
        %dma_wait3A = arith.constant 0 : i32
        %dma_wait3A_232 = tpu.memref_slice %arg6[%dma_wait3A] : memref<256xi32, #tpu.memory_space<vmem>> -> memref<128xi32, #tpu.memory_space<vmem>>
        %dma_wait3A_233 = arith.constant 0 : i32
        %dma_wait3A_234 = tpu.memref_slice %arg21[%dma_wait3A_233] : memref<256xi32, #tpu.memory_space<vmem_shared>> -> memref<256xi32, #tpu.memory_space<vmem_shared>>
        tpu.wait_indirect_dma semaphore(%run_scoped3A : memref<!tpu.dma_semaphore, #tpu.memory_space<semaphore_mem>>) src(%dma_wait3A_232 : memref<128xi32, #tpu.memory_space<vmem>>) dst(%dma_wait3A_234 : memref<256xi32, #tpu.memory_space<vmem_shared>>)
        tpu.yield
      }) : () -> ()
      "tpu.region"() ({
        %run_scoped3A = tpu.sem_alloc : memref<!tpu.dma_semaphore, #tpu.memory_space<semaphore_mem>>
        %dma_start3A = arith.constant 128 : i32
        %dma_start3A_229 = tpu.memref_slice %arg6[%dma_start3A] : memref<256xi32, #tpu.memory_space<vmem>> -> memref<128xi32, #tpu.memory_space<vmem>>
        %dma_start3A_230 = arith.constant 0 : i32
        %dma_start3A_231 = tpu.memref_slice %arg21[%dma_start3A_230] : memref<256xi32, #tpu.memory_space<vmem_shared>> -> memref<256xi32, #tpu.memory_space<vmem_shared>>
        tpu.enqueue_indirect_dma source(%dma_start3A_229 : memref<128xi32, #tpu.memory_space<vmem>>) target(%dma_start3A_231 : memref<256xi32, #tpu.memory_space<vmem_shared>>) offsets(%arg13 : memref<128xi32, #tpu.memory_space<vmem>>) semaphore(%run_scoped3A : memref<!tpu.dma_semaphore, #tpu.memory_space<semaphore_mem>>) {add = true}
        %dma_wait3A = arith.constant 128 : i32
        %dma_wait3A_232 = tpu.memref_slice %arg6[%dma_wait3A] : memref<256xi32, #tpu.memory_space<vmem>> -> memref<128xi32, #tpu.memory_space<vmem>>
        %dma_wait3A_233 = arith.constant 0 : i32
        %dma_wait3A_234 = tpu.memref_slice %arg21[%dma_wait3A_233] : memref<256xi32, #tpu.memory_space<vmem_shared>> -> memref<256xi32, #tpu.memory_space<vmem_shared>>
        tpu.wait_indirect_dma semaphore(%run_scoped3A : memref<!tpu.dma_semaphore, #tpu.memory_space<semaphore_mem>>) src(%dma_wait3A_232 : memref<128xi32, #tpu.memory_space<vmem>>) dst(%dma_wait3A_234 : memref<256xi32, #tpu.memory_space<vmem_shared>>)
        tpu.yield
      }) : () -> ()
      %barrier3A_119 = arith.constant 0 : index
      tpu.barrier barrier_id(%barrier3A_119)
      "tpu.region"() ({
        %run_scoped3A = tpu.sem_alloc : memref<!tpu.dma_semaphore, #tpu.memory_space<semaphore_mem>>
        tpu.enqueue_dma source(%arg21 : memref<256xi32, #tpu.memory_space<vmem_shared>>) target(%arg7 : memref<256xi32, #tpu.memory_space<vmem>>) target_semaphore(%run_scoped3A : memref<!tpu.dma_semaphore, #tpu.memory_space<semaphore_mem>>)
        tpu.wait_dma2 semaphore(%run_scoped3A : memref<!tpu.dma_semaphore, #tpu.memory_space<semaphore_mem>>) src(%arg21 : memref<256xi32, #tpu.memory_space<vmem_shared>>) dst(%arg7 : memref<256xi32, #tpu.memory_space<vmem>>)
        tpu.yield
      }) : () -> ()
      %scan3A_120 = arith.constant 0 : i32
      %scan3A_121 = arith.constant 0 : i32
      %scan3A_122 = arith.constant 0 : i32
      %scan3A_123 = arith.constant 0 : i32
      %scan3A_124 = arith.constant 0 : i32
      %scan3A_125 = arith.constant 16 : i32
      %scan3A_126 = arith.addi %scan3A_124, %scan3A_125 : i32
      %scan3A_127 = arith.constant 1 : i32
      %scan3A_128:4 = scf.for %scan3A_229 = %scan3A_124 to %scan3A_126 step %scan3A_127 iter_args(%scan3A_230 = %scan3A_120, %scan3A_231 = %scan3A_121, %scan3A_232 = %scan3A_122, %scan3A_233 = %scan3A_123) -> (i32, i32, i32, i32)  : i32 {
        %sub3A_234 = arith.constant 15 : i32
        %sub3A_235 = arith.subi %sub3A_234, %scan3A_229 : i32
        %mul3A_236 = arith.constant 16 : i32
        %mul3A_237 = arith.muli %sub3A_235, %mul3A_236 : i32
        %get3A_238 = arith.index_cast %mul3A_237 : i32 to index
        %get3A_239 = tpu.vector_load %arg7[%get3A_238] {strides = array<i32>} : memref<256xi32, #tpu.memory_space<vmem>>, vector<16xi32>,
        %rev3A = arith.constant 15 : i32
        %rev3A_240 = vector.broadcast %rev3A : i32 to vector<16xi32>
        %rev3A_241 = tpu.iota {dimensions = array<i32: 0>} : vector<16xi32>
        %rev3A_242 = arith.subi %rev3A_240, %rev3A_241 : vector<16xi32>
        %rev3A_243 = tpu.dynamic_gather %get3A_239[%rev3A_242] in [0] : vector<16xi32>, vector<16xi32> -> vector<16xi32>
        %broadcast_in_dim3A_244 = arith.constant true
        %broadcast_in_dim3A_245 = vector.broadcast %broadcast_in_dim3A_244 : i1 to vector<16xi1>
        %masked_cumsum3A_246 = tpu.scan <sum>, %rev3A_243 masked %broadcast_in_dim3A_245 : vector<16xi32>, vector<16xi1> -> vector<16xi32>
        %add3A_247 = vector.broadcast %scan3A_230 : i32 to vector<16xi32>
        %add3A_248 = arith.addi %add3A_247, %masked_cumsum3A_246 : vector<16xi32>
        %ge3A = vector.broadcast %sub3A_106 : i32 to vector<16xi32>
        %ge3A_249 = arith.cmpi sge, %add3A_248, %ge3A : vector<16xi32>
        %convert_element_type3A_250 = arith.extui %ge3A_249 : vector<16xi1> to vector<16xi32>
        %reduce_sum3A_251 = arith.constant true
        %reduce_sum3A_252 = vector.broadcast %reduce_sum3A_251 : i1 to vector<16xi1>
        %reduce_sum3A_253 = tpu.scan <sum>, %convert_element_type3A_250 masked %reduce_sum3A_252 : vector<16xi32>, vector<16xi1> -> vector<16xi32>
        %reduce_sum3A_254 = vector.extract %reduce_sum3A_253[15] : i32 from vector<16xi32>
        %all_reduce_ffs3A = tpu.all_reduce %ge3A_249 {dim = 0 : i64, kind = #tpu.reduction_kind<find_first_set>} : vector<16xi1> -> vector<16xi32>
        %reduce_max3A = arith.constant true
        %reduce_max3A_255 = vector.broadcast %reduce_max3A : i1 to vector<16xi1>
        %reduce_max3A_256 = arith.constant -2147483648 : i32
        %reduce_max3A_257 = vector.broadcast %reduce_max3A_256 : i32 to vector<16xi32>
        %reduce_max3A_258 = arith.xori %all_reduce_ffs3A, %reduce_max3A_257 : vector<16xi32>
        %reduce_max3A_259 = tpu.scan <max>, %reduce_max3A_258 masked %reduce_max3A_255 : vector<16xi32>, vector<16xi1> -> vector<16xi32>
        %reduce_max3A_260 = arith.xori %reduce_max3A_259, %reduce_max3A_257 : vector<16xi32>
        %reduce_max3A_261 = vector.extract %reduce_max3A_260[15] : i32 from vector<16xi32>
        %eq3A_262 = vector.broadcast %reduce_max3A_261 : i32 to vector<16xi32>
        %eq3A_263 = arith.cmpi eq, %iota3A, %eq3A_262 : vector<16xi32>
        %jit3A_264 = arith.constant 0 : i32
        %broadcast_in_dim3A_265 = vector.broadcast %jit3A_264 : i32 to vector<16xi32>
        %select_n3A_266 = arith.select %eq3A_263, %masked_cumsum3A_246, %broadcast_in_dim3A_265 : vector<16xi1>, vector<16xi32>
        %reduce_sum3A_267 = arith.constant true
        %reduce_sum3A_268 = vector.broadcast %reduce_sum3A_267 : i1 to vector<16xi1>
        %reduce_sum3A_269 = tpu.scan <sum>, %select_n3A_266 masked %reduce_sum3A_268 : vector<16xi32>, vector<16xi1> -> vector<16xi32>
        %reduce_sum3A_270 = vector.extract %reduce_sum3A_269[15] : i32 from vector<16xi32>
        %sub3A_271 = arith.constant 15 : i32
        %sub3A_272 = arith.subi %sub3A_271, %reduce_max3A_261 : i32
        %eq3A_273 = vector.broadcast %sub3A_272 : i32 to vector<16xi32>
        %eq3A_274 = arith.cmpi eq, %iota3A, %eq3A_273 : vector<16xi32>
        %jit3A_275 = arith.constant 0 : i32
        %broadcast_in_dim3A_276 = vector.broadcast %jit3A_275 : i32 to vector<16xi32>
        %select_n3A_277 = arith.select %eq3A_274, %get3A_239, %broadcast_in_dim3A_276 : vector<16xi1>, vector<16xi32>
        %reduce_sum3A_278 = arith.constant true
        %reduce_sum3A_279 = vector.broadcast %reduce_sum3A_278 : i1 to vector<16xi1>
        %reduce_sum3A_280 = tpu.scan <sum>, %select_n3A_277 masked %reduce_sum3A_279 : vector<16xi32>, vector<16xi1> -> vector<16xi32>
        %reduce_sum3A_281 = vector.extract %reduce_sum3A_280[15] : i32 from vector<16xi32>
        %eq3A_282 = arith.constant 0 : i32
        %eq3A_283 = arith.cmpi eq, %scan3A_231, %eq3A_282 : i32
        %gt3A = arith.constant 0 : i32
        %gt3A_284 = arith.cmpi sgt, %reduce_sum3A_254, %gt3A : i32
        %and3A = arith.andi %eq3A_283, %gt3A_284 : i1
        %mul3A_285 = arith.constant 16 : i32
        %mul3A_286 = arith.muli %sub3A_235, %mul3A_285 : i32
        %add3A_287 = arith.constant 15 : i32
        %add3A_288 = arith.addi %mul3A_286, %add3A_287 : i32
        %sub3A_289 = arith.subi %add3A_288, %reduce_max3A_261 : i32
        %select_n3A_290 = arith.select %and3A, %sub3A_289, %scan3A_232 : i32
        %add3A_291 = arith.addi %scan3A_230, %reduce_sum3A_270 : i32
        %sub3A_292 = arith.subi %add3A_291, %reduce_sum3A_281 : i32
        %select_n3A_293 = arith.select %and3A, %sub3A_292, %scan3A_233 : i32
        %jit3A_294 = arith.constant 1 : i32
        %select_n3A_295 = arith.select %and3A, %jit3A_294, %scan3A_231 : i32
        %reduce_sum3A_296 = arith.constant true
        %reduce_sum3A_297 = vector.broadcast %reduce_sum3A_296 : i1 to vector<16xi1>
        %reduce_sum3A_298 = tpu.scan <sum>, %get3A_239 masked %reduce_sum3A_297 : vector<16xi32>, vector<16xi1> -> vector<16xi32>
        %reduce_sum3A_299 = vector.extract %reduce_sum3A_298[15] : i32 from vector<16xi32>
        %add3A_300 = arith.addi %scan3A_230, %reduce_sum3A_299 : i32
        scf.yield %add3A_300, %select_n3A_295, %select_n3A_290, %select_n3A_293 : i32, i32, i32, i32
      }
      %scan3A_129 = arith.constant 16 : i32
      %shift_left3A_130 = arith.constant 8 : i32
      %shift_left3A_131 = arith.shli %or3A_105, %shift_left3A_130 : i32
      %or3A_132 = arith.ori %shift_left3A_131, %scan3A_128#2 : i32
      %sub3A_133 = arith.subi %sub3A_106, %scan3A_128#3 : i32
      %xor3A = arith.constant -2147483648 : i32
      %xor3A_134 = arith.xori %or3A_132, %xor3A : i32
      %scan3A_135 = arith.constant 0 : i32
      %scan3A_136 = arith.constant 0 : i32
      %scan3A_137 = arith.constant 0 : i32
      %scan3A_138 = arith.constant 16 : i32
      %scan3A_139 = arith.addi %scan3A_137, %scan3A_138 : i32
      %scan3A_140 = arith.constant 1 : i32
      %scan3A_141:2 = scf.for %scan3A_229 = %scan3A_137 to %scan3A_139 step %scan3A_140 iter_args(%scan3A_230 = %scan3A_135, %scan3A_231 = %scan3A_136) -> (i32, i32)  : i32 {
        %mul3A_232 = arith.constant 16 : i32
        %mul3A_233 = arith.muli %scan3A_229, %mul3A_232 : i32
        %get3A_234 = arith.index_cast %mul3A_233 : i32 to index
        %get3A_235 = tpu.vector_load %arg5[%get3A_234] {strides = array<i32>} : memref<256xi32, #tpu.memory_space<vmem>>, vector<16xi32>,
        %xor3A_236 = arith.constant -2147483648 : i32
        %xor3A_237 = vector.broadcast %xor3A_236 : i32 to vector<16xi32>
        %xor3A_238 = arith.xori %get3A_235, %xor3A_237 : vector<16xi32>
        %gt3A = vector.broadcast %xor3A_134 : i32 to vector<16xi32>
        %gt3A_239 = arith.cmpi sgt, %xor3A_238, %gt3A : vector<16xi32>
        %eq3A_240 = vector.broadcast %or3A_132 : i32 to vector<16xi32>
        %eq3A_241 = arith.cmpi eq, %get3A_235, %eq3A_240 : vector<16xi32>
        %convert_element_type3A_242 = arith.extui %gt3A_239 : vector<16xi1> to vector<16xi32>
        %reduce_sum3A_243 = arith.constant true
        %reduce_sum3A_244 = vector.broadcast %reduce_sum3A_243 : i1 to vector<16xi1>
        %reduce_sum3A_245 = tpu.scan <sum>, %convert_element_type3A_242 masked %reduce_sum3A_244 : vector<16xi32>, vector<16xi1> -> vector<16xi32>
        %reduce_sum3A_246 = vector.extract %reduce_sum3A_245[15] : i32 from vector<16xi32>
        %add3A_247 = arith.addi %scan3A_230, %reduce_sum3A_246 : i32
        %convert_element_type3A_248 = arith.extui %eq3A_241 : vector<16xi1> to vector<16xi32>
        %reduce_sum3A_249 = arith.constant true
        %reduce_sum3A_250 = vector.broadcast %reduce_sum3A_249 : i1 to vector<16xi1>
        %reduce_sum3A_251 = tpu.scan <sum>, %convert_element_type3A_248 masked %reduce_sum3A_250 : vector<16xi32>, vector<16xi1> -> vector<16xi32>
        %reduce_sum3A_252 = vector.extract %reduce_sum3A_251[15] : i32 from vector<16xi32>
        %add3A_253 = arith.addi %scan3A_231, %reduce_sum3A_252 : i32
        scf.yield %add3A_247, %add3A_253 : i32, i32
      }
      %scan3A_142 = arith.constant 16 : i32
      %eq3A_143 = arith.constant 0 : i32
      %eq3A_144 = vector.broadcast %eq3A_143 : i32 to vector<16xi32>
      %eq3A_145 = arith.cmpi eq, %iota3A, %eq3A_144 : vector<16xi32>
      %eq3A_146 = arith.constant 1 : i32
      %eq3A_147 = vector.broadcast %eq3A_146 : i32 to vector<16xi32>
      %eq3A_148 = arith.cmpi eq, %iota3A, %eq3A_147 : vector<16xi32>
      %jit3A = arith.constant 0 : i32
      %broadcast_in_dim3A_149 = vector.broadcast %scan3A_141#1 : i32 to vector<16xi32>
      %broadcast_in_dim3A_150 = vector.broadcast %jit3A : i32 to vector<16xi32>
      %select_n3A = arith.select %eq3A_148, %broadcast_in_dim3A_149, %broadcast_in_dim3A_150 : vector<16xi1>, vector<16xi32>
      %broadcast_in_dim3A_151 = vector.broadcast %scan3A_141#0 : i32 to vector<16xi32>
      %select_n3A_152 = arith.select %eq3A_145, %broadcast_in_dim3A_151, %select_n3A : vector<16xi1>, vector<16xi32>
      %swap3A = arith.constant 0 : index
      %swap3A_153 = tpu.vector_load %arg9[%swap3A] {strides = array<i32>} : memref<16xi32, #tpu.memory_space<vmem>>, vector<16xi32>,
      tpu.vector_store %arg9[%swap3A], %select_n3A_152 {strides = array<i32>} : memref<16xi32, #tpu.memory_space<vmem>>, vector<16xi32>,
      %eq3A_154 = arith.constant 0 : i32
      %eq3A_155 = vector.broadcast %eq3A_154 : i32 to vector<16xi32>
      %eq3A_156 = arith.cmpi eq, %iota3A, %eq3A_155 : vector<16xi32>
      %eq3A_157 = arith.constant 1 : i32
      %eq3A_158 = vector.broadcast %eq3A_157 : i32 to vector<16xi32>
      %eq3A_159 = arith.cmpi eq, %iota3A, %eq3A_158 : vector<16xi32>
      %add3A = arith.constant 16 : i32
      %add3A_160 = arith.addi %add3A, %arg1 : i32
      %add3A_161 = arith.constant 32 : i32
      %add3A_162 = vector.broadcast %add3A_161 : i32 to vector<16xi32>
      %add3A_163 = arith.addi %add3A_162, %iota3A : vector<16xi32>
      %broadcast_in_dim3A_164 = vector.broadcast %add3A_160 : i32 to vector<16xi32>
      %select_n3A_165 = arith.select %eq3A_159, %broadcast_in_dim3A_164, %add3A_163 : vector<16xi1>, vector<16xi32>
      %broadcast_in_dim3A_166 = vector.broadcast %arg1 : i32 to vector<16xi32>
      %select_n3A_167 = arith.select %eq3A_156, %broadcast_in_dim3A_166, %select_n3A_165 : vector<16xi1>, vector<16xi32>
      %swap3A_168 = arith.constant 0 : index
      %swap3A_169 = tpu.vector_load %arg10[%swap3A_168] {strides = array<i32>} : memref<16xi32, #tpu.memory_space<vmem>>, vector<16xi32>,
      tpu.vector_store %arg10[%swap3A_168], %select_n3A_167 {strides = array<i32>} : memref<16xi32, #tpu.memory_space<vmem>>, vector<16xi32>,
      "tpu.region"() ({
        %run_scoped3A = tpu.sem_alloc : memref<!tpu.dma_semaphore, #tpu.memory_space<semaphore_mem>>
        %dma_start3A = arith.constant 0 : i32
        %dma_start3A_229 = tpu.memref_slice %arg22[%dma_start3A] : memref<48xi32, #tpu.memory_space<vmem_shared>> -> memref<48xi32, #tpu.memory_space<vmem_shared>>
        tpu.enqueue_indirect_dma source(%arg9 : memref<16xi32, #tpu.memory_space<vmem>>) target(%dma_start3A_229 : memref<48xi32, #tpu.memory_space<vmem_shared>>) offsets(%arg10 : memref<16xi32, #tpu.memory_space<vmem>>) semaphore(%run_scoped3A : memref<!tpu.dma_semaphore, #tpu.memory_space<semaphore_mem>>) {add = true}
        %dma_wait3A = arith.constant 0 : i32
        %dma_wait3A_230 = tpu.memref_slice %arg22[%dma_wait3A] : memref<48xi32, #tpu.memory_space<vmem_shared>> -> memref<48xi32, #tpu.memory_space<vmem_shared>>
        tpu.wait_indirect_dma semaphore(%run_scoped3A : memref<!tpu.dma_semaphore, #tpu.memory_space<semaphore_mem>>) src(%arg9 : memref<16xi32, #tpu.memory_space<vmem>>) dst(%dma_wait3A_230 : memref<48xi32, #tpu.memory_space<vmem_shared>>)
        tpu.yield
      }) : () -> ()
      %barrier3A_170 = arith.constant 0 : index
      tpu.barrier barrier_id(%barrier3A_170)
      "tpu.region"() ({
        %run_scoped3A = tpu.sem_alloc : memref<!tpu.dma_semaphore, #tpu.memory_space<semaphore_mem>>
        tpu.enqueue_dma source(%arg22 : memref<48xi32, #tpu.memory_space<vmem_shared>>) target(%arg11 : memref<48xi32, #tpu.memory_space<vmem>>) target_semaphore(%run_scoped3A : memref<!tpu.dma_semaphore, #tpu.memory_space<semaphore_mem>>)
        tpu.wait_dma2 semaphore(%run_scoped3A : memref<!tpu.dma_semaphore, #tpu.memory_space<semaphore_mem>>) src(%arg22 : memref<48xi32, #tpu.memory_space<vmem_shared>>) dst(%arg11 : memref<48xi32, #tpu.memory_space<vmem>>)
        tpu.yield
      }) : () -> ()
      %get3A = arith.constant 0 : index
      %get3A_171 = tpu.vector_load %arg11[%get3A] {strides = array<i32>} : memref<48xi32, #tpu.memory_space<vmem>>, vector<16xi32>,
      %get3A_172 = arith.constant 16 : index
      %get3A_173 = tpu.vector_load %arg11[%get3A_172] {strides = array<i32>} : memref<48xi32, #tpu.memory_space<vmem>>, vector<16xi32>,
      %reduce_sum3A = arith.constant true
      %reduce_sum3A_174 = vector.broadcast %reduce_sum3A : i1 to vector<16xi1>
      %reduce_sum3A_175 = tpu.scan <sum>, %get3A_171 masked %reduce_sum3A_174 : vector<16xi32>, vector<16xi1> -> vector<16xi32>
      %reduce_sum3A_176 = vector.extract %reduce_sum3A_175[15] : i32 from vector<16xi32>
      %sub3A_177 = arith.constant 512 : i32
      %sub3A_178 = arith.subi %sub3A_177, %reduce_sum3A_176 : i32
      %eq3A_179 = vector.broadcast %arg1 : i32 to vector<16xi32>
      %eq3A_180 = arith.cmpi eq, %iota3A, %eq3A_179 : vector<16xi32>
      %broadcast_in_dim3A_181 = arith.constant true
      %broadcast_in_dim3A_182 = vector.broadcast %broadcast_in_dim3A_181 : i1 to vector<16xi1>
      %masked_cumsum3A = tpu.scan <sum>, %get3A_171 masked %broadcast_in_dim3A_182 : vector<16xi32>, vector<16xi1> -> vector<16xi32>
      %jit3A_183 = arith.constant 0 : i32
      %broadcast_in_dim3A_184 = vector.broadcast %jit3A_183 : i32 to vector<16xi32>
      %select_n3A_185 = arith.select %eq3A_180, %masked_cumsum3A, %broadcast_in_dim3A_184 : vector<16xi1>, vector<16xi32>
      %reduce_sum3A_186 = arith.constant true
      %reduce_sum3A_187 = vector.broadcast %reduce_sum3A_186 : i1 to vector<16xi1>
      %reduce_sum3A_188 = tpu.scan <sum>, %select_n3A_185 masked %reduce_sum3A_187 : vector<16xi32>, vector<16xi1> -> vector<16xi32>
      %reduce_sum3A_189 = vector.extract %reduce_sum3A_188[15] : i32 from vector<16xi32>
      %sub3A_190 = arith.subi %reduce_sum3A_189, %scan3A_141#0 : i32
      %eq3A_191 = vector.broadcast %arg1 : i32 to vector<16xi32>
      %eq3A_192 = arith.cmpi eq, %iota3A, %eq3A_191 : vector<16xi32>
      %broadcast_in_dim3A_193 = arith.constant true
      %broadcast_in_dim3A_194 = vector.broadcast %broadcast_in_dim3A_193 : i1 to vector<16xi1>
      %masked_cumsum3A_195 = tpu.scan <sum>, %get3A_173 masked %broadcast_in_dim3A_194 : vector<16xi32>, vector<16xi1> -> vector<16xi32>
      %jit3A_196 = arith.constant 0 : i32
      %broadcast_in_dim3A_197 = vector.broadcast %jit3A_196 : i32 to vector<16xi32>
      %select_n3A_198 = arith.select %eq3A_192, %masked_cumsum3A_195, %broadcast_in_dim3A_197 : vector<16xi1>, vector<16xi32>
      %reduce_sum3A_199 = arith.constant true
      %reduce_sum3A_200 = vector.broadcast %reduce_sum3A_199 : i1 to vector<16xi1>
      %reduce_sum3A_201 = tpu.scan <sum>, %select_n3A_198 masked %reduce_sum3A_200 : vector<16xi32>, vector<16xi1> -> vector<16xi32>
      %reduce_sum3A_202 = vector.extract %reduce_sum3A_201[15] : i32 from vector<16xi32>
      %sub3A_203 = arith.subi %reduce_sum3A_202, %scan3A_141#1 : i32
      %min3A = arith.minsi %sub3A_203, %sub3A_178 : i32
      %add3A_204 = arith.addi %sub3A_190, %min3A : i32
      %sub3A_205 = arith.subi %sub3A_178, %sub3A_203 : i32
      %jit3A_206 = arith.constant 0 : i32
      %max3A = arith.maxsi %jit3A_206, %sub3A_205 : i32
      %min3A_207 = arith.minsi %scan3A_141#1, %max3A : i32
      %add3A_208 = arith.constant 512 : i32
      %add3A_209 = arith.addi %add3A_208, %arg1 : i32
      %scan3A_210 = arith.constant 0 : i32
      %scan3A_211 = arith.constant 0 : i32
      %scan3A_212 = arith.constant 8 : i32
      %scan3A_213 = arith.addi %scan3A_211, %scan3A_212 : i32
      %scan3A_214 = arith.constant 1 : i32
      %scan3A_215:2 = scf.for %scan3A_229 = %scan3A_211 to %scan3A_213 step %scan3A_214 iter_args(%scan3A_230 = %add3A_204, %scan3A_231 = %scan3A_210) -> (i32, i32)  : i32 {
        %add3A_232 = arith.constant 0 : i32
        %add3A_233 = arith.addi %scan3A_229, %add3A_232 : i32
        %mul3A_234 = arith.constant 16 : i32
        %mul3A_235 = arith.muli %add3A_233, %mul3A_234 : i32
        %get3A_236 = arith.index_cast %mul3A_235 : i32 to index
        %get3A_237 = tpu.vector_load %arg5[%get3A_236] {strides = array<i32>} : memref<256xi32, #tpu.memory_space<vmem>>, vector<16xi32>,
        %xor3A_238 = arith.constant -2147483648 : i32
        %xor3A_239 = vector.broadcast %xor3A_238 : i32 to vector<16xi32>
        %xor3A_240 = arith.xori %get3A_237, %xor3A_239 : vector<16xi32>
        %gt3A = vector.broadcast %xor3A_134 : i32 to vector<16xi32>
        %gt3A_241 = arith.cmpi sgt, %xor3A_240, %gt3A : vector<16xi32>
        %eq3A_242 = vector.broadcast %or3A_132 : i32 to vector<16xi32>
        %eq3A_243 = arith.cmpi eq, %get3A_237, %eq3A_242 : vector<16xi32>
        %convert_element_type3A_244 = arith.extui %eq3A_243 : vector<16xi1> to vector<16xi32>
        %broadcast_in_dim3A_245 = arith.constant true
        %broadcast_in_dim3A_246 = vector.broadcast %broadcast_in_dim3A_245 : i1 to vector<16xi1>
        %masked_cumsum3A_247 = tpu.scan <sum>, %convert_element_type3A_244 masked %broadcast_in_dim3A_246 : vector<16xi32>, vector<16xi1> -> vector<16xi32>
        %add3A_248 = vector.broadcast %scan3A_231 : i32 to vector<16xi32>
        %add3A_249 = arith.addi %masked_cumsum3A_247, %add3A_248 : vector<16xi32>
        %le3A = vector.broadcast %min3A_207 : i32 to vector<16xi32>
        %le3A_250 = arith.cmpi sle, %add3A_249, %le3A : vector<16xi32>
        %and3A = arith.andi %eq3A_243, %le3A_250 : vector<16xi1>
        %or3A_251 = arith.ori %gt3A_241, %and3A : vector<16xi1>
        %convert_element_type3A_252 = arith.extui %or3A_251 : vector<16xi1> to vector<16xi32>
        %broadcast_in_dim3A_253 = arith.constant true
        %broadcast_in_dim3A_254 = vector.broadcast %broadcast_in_dim3A_253 : i1 to vector<16xi1>
        %masked_cumsum3A_255 = tpu.scan <sum>, %convert_element_type3A_252 masked %broadcast_in_dim3A_254 : vector<16xi32>, vector<16xi1> -> vector<16xi32>
        %add3A_256 = vector.broadcast %scan3A_230 : i32 to vector<16xi32>
        %add3A_257 = arith.addi %add3A_256, %masked_cumsum3A_255 : vector<16xi32>
        %sub3A_258 = arith.constant 1 : i32
        %sub3A_259 = vector.broadcast %sub3A_258 : i32 to vector<16xi32>
        %sub3A_260 = arith.subi %add3A_257, %sub3A_259 : vector<16xi32>
        %broadcast_in_dim3A_261 = vector.broadcast %add3A_209 : i32 to vector<16xi32>
        %select_n3A_262 = arith.select %or3A_251, %sub3A_260, %broadcast_in_dim3A_261 : vector<16xi1>, vector<16xi32>
        %mul3A_263 = arith.constant 16 : i32
        %mul3A_264 = arith.muli %scan3A_229, %mul3A_263 : i32
        %swap3A_265 = arith.index_cast %mul3A_264 : i32 to index
        %swap3A_266 = tpu.vector_load %arg14[%swap3A_265] {strides = array<i32>} : memref<128xi32, #tpu.memory_space<vmem>>, vector<16xi32>,
        tpu.vector_store %arg14[%swap3A_265], %select_n3A_262 {strides = array<i32>} : memref<128xi32, #tpu.memory_space<vmem>>, vector<16xi32>,
        %add3A_267 = arith.constant 0 : i32
        %add3A_268 = arith.addi %scan3A_229, %add3A_267 : i32
        %mul3A_269 = arith.constant 16 : i32
        %mul3A_270 = arith.muli %add3A_268, %mul3A_269 : i32
        %add3A_271 = arith.addi %mul3A_2, %mul3A_270 : i32
        %add3A_272 = vector.broadcast %add3A_271 : i32 to vector<16xi32>
        %add3A_273 = arith.addi %iota3A, %add3A_272 : vector<16xi32>
        %mul3A_274 = arith.constant 16 : i32
        %mul3A_275 = arith.muli %scan3A_229, %mul3A_274 : i32
        %swap3A_276 = arith.index_cast %mul3A_275 : i32 to index
        %swap3A_277 = tpu.vector_load %arg16[%swap3A_276] {strides = array<i32>} : memref<128xi32, #tpu.memory_space<vmem>>, vector<16xi32>,
        tpu.vector_store %arg16[%swap3A_276], %add3A_273 {strides = array<i32>} : memref<128xi32, #tpu.memory_space<vmem>>, vector<16xi32>,
        %reduce_sum3A_278 = arith.constant true
        %reduce_sum3A_279 = vector.broadcast %reduce_sum3A_278 : i1 to vector<16xi1>
        %reduce_sum3A_280 = tpu.scan <sum>, %convert_element_type3A_252 masked %reduce_sum3A_279 : vector<16xi32>, vector<16xi1> -> vector<16xi32>
        %reduce_sum3A_281 = vector.extract %reduce_sum3A_280[15] : i32 from vector<16xi32>
        %add3A_282 = arith.addi %scan3A_230, %reduce_sum3A_281 : i32
        %convert_element_type3A_283 = arith.extui %and3A : vector<16xi1> to vector<16xi32>
        %reduce_sum3A_284 = arith.constant true
        %reduce_sum3A_285 = vector.broadcast %reduce_sum3A_284 : i1 to vector<16xi1>
        %reduce_sum3A_286 = tpu.scan <sum>, %convert_element_type3A_283 masked %reduce_sum3A_285 : vector<16xi32>, vector<16xi1> -> vector<16xi32>
        %reduce_sum3A_287 = vector.extract %reduce_sum3A_286[15] : i32 from vector<16xi32>
        %add3A_288 = arith.addi %scan3A_231, %reduce_sum3A_287 : i32
        scf.yield %add3A_282, %add3A_288 : i32, i32
      }
      %scan3A_216 = arith.constant 8 : i32
      %scan3A_217 = arith.constant 0 : i32
      %scan3A_218 = arith.constant 8 : i32
      %scan3A_219 = arith.addi %scan3A_217, %scan3A_218 : i32
      %scan3A_220 = arith.constant 1 : i32
      %scan3A_221:2 = scf.for %scan3A_229 = %scan3A_217 to %scan3A_219 step %scan3A_220 iter_args(%scan3A_230 = %scan3A_215#0, %scan3A_231 = %scan3A_215#1) -> (i32, i32)  : i32 {
        %add3A_232 = arith.constant 8 : i32
        %add3A_233 = arith.addi %scan3A_229, %add3A_232 : i32
        %mul3A_234 = arith.constant 16 : i32
        %mul3A_235 = arith.muli %add3A_233, %mul3A_234 : i32
        %get3A_236 = arith.index_cast %mul3A_235 : i32 to index
        %get3A_237 = tpu.vector_load %arg5[%get3A_236] {strides = array<i32>} : memref<256xi32, #tpu.memory_space<vmem>>, vector<16xi32>,
        %xor3A_238 = arith.constant -2147483648 : i32
        %xor3A_239 = vector.broadcast %xor3A_238 : i32 to vector<16xi32>
        %xor3A_240 = arith.xori %get3A_237, %xor3A_239 : vector<16xi32>
        %gt3A = vector.broadcast %xor3A_134 : i32 to vector<16xi32>
        %gt3A_241 = arith.cmpi sgt, %xor3A_240, %gt3A : vector<16xi32>
        %eq3A_242 = vector.broadcast %or3A_132 : i32 to vector<16xi32>
        %eq3A_243 = arith.cmpi eq, %get3A_237, %eq3A_242 : vector<16xi32>
        %convert_element_type3A_244 = arith.extui %eq3A_243 : vector<16xi1> to vector<16xi32>
        %broadcast_in_dim3A_245 = arith.constant true
        %broadcast_in_dim3A_246 = vector.broadcast %broadcast_in_dim3A_245 : i1 to vector<16xi1>
        %masked_cumsum3A_247 = tpu.scan <sum>, %convert_element_type3A_244 masked %broadcast_in_dim3A_246 : vector<16xi32>, vector<16xi1> -> vector<16xi32>
        %add3A_248 = vector.broadcast %scan3A_231 : i32 to vector<16xi32>
        %add3A_249 = arith.addi %masked_cumsum3A_247, %add3A_248 : vector<16xi32>
        %le3A = vector.broadcast %min3A_207 : i32 to vector<16xi32>
        %le3A_250 = arith.cmpi sle, %add3A_249, %le3A : vector<16xi32>
        %and3A = arith.andi %eq3A_243, %le3A_250 : vector<16xi1>
        %or3A_251 = arith.ori %gt3A_241, %and3A : vector<16xi1>
        %convert_element_type3A_252 = arith.extui %or3A_251 : vector<16xi1> to vector<16xi32>
        %broadcast_in_dim3A_253 = arith.constant true
        %broadcast_in_dim3A_254 = vector.broadcast %broadcast_in_dim3A_253 : i1 to vector<16xi1>
        %masked_cumsum3A_255 = tpu.scan <sum>, %convert_element_type3A_252 masked %broadcast_in_dim3A_254 : vector<16xi32>, vector<16xi1> -> vector<16xi32>
        %add3A_256 = vector.broadcast %scan3A_230 : i32 to vector<16xi32>
        %add3A_257 = arith.addi %add3A_256, %masked_cumsum3A_255 : vector<16xi32>
        %sub3A_258 = arith.constant 1 : i32
        %sub3A_259 = vector.broadcast %sub3A_258 : i32 to vector<16xi32>
        %sub3A_260 = arith.subi %add3A_257, %sub3A_259 : vector<16xi32>
        %broadcast_in_dim3A_261 = vector.broadcast %add3A_209 : i32 to vector<16xi32>
        %select_n3A_262 = arith.select %or3A_251, %sub3A_260, %broadcast_in_dim3A_261 : vector<16xi1>, vector<16xi32>
        %mul3A_263 = arith.constant 16 : i32
        %mul3A_264 = arith.muli %scan3A_229, %mul3A_263 : i32
        %swap3A_265 = arith.index_cast %mul3A_264 : i32 to index
        %swap3A_266 = tpu.vector_load %arg15[%swap3A_265] {strides = array<i32>} : memref<128xi32, #tpu.memory_space<vmem>>, vector<16xi32>,
        tpu.vector_store %arg15[%swap3A_265], %select_n3A_262 {strides = array<i32>} : memref<128xi32, #tpu.memory_space<vmem>>, vector<16xi32>,
        %add3A_267 = arith.constant 8 : i32
        %add3A_268 = arith.addi %scan3A_229, %add3A_267 : i32
        %mul3A_269 = arith.constant 16 : i32
        %mul3A_270 = arith.muli %add3A_268, %mul3A_269 : i32
        %add3A_271 = arith.addi %mul3A_2, %mul3A_270 : i32
        %add3A_272 = vector.broadcast %add3A_271 : i32 to vector<16xi32>
        %add3A_273 = arith.addi %iota3A, %add3A_272 : vector<16xi32>
        %mul3A_274 = arith.constant 16 : i32
        %mul3A_275 = arith.muli %scan3A_229, %mul3A_274 : i32
        %swap3A_276 = arith.index_cast %mul3A_275 : i32 to index
        %swap3A_277 = tpu.vector_load %arg17[%swap3A_276] {strides = array<i32>} : memref<128xi32, #tpu.memory_space<vmem>>, vector<16xi32>,
        tpu.vector_store %arg17[%swap3A_276], %add3A_273 {strides = array<i32>} : memref<128xi32, #tpu.memory_space<vmem>>, vector<16xi32>,
        %reduce_sum3A_278 = arith.constant true
        %reduce_sum3A_279 = vector.broadcast %reduce_sum3A_278 : i1 to vector<16xi1>
        %reduce_sum3A_280 = tpu.scan <sum>, %convert_element_type3A_252 masked %reduce_sum3A_279 : vector<16xi32>, vector<16xi1> -> vector<16xi32>
        %reduce_sum3A_281 = vector.extract %reduce_sum3A_280[15] : i32 from vector<16xi32>
        %add3A_282 = arith.addi %scan3A_230, %reduce_sum3A_281 : i32
        %convert_element_type3A_283 = arith.extui %and3A : vector<16xi1> to vector<16xi32>
        %reduce_sum3A_284 = arith.constant true
        %reduce_sum3A_285 = vector.broadcast %reduce_sum3A_284 : i1 to vector<16xi1>
        %reduce_sum3A_286 = tpu.scan <sum>, %convert_element_type3A_283 masked %reduce_sum3A_285 : vector<16xi32>, vector<16xi1> -> vector<16xi32>
        %reduce_sum3A_287 = vector.extract %reduce_sum3A_286[15] : i32 from vector<16xi32>
        %add3A_288 = arith.addi %scan3A_231, %reduce_sum3A_287 : i32
        scf.yield %add3A_282, %add3A_288 : i32, i32
      }
      %scan3A_222 = arith.constant 8 : i32
      "tpu.region"() ({
        %run_scoped3A = tpu.sem_alloc : memref<!tpu.dma_semaphore, #tpu.memory_space<semaphore_mem>>
        %dma_start3A = arith.constant 0 : i32
        %dma_start3A_229 = tpu.memref_slice %arg23[%dma_start3A] : memref<544xi32, #tpu.memory_space<vmem_shared>> -> memref<544xi32, #tpu.memory_space<vmem_shared>>
        tpu.enqueue_indirect_dma source(%arg16 : memref<128xi32, #tpu.memory_space<vmem>>) target(%dma_start3A_229 : memref<544xi32, #tpu.memory_space<vmem_shared>>) offsets(%arg14 : memref<128xi32, #tpu.memory_space<vmem>>) semaphore(%run_scoped3A : memref<!tpu.dma_semaphore, #tpu.memory_space<semaphore_mem>>)
        %dma_wait3A = arith.constant 0 : i32
        %dma_wait3A_230 = tpu.memref_slice %arg23[%dma_wait3A] : memref<544xi32, #tpu.memory_space<vmem_shared>> -> memref<544xi32, #tpu.memory_space<vmem_shared>>
        tpu.wait_indirect_dma semaphore(%run_scoped3A : memref<!tpu.dma_semaphore, #tpu.memory_space<semaphore_mem>>) src(%arg16 : memref<128xi32, #tpu.memory_space<vmem>>) dst(%dma_wait3A_230 : memref<544xi32, #tpu.memory_space<vmem_shared>>)
        tpu.yield
      }) : () -> ()
      "tpu.region"() ({
        %run_scoped3A = tpu.sem_alloc : memref<!tpu.dma_semaphore, #tpu.memory_space<semaphore_mem>>
        %dma_start3A = arith.constant 0 : i32
        %dma_start3A_229 = tpu.memref_slice %arg23[%dma_start3A] : memref<544xi32, #tpu.memory_space<vmem_shared>> -> memref<544xi32, #tpu.memory_space<vmem_shared>>
        tpu.enqueue_indirect_dma source(%arg17 : memref<128xi32, #tpu.memory_space<vmem>>) target(%dma_start3A_229 : memref<544xi32, #tpu.memory_space<vmem_shared>>) offsets(%arg15 : memref<128xi32, #tpu.memory_space<vmem>>) semaphore(%run_scoped3A : memref<!tpu.dma_semaphore, #tpu.memory_space<semaphore_mem>>)
        %dma_wait3A = arith.constant 0 : i32
        %dma_wait3A_230 = tpu.memref_slice %arg23[%dma_wait3A] : memref<544xi32, #tpu.memory_space<vmem_shared>> -> memref<544xi32, #tpu.memory_space<vmem_shared>>
        tpu.wait_indirect_dma semaphore(%run_scoped3A : memref<!tpu.dma_semaphore, #tpu.memory_space<semaphore_mem>>) src(%arg17 : memref<128xi32, #tpu.memory_space<vmem>>) dst(%dma_wait3A_230 : memref<544xi32, #tpu.memory_space<vmem_shared>>)
        tpu.yield
      }) : () -> ()
      %barrier3A_223 = arith.constant 0 : index
      tpu.barrier barrier_id(%barrier3A_223)
      %eq3A_224 = arith.constant 0 : i32
      %eq3A_225 = arith.cmpi eq, %arg1, %eq3A_224 : i32
      %convert_element_type3A_226 = arith.extui %eq3A_225 : i1 to i32
      %cond3A_227 = arith.constant 0 : i32
      %cond3A_228 = arith.cmpi ne, %convert_element_type3A_226, %cond3A_227 : i32
      scf.if %cond3A_228 {
        "tpu.region"() ({
          %run_scoped3A = tpu.sem_alloc : memref<!tpu.dma_semaphore, #tpu.memory_space<semaphore_mem>>
          tpu.enqueue_dma source(%arg23 : memref<544xi32, #tpu.memory_space<vmem_shared>>) target(%arg3 : memref<544xi32, #tpu.memory_space<hbm>>) target_semaphore(%run_scoped3A : memref<!tpu.dma_semaphore, #tpu.memory_space<semaphore_mem>>)
          tpu.wait_dma2 semaphore(%run_scoped3A : memref<!tpu.dma_semaphore, #tpu.memory_space<semaphore_mem>>) src(%arg23 : memref<544xi32, #tpu.memory_space<vmem_shared>>) dst(%arg3 : memref<544xi32, #tpu.memory_space<hbm>>)
          tpu.yield
        }) : () -> ()
      } else {
      }
    } else {
    }
    return
  }
}

module attributes {stable_mosaic.version = 14 : i64} {
  func.func @_reduce_body(%arg0: i32, %arg1: i32, %arg2: memref<1xf32, #tpu.memory_space<smem>>, %arg3: memref<1x4096x512xf32, #tpu.memory_space<vmem>>, %arg4: memref<4096x1xf32, #tpu.memory_space<vmem>>) attributes {dimension_semantics = [#tpu.dimension_semantics<arbitrary>, #tpu.dimension_semantics<arbitrary>], iteration_bounds = array<i64: 1, 16>, scalar_prefetch = 0 : i64, scratch_operands = 0 : i64, tpu.core_type = #tpu.core_type<tc>, window_params = [{transform_indices = @transform_0, window_bounds = array<i64: 1>}, {transform_indices = @transform_1, window_bounds = array<i64: 1, 4096, 512>}, {transform_indices = @transform_2, window_bounds = array<i64: 4096, 1>}]} {
    %get3A = arith.constant 0 : index
    %get3A_0 = arith.constant 0 : index
    %get3A_1 = arith.constant 0 : index
    %get3A_2 = vector.load %arg3[%get3A, %get3A_0, %get3A_1] : memref<1x4096x512xf32, #tpu.memory_space<vmem>>, vector<1x4096x512xf32>
    %get3A_3 = vector.shape_cast %get3A_2 : vector<1x4096x512xf32> to vector<4096x512xf32>
    %reduce_sum3A = arith.constant dense<0.000000e+00> : vector<4096xf32>
    %reduce_sum3A_4 = vector.multi_reduction <add>, %get3A_3, %reduce_sum3A [1] : vector<4096x512xf32> to vector<4096xf32>
    %broadcast_in_dim3A = vector.shape_cast %reduce_sum3A_4 : vector<4096xf32> to vector<4096x1xf32>
    %eq3A = arith.constant 0 : i32
    %eq3A_5 = arith.cmpi eq, %arg1, %eq3A : i32
    %convert_element_type3A = arith.extui %eq3A_5 : i1 to i32
    %cond3A = arith.constant 0 : i32
    %cond3A_6 = arith.cmpi ne, %convert_element_type3A, %cond3A : i32
    scf.if %cond3A_6 {
      %swap3A = arith.constant 0 : index
      %swap3A_16 = arith.constant 0 : index
      %swap3A_17 = vector.load %arg4[%swap3A, %swap3A_16] : memref<4096x1xf32, #tpu.memory_space<vmem>>, vector<4096x1xf32>
      tpu.vector_store %arg4[%swap3A, %swap3A_16], %broadcast_in_dim3A {strides = array<i32>} : memref<4096x1xf32, #tpu.memory_space<vmem>>, vector<4096x1xf32>,
    } else {
    }
    %gt3A = arith.constant 0 : i32
    %gt3A_7 = arith.cmpi sgt, %arg1, %gt3A : i32
    %convert_element_type3A_8 = arith.extui %gt3A_7 : i1 to i32
    %cond3A_9 = arith.constant 0 : i32
    %cond3A_10 = arith.cmpi ne, %convert_element_type3A_8, %cond3A_9 : i32
    scf.if %cond3A_10 {
      %get3A_16 = arith.constant 0 : index
      %get3A_17 = arith.constant 0 : index
      %get3A_18 = vector.load %arg4[%get3A_16, %get3A_17] : memref<4096x1xf32, #tpu.memory_space<vmem>>, vector<4096x1xf32>
      %add3A = arith.addf %get3A_18, %broadcast_in_dim3A : vector<4096x1xf32>
      %swap3A = arith.constant 0 : index
      %swap3A_19 = arith.constant 0 : index
      %swap3A_20 = vector.load %arg4[%swap3A, %swap3A_19] : memref<4096x1xf32, #tpu.memory_space<vmem>>, vector<4096x1xf32>
      tpu.vector_store %arg4[%swap3A, %swap3A_19], %add3A {strides = array<i32>} : memref<4096x1xf32, #tpu.memory_space<vmem>>, vector<4096x1xf32>,
    } else {
    }
    %eq3A_11 = arith.constant 15 : i32
    %eq3A_12 = arith.cmpi eq, %arg1, %eq3A_11 : i32
    %convert_element_type3A_13 = arith.extui %eq3A_12 : i1 to i32
    %cond3A_14 = arith.constant 0 : i32
    %cond3A_15 = arith.cmpi ne, %convert_element_type3A_13, %cond3A_14 : i32
    scf.if %cond3A_15 {
      %get3A_16 = arith.constant 0 : index
      %get3A_17 = memref.load %arg2[%get3A_16] : memref<1xf32, #tpu.memory_space<smem>>
      %get3A_18 = arith.constant 0 : index
      %get3A_19 = arith.constant 0 : index
      %get3A_20 = vector.load %arg4[%get3A_18, %get3A_19] : memref<4096x1xf32, #tpu.memory_space<vmem>>, vector<4096x1xf32>
      %mul3A = arith.mulf %get3A_17, %get3A_17 : f32
      %sqrt3A = math.sqrt %mul3A : f32
      %div3A = arith.divf %get3A_17, %sqrt3A : f32
      %mul3A_21 = vector.broadcast %div3A : f32 to vector<4096x1xf32>
      %mul3A_22 = arith.mulf %get3A_20, %mul3A_21 : vector<4096x1xf32>
      %swap3A = arith.constant 0 : index
      %swap3A_23 = arith.constant 0 : index
      %swap3A_24 = vector.load %arg4[%swap3A, %swap3A_23] : memref<4096x1xf32, #tpu.memory_space<vmem>>, vector<4096x1xf32>
      tpu.vector_store %arg4[%swap3A, %swap3A_23], %mul3A_22 {strides = array<i32>} : memref<4096x1xf32, #tpu.memory_space<vmem>>, vector<4096x1xf32>,
    } else {
    }
    return
  }
  func.func @transform_0(%arg0: i32, %arg1: i32) -> i32 {
    %c0_i32 = arith.constant 0 : i32
    %c0_i32_0 = arith.constant 0 : i32
    return %c0_i32 : i32
  }
  func.func @transform_1(%arg0: i32, %arg1: i32) -> (i32, i32, i32) {
    %c0_i32 = arith.constant 0 : i32
    %c0_i32_0 = arith.constant 0 : i32
    return %arg1, %arg0, %c0_i32 : i32, i32, i32
  }
  func.func @transform_2(%arg0: i32, %arg1: i32) -> (i32, i32) {
    %c0_i32 = arith.constant 0 : i32
    %c0_i32_0 = arith.constant 0 : i32
    return %arg0, %c0_i32 : i32, i32
  }
}

</mosaic_0001>

<sc_bundles>
// kernel: kernel.4.cloned.1.call-start
scs
__scs_entry_jumppad:
0x0: {  	(pc) =	sbr.rel $0x88, $3  }
0x1: {  	(tag) =	ssettag $0x0;
	lr =	simm.s32 $0x1  }
0x2: {  	[smem:$0x3F9F] =	sst lr;
	_ =	strace $0xD0000000  }
0x3: {  	_ = 	snop  }
0x4: {  	_ = 	snop  }
0x5: {  	_ = 	snop  }
0x6: {  	_ = 	snop  }
0x7: {  	_ = 	snop  }
__scs_overlays_trampoline_lowered:
0x8: {  	[smem:$0x3FAE] =	sst s0  }
0x9: {  	[smem:$0x3FAF] =	sst s1  }
0xa: {  	[smem:$0x3FB0] =	sst s2  }
0xb: {  	[smem:$0x3FB1] =	sst s3  }
0xc: {  	[smem:$0x3FB2] =	sst s4  }
0xd: {  	[smem:$0x3FB3] =	sst s5  }
0xe: {  	[smem:$0x3FB4] =	sst s6  }
0xf: {  	[smem:$0x3FB5] =	sst s7  }
0x10: {  	[smem:$0x3FB6] =	sst s8  }
0x11: {  	[smem:$0x3FB7] =	sst s9;
	s0 =	simm.s32 @!p0 $0x0  }
0x12: {  	s1 =	sld [smem:$0x3F9D];
	s0 =	simm.s32 @p0 $0x1  }
0x13: {  	[smem:$0x3FB8] =	sst s0;
	s0 =	simm.s32 @!p1 $0x0  }
0x14: {  	s2 =	sld [smem:$0x3F9C];
	s0 =	simm.s32 @p1 $0x1  }
0x15: {  	[smem:$0x3FB9] =	sst s0;
	s0 =	simm.s32 @!p2 $0x0  }
0x16: {  	s3 =	sld [smem:$0x3FDB];
	s0 =	simm.s32 @p2 $0x1  }
0x17: {  	s4 =	simm.s32 $0x1BF5;
	[smem:$0x3FBB] =	sst s0  }
0x18: {  	s0 =	sld [smem:$0x3F9E];
	_ =	swait.ge [sflag:s4], $0x0  }
0x19: {  	s7 =	sld [smem:$0x3F9F]  }
0x1a: {  	s8 =	sadd.s32 $0xFFFFE003, lr  }
0x1b: {  	s9 =	sadd.s32 $0xFFFFFEF7, lr;
	s5 =	simm.s32 $0xFFFFFFFF;
	p2 =	slt.u32 s8, $0xFFFFF086  }
0x1c: {  	p1 =	slt.u32 s9, $0xF7A;
	s5 =	simm.s32 @!p2 $0x0  }
0x1d: {  	s5 =	simm.s32 @p1 $0x1;
	p0 =	seq.s32 s7, s2  }
0x1e: {  	s7 =	smul.u32 @!p0 $0xF7A, s2;
	p2 =	seq.s32 @!p0 s5, $0x0  }
0x1f: {  	s9 =	smul.u32 $0xF7A, s1;
	s8 =	simm.s32 @!p0 $0x1BF5;
	p2 =	por !p2, p0  }
0x20: {  	[sflag:s8] =	ssyncset.s32 @!p0 $0xFFFFF086;
	s6 =	sadd.s32 @!p0 s3, s7;
	s7 =	simm.s32 @!p0 $0x108  }
0x21: {  	s3 =	sadd.s32 s3, s9;
	s6 =	sadd.s32 @!p0 $0x88, s6;
	s7 =	simm.s32 @p2 $0x1082  }
0x22: {  	[simem:s7], [sflag:s8] =	dma.local @!p0 [hbm:s6], $0xF7A  }
0x23: {  	s9 =	sor.u32 $0xD0000000, s2;
	s6 =	simm.s32 $0x108;
	_ =	swait.ge @!p0 [sflag:s8], $0x0  }
0x24: {  	s3 =	sadd.s32 $0x88, s3;
	s6 =	simm.s32 @!p1 $0x1082;
	[sflag:s4] =	ssyncset.s32 $0xFFFFF086  }
0x25: {  	[simem:s6], [sflag:s4] =	dma.local [hbm:s3], $0xF7A  }
0x26: {  	[smem:$0x3F9F] =	sst s1;
	(tag) =	ssettag s2;
	_ =	strace s9  }
0x27: {  	s1 =	sld [smem:$0x3FAF]  }
0x28: {  	s2 =	sld [smem:$0x3FB0]  }
0x29: {  	s4 =	sld [smem:$0x3FB2]  }
0x2a: {  	p0 =	seq.s32 s5, $0x0;
	s5 =	sld [smem:$0x3FB3]  }
0x2b: {  	s6 =	sld [smem:$0x3FB4]  }
0x2c: {  	s7 =	sld [smem:$0x3FB5]  }
0x2d: {  	s3 =	simm.s32 $0x108;
	s8 =	sld [smem:$0x3FB6]  }
0x2e: {  	s3 =	simm.s32 @!p0 $0x1082;
	s9 =	sld [smem:$0x3FB7]  }
0x2f: {  	lr =	sadd.s32 s0, s3;
	s0 =	sld [smem:$0x3FAE]  }
0x30: {  	s3 =	sld [smem:$0x3FB1]  }
0x31: {  	[smem:$0x3FBA] =	sst s10  }
0x32: {  	s10 =	sld [smem:$0x3FB8];
	_ =	sdelay $0x3  }
0x33: {  	p0 =	seq.s32 s10, $0x1;
	s10 =	sld [smem:$0x3FBA];
	_ =	sdelay $0x3  }
0x34: {  	[smem:$0x3FBA] =	sst s10  }
0x35: {  	s10 =	sld [smem:$0x3FB9];
	_ =	sdelay $0x3  }
0x36: {  	p1 =	seq.s32 s10, $0x1;
	s10 =	sld [smem:$0x3FBA];
	_ =	sdelay $0x3  }
0x37: {  	[smem:$0x3FBA] =	sst s10  }
0x38: {  	s10 =	sld [smem:$0x3FBB]  }
0x39: {  	_ = 	snop;
	(pc) =	sbr.ind lr, $3  }
0x3a: {  	_ = 	snop  }
0x3b: {  	_ = 	snop  }
0x3c: {  	p2 =	seq.s32 s10, $0x1;
	s10 =	sld [smem:$0x3FBA]  }
0x3d: {  	_ =	shalt  }
0x3e: {  	_ =	shalt  }
0x3f: {  	_ =	shalt  }
0x40: {  	_ =	shalt  }
0x41: {  	_ =	shalt  }
0x42: {  	_ =	shalt  }
0x43: {  	_ =	shalt  }
0x44: {  	_ =	shalt  }
0x45: {  	_ =	shalt  }
0x46: {  	_ =	shalt  }
0x47: {  	_ =	shalt  }
0x48: {  	_ =	shalt  }
0x49: {  	_ =	shalt  }
0x4a: {  	_ =	shalt  }
0x4b: {  	_ =	shalt  }
0x4c: {  	_ =	shalt  }
0x4d: {  	_ =	shalt  }
0x4e: {  	_ =	shalt  }
0x4f: {  	_ =	shalt  }
0x50: {  	_ =	shalt  }
0x51: {  	_ =	shalt  }
0x52: {  	_ =	shalt  }
0x53: {  	_ =	shalt  }
0x54: {  	_ =	shalt  }
0x55: {  	_ =	shalt  }
0x56: {  	_ =	shalt  }
0x57: {  	_ =	shalt  }
0x58: {  	_ =	shalt  }
0x59: {  	_ =	shalt  }
0x5a: {  	_ =	shalt  }
0x5b: {  	_ =	shalt  }
0x5c: {  	_ =	shalt  }
0x5d: {  	_ =	shalt  }
0x5e: {  	_ =	shalt  }
0x5f: {  	_ =	shalt  }
0x60: {  	_ =	shalt  }
0x61: {  	_ =	shalt  }
0x62: {  	_ =	shalt  }
0x63: {  	_ =	shalt  }
0x64: {  	_ =	shalt  }
0x65: {  	_ =	shalt  }
0x66: {  	_ =	shalt  }
0x67: {  	_ =	shalt  }
0x68: {  	_ =	shalt  }
0x69: {  	_ =	shalt  }
0x6a: {  	_ =	shalt  }
0x6b: {  	_ =	shalt  }
0x6c: {  	_ =	shalt  }
0x6d: {  	_ =	shalt  }
0x6e: {  	_ =	shalt  }
0x6f: {  	_ =	shalt  }
0x70: {  	_ =	shalt  }
0x71: {  	_ =	shalt  }
0x72: {  	_ =	shalt  }
0x73: {  	_ =	shalt  }
0x74: {  	_ =	shalt  }
0x75: {  	_ =	shalt  }
0x76: {  	_ =	shalt  }
0x77: {  	_ =	shalt  }
0x78: {  	_ =	shalt  }
0x79: {  	_ =	shalt  }
0x7a: {  	_ =	shalt  }
0x7b: {  	_ =	shalt  }
0x7c: {  	_ =	shalt  }
0x7d: {  	_ =	shalt  }
0x7e: {  	_ =	shalt  }
0x7f: {  	_ =	shalt  }
0x80: {  	_ =	shalt  }
0x81: {  	_ =	shalt  }
0x82: {  	_ =	shalt  }
0x83: {  	_ =	shalt  }
0x84: {  	_ =	shalt  }
0x85: {  	_ =	shalt  }
0x86: {  	_ =	shalt  }
0x87: {  	_ =	shalt  }
.Lfunc_end0:
.L_simem_size_0:
called_computation_lowered:
.L_overlay_start_0:
0x88: {  	s2 =	sld [smem:$0x3FD9]  }
0x89: {  	s3 =	sld [smem:$0x3FFE];
	_ =	sdelay $0x1  }
0x8a: {  	s1 =	srdreg.scid  }
0x8b: {  	s0 =	sand.u32 $0x1, s1  }
0x8c: {  	s16 =	sshll.u32 s0, $0xA;
	s2 =	sadd.s32 s3, s2  }
0x8d: {  	s2 =	sadd.s32 s2, s16  }
0x8e: {  	[smem:$0x3FC6] =	sst s2  }
0x8f: {  	_ = 	snop  }
0x90: {  	(tm) =	ssettm $0x1  }
0x91: {  	s17 =	sld [smem:$0x3FFB];
	_ =	sdelay $0x3  }
0x92: {  	_ =	strace s17  }
0x93: {  	s2 =	sld [smem:$0x3FFC];
	_ =	sdelay $0x3  }
0x94: {  	_ =	strace s2  }
0x95: {  	s2 =	sld [smem:$0x3FFD];
	_ =	sdelay $0x3  }
0x96: {  	_ =	strace s2  }
0x97: {  	_ =	strace $0x8FFFFFFF  }
0x98: {  	s18 =	sld [smem:$0x3FDB];
	_ =	sdelay $0x1  }
0x99: {  	s19 =	simm.s32 $_scs_section_size  }
0x9a: {  	s4 =	simm.s32 $_size__tile_overlayer_lowered;
	s5 =	simm.s32 $_tile_overlayer_lowered  }
0x9b: {  	s22 =	simm.s32 $0x1BFF;
	s21 =	sshll.u32 s5, $0x1;
	s2 =	sadd.s32 s19, s18  }
0x9c: {  	s6 =	simm.s32 $0x0;
	s20 =	sshll.u32 s4, $0x1;
	s4 =	sadd.s32 s21, s2  }
0x9d: {  	[timem:s6], [sflag:s22] =	dma.local [hbm:s4], s20  }
0x9e: {  	_ =	swait.ge [sflag:s22], s20  }
0x9f: {  	s3 =	ssub.s32 $0x0, s20;
	[sflag:s22] =	ssyncset.done $0x0  }
0xa0: {  	[sflag:s22] =	ssyncadd.s32 s3;
	_ =	sdelay $0x1  }
0xa1: {  	s23 =	simm.s32 $0x1B8B  }
0xa2: {  	_ =	swait.ge [sflag:s23], $0x1  }
0xa3: {  	[sflag:s23] =	ssyncset.done $0x0  }
0xa4: {  	s25 =	simm.s32 $0x1B8E;
	s24 =	sld [smem:$0x3FFE];
	[sflag:s23] =	ssyncadd.s32 $0xFFFFFFFF  }
0xa5: {  	s26 =	simm.s32 $execute0_lowered;
	[smem:$0x3FD2] =	sst s25  }
0xa6: {  	s4 =	sshll.u32 s26, $0x1;
	_ =	strace $0x80000046;
	[dreg:$0x1] =	wrdreg $0xFFFFFFFF  }
0xa7: {  	s28 =	simm.s32 $_size_execute0_lowered;
	s2 =	sadd.s32 s2, s4;
	[dreg:$0x0] =	wrdreg $0x0  }
0xa8: {  	s4 =	sshll.u32 s28, $0x1;
	[dreg:$0x2] =	wrdreg s2  }
0xa9: {  	[dreg:$0x3] =	wrdreg s4  }
0xaa: {  	[dreg:$0x4] =	wrdreg $0xC0  }
0xab: {  	_ =	task [dreg:s6], $0x5FFFF  }
0xac: {  	[dreg:$0x1] =	wrdreg $0xFFFFFFFF  }
0xad: {  	[dreg:$0x0] =	wrdreg $0x60  }
0xae: {  	[dreg:$0x2] =	wrdreg s24  }
0xaf: {  	[dreg:$0x3] =	wrdreg $0x9800  }
0xb0: {  	[dreg:$0x4] =	wrdreg $0x9900  }
0xb1: {  	[dreg:$0x5] =	wrdreg $0x9A00  }
0xb2: {  	[dreg:$0x6] =	wrdreg $0x9B00  }
0xb3: {  	[dreg:$0x7] =	wrdreg $0x9C00  }
0xb4: {  	[dreg:$0x8] =	wrdreg $0x9C80  }
0xb5: {  	[dreg:$0x9] =	wrdreg $0x9  }
0xb6: {  	_ =	task.clear_ibuf [dreg:s6], $0xAFFFF;
	_ =	strace $0x90000046  }
0xb7: {  	s29 =	simm.s32 $0x9;
	_ =	strace $0x80000048  }
0xb8: {  	_ =	swait.ge [sflag:s29], $0x1  }
0xb9: {  	[sflag:s29] =	ssyncadd.s32 $0xFFFFFFFF  }
0xba: {  	_ =	strace $0x90000048  }
0xbb: {  	_ =	sfence  }
0xbc: {  	s30 =	sld [smem:$0x0];
	_ =	sdelay $0x2  }
0xbd: {  	s31 =	sshll.u32 s1, $0xD;
	s1 =	sshrl.u32 s1, $0x2  }
0xbe: {  	s3 =	sand.u32 $0x4000, s31;
	s1 =	sadd.s32 s1, s30  }
0xbf: {  	s0 =	sor.u32 s3, s0;
	s1 =	sshll.u32 s1, $0x11  }
0xc0: {  	s0 =	sor.u32 s1, s0  }
0xc1: {  	s0 =	sadd.s32 $0x8F2B, s0  }
0xc2: {  	[sflag:s0] =	ssyncadd.remote.s32 $0x1  }
0xc3: {  	_ =	sfence.sel $0xFFFF  }
0xc4: {  	[dreg:$0x0] =	wrdreg $0xFFFFFFFF;
	(pc) =	sbr.abs _section_cstart, $3  }
0xc5: {  	[dreg:$0x1] =	wrdreg $0xFFFFFFFF  }
0xc6: {  	_ =	task.clear_ibuf [dreg:s6], $0x2FFFF;
	_ =	strace $0x9FFFFFFF  }
0xc7: {  	(tm) =	ssettm $0x7FFFFFFF  }
tec
execute0_lowered:
.L_overlay_start_1:
0x0: {  	(tag) =	ssettag $0x1  }
0x1: {  	s1 =	rddreg [dreg:$0x0];
	s2 =	srdreg.scid  }
0x2: {  	s0 =	rddreg [dreg:$0x1];
	s4 =	sand.u32 $0x1, s2  }
0x3: {  	s9 =	rddreg [dreg:$0x2];
	p0 =	seq.s32 s4, $0x1  }
.Ltmp0:
0x4: {  	s8 =	rddreg [dreg:$0x3];
	(pc) =	sbr.rel @p0 .LBB2_18-.Ltmp0, $4  }
0x5: {  	s7 =	rddreg [dreg:$0x4]  }
0x6: {  	s6 =	rddreg [dreg:$0x5];
	s3 =	simm.s32 $0x0  }
0x7: {  	[smem:$0x7FF] =	sst s3;
	s2 =	stileid.u32  }
0x8: {  	s5 =	rddreg [dreg:$0x7];
	_ =	strace $0x80000047;
	p1 =	sne.s32 s2, $0x0  }
0x9: {  	v0 =	vimm.s32 $0x0  }
0xa: {  	[tilespmem:$0x400] =	vst v0  }
0xb: {  	[tilespmem:$0x410] =	vst v0  }
0xc: {  	[tilespmem:$0x420] =	vst v0  }
0xd: {  	[tilespmem:$0x430] =	vst v0  }
0xe: {  	[tilespmem:$0x440] =	vst v0  }
0xf: {  	[tilespmem:$0x450] =	vst v0  }
0x10: {  	[tilespmem:$0x460] =	vst v0  }
0x11: {  	[tilespmem:$0x470] =	vst v0  }
0x12: {  	[tilespmem:$0x480] =	vst v0  }
0x13: {  	[tilespmem:$0x490] =	vst v0  }
0x14: {  	[tilespmem:$0x4A0] =	vst v0  }
0x15: {  	[tilespmem:$0x4B0] =	vst v0  }
0x16: {  	[tilespmem:$0x4C0] =	vst v0  }
0x17: {  	[tilespmem:$0x4D0] =	vst v0  }
0x18: {  	[tilespmem:$0x4E0] =	vst v0  }
0x19: {  	[tilespmem:$0x4F0] =	vst v0;
	v0 =	vlaneseq.u32  }
0x1a: {  	[tilespmem:$0x680] =	vst v0;
	v1 =	vor.u32 $0x80, v0  }
0x1b: {  	[tilespmem:$0x700] =	vst v1;
	v1 =	vor.u32 $0x10, v0  }
0x1c: {  	[tilespmem:$0x690] =	vst v1;
	v1 =	vor.u32 $0x90, v0  }
0x1d: {  	[tilespmem:$0x710] =	vst v1;
	v1 =	vor.u32 $0x20, v0  }
0x1e: {  	[tilespmem:$0x6A0] =	vst v1;
	v1 =	vor.u32 $0xA0, v0  }
0x1f: {  	[tilespmem:$0x720] =	vst v1;
	v1 =	vor.u32 $0x30, v0  }
0x20: {  	[tilespmem:$0x6B0] =	vst v1;
	v1 =	vor.u32 $0xB0, v0  }
0x21: {  	[tilespmem:$0x730] =	vst v1;
	v1 =	vor.u32 $0x40, v0  }
0x22: {  	[tilespmem:$0x6C0] =	vst v1;
	v1 =	vor.u32 $0xC0, v0  }
0x23: {  	[tilespmem:$0x740] =	vst v1;
	v1 =	vor.u32 $0x50, v0  }
0x24: {  	[tilespmem:$0x6D0] =	vst v1;
	v1 =	vor.u32 $0xD0, v0  }
0x25: {  	[tilespmem:$0x750] =	vst v1;
	v1 =	vor.u32 $0x60, v0  }
0x26: {  	[tilespmem:$0x6E0] =	vst v1;
	v1 =	vor.u32 $0xE0, v0  }
0x27: {  	[tilespmem:$0x760] =	vst v1;
	v1 =	vor.u32 $0x70, v0  }
0x28: {  	v0 =	vor.u32 $0xF0, v0;
	[tilespmem:$0x6F0] =	vst v1  }
0x29: {  	s4 =	simm.s32 @!p1 $0x400;
	s5 =	simm.s32 @!p1 $0x1;
	[tilespmem:$0x770] =	vst v0  }
0x2a: {  	[spmem:s0] =	stream.linear.scatter @!p1 [tilespmem:s4], [sflag:$0x1], $0x100, $0x38;
	[tilespmem:$0x9F0] =	vst v63  }
0x2b: {  	_ =	swait.ge @!p1 [sflag:s5], $0x100  }
0x2c: {  	[sflag:s5] =	ssyncset.done @!p1 $0x0  }
0x2d: {  	[sflag:s5] =	ssyncadd.s32 @!p1 $0xFFFFFF00  }
0x2e: {  	[spmem:s9] =	stream.linear.scatter @!p1 [tilespmem:s4], [sflag:$0x1], $0x100, $0x38;
	[tilespmem:$0x9F0] =	vst v63  }
0x2f: {  	_ =	swait.ge @!p1 [sflag:s5], $0x100  }
0x30: {  	[sflag:s5] =	ssyncset.done @!p1 $0x0  }
0x31: {  	[sflag:s5] =	ssyncadd.s32 @!p1 $0xFFFFFF00  }
0x32: {  	[spmem:s8] =	stream.linear.scatter @!p1 [tilespmem:s4], [sflag:$0x1], $0x100, $0x38;
	[tilespmem:$0x9F0] =	vst v63  }
0x33: {  	_ =	swait.ge @!p1 [sflag:s5], $0x100  }
0x34: {  	[sflag:s5] =	ssyncset.done @!p1 $0x0  }
0x35: {  	[sflag:s5] =	ssyncadd.s32 @!p1 $0xFFFFFF00  }
0x36: {  	[spmem:s7] =	stream.linear.scatter @!p1 [tilespmem:s4], [sflag:$0x1], $0x100, $0x38;
	[tilespmem:$0x9F0] =	vst v63  }
0x37: {  	_ =	swait.ge @!p1 [sflag:s5], $0x100  }
0x38: {  	[sflag:s5] =	ssyncset.done @!p1 $0x0  }
0x39: {  	[sflag:s5] =	ssyncadd.s32 @!p1 $0xFFFFFF00  }
0x3a: {  	[spmem:s6] =	stream.linear.scatter @!p1 [tilespmem:s4], [sflag:$0x1], $0x30, $0x38;
	[tilespmem:$0x9F0] =	vst v63  }
0x3b: {  	s25 =	sshll.u32 s2, $0x5;
	s7 =	simm.s32 @!p1 $0x0;
	_ =	swait.ge @!p1 [sflag:s5], $0x30  }
0x3c: {  	s28 =	simm.s32 $0x1;
	s7 =	simm.s32 @p1 $0x1;
	[sflag:s5] =	ssyncset.done @!p1 $0x0  }
0x3d: {  	vm0 =	vcmask $0x300;
	s4 =	sadd.s32 s1, s25;
	[smem:$0x7FD] =	sst s7;
	[sflag:s5] =	ssyncadd.s32 @!p1 $0xFFFFFFD0  }
0x3e: {  	vm1 =	vcmask $0x704;
	v2 =	vimm.s32 $0x23222524;
	v1 =	vmov s2;
	[tilespmem:s3], [sflag:$0x1] =	stream.linear.gather [hbm4b:s4+s3], $0x100, $0x38;
	[tilespmem:$0x9F0] =	vst v63  }
0x3f: {  	s26 =	sor.u32 $0x10, s2;
	v3 =	vimm.s32 $0x27262928;
	v2 =	vunpack.c.0.s8.s32 v2;
	v0 =	vnsel vm0, $0x2F, v1;
	_ =	swait.ge [sflag:s28], $0x100  }
0x40: {  	vm2 =	vcmask $0x1708;
	v3 =	vunpack.c.0.s8.s32 v3;
	v0 =	vsel vm1, s26, v0;
	[sflag:s28] =	ssyncset.done $0x0  }
0x41: {  	v4 =	vimm.s32 $0x2B2A2D2C;
	v0 =	vsel vm2, v2, v0;
	vm2 =	vcmask $0x2718;
	s3 =	simm.s32 $0x0;
	[sflag:s28] =	ssyncadd.s32 $0xFFFFFF00  }
0x42: {  	v2 =	vunpack.c.0.s8.s32 v4;
	v0 =	vsel vm2, v3, v0;
	v3 =	vld [tilespmem:s3+$0x0]  }
0x43: {  	s30 =	sadd.s32 $0x200, s1;
	vm2 =	vcmask $0x3728  }
0x44: {  	s29 =	sor.u32 $0x200, s2;
	s31 =	sshll.u32 s2, $0x8;
	v0 =	vsel vm2, v2, v0;
	vm2 =	vcmask $0x3B38;
	[dreg:$0x8] =	wrdreg s30  }
0x45: {  	v2 =	vsel vm2, $0x2E, v0;
	v0 =	vmov s29;
	s1 =	simm.s32 $0x40;
	[dreg:$0x9] =	wrdreg s31  }
.LBB2_2:
0x46: {  	p0 =	sne.s32 s1, $0x3C0  }
.Ltmp1:
0x47: {  	s2 =	sshra.s32 s1, $0x2;
	s1 =	sadd.s32 $0x40, s1;
	v4 =	vshra.s32 v3, $0x1F;
	v5 =	vmov v3;
	(pc) =	sbr.rel @p0 .LBB2_2-.Ltmp1, $4  }
0x48: {  	v3 =	vld [tilespmem:s2+$0x0];
	v4 =	vand.u32 $0x7FFFFFFF, v4  }
0x49: {  	v4 =	vxor.u32 v4, v5  }
0x4a: {  	v4 =	vxor.u32 $0x80000000, v4  }
0x4b: {  	[tilespmem:s3+$0x100] =	vst v4;
	s3 =	smov.u32 s2  }
0x4c: {  	_ = 	snop  }
0x4d: {  	v4 =	vshra.s32 v3, $0x1F  }
0x4e: {  	v4 =	vand.u32 $0x7FFFFFFF, v4  }
0x4f: {  	v3 =	vxor.u32 v4, v3  }
0x50: {  	v3 =	vxor.u32 $0x80000000, v3  }
0x51: {  	[tilespmem:s3+$0x100] =	vst v3  }
0x52: {  	v3 =	vimm.s32 $0x0;
	[bflag:$0x0] =	sbarrier.arrive $0xFFFF  }
0x53: {  	[tilespmem:$0x200] =	vst v3  }
0x54: {  	[tilespmem:$0x210] =	vst v3  }
0x55: {  	[tilespmem:$0x220] =	vst v3  }
0x56: {  	[tilespmem:$0x230] =	vst v3  }
0x57: {  	[tilespmem:$0x240] =	vst v3  }
0x58: {  	[tilespmem:$0x250] =	vst v3  }
0x59: {  	[tilespmem:$0x260] =	vst v3;
	v4 =	vld [tilespmem:$0x100]  }
0x5a: {  	[tilespmem:$0x270] =	vst v3  }
0x5b: {  	[tilespmem:$0x280] =	vst v3  }
0x5c: {  	[tilespmem:$0x290] =	vst v3  }
0x5d: {  	[tilespmem:$0x2A0] =	vst v3  }
0x5e: {  	[tilespmem:$0x2B0] =	vst v3;
	v4 =	vshrl.u32 v4, $0x18  }
0x5f: {  	[tilespmem:$0x2C0] =	vst v3  }
0x60: {  	[tilespmem:$0x2D0] =	vst v3  }
0x61: {  	[tilespmem:$0x2E0] =	vst v3  }
0x62: {  	v5 =	vimm.s32 $0x1;
	s1 =	simm.s32 $0x200;
	[tilespmem:$0x2F0] =	vst v3  }
0x63: {  	[tilespmem:v4+s1+$0x0] =	vst.idx.add.s32.msk $0xffff, v5  }
0x64: {  	v4 =	vld [tilespmem:$0x110];
	_ =	sdelay $0x4  }
0x65: {  	v4 =	vshrl.u32 v4, $0x18;
	_ =	sdelay $0x4  }
0x66: {  	[tilespmem:v4+s1+$0x0] =	vst.idx.add.s32.msk $0xffff, v5  }
0x67: {  	v4 =	vld [tilespmem:$0x120];
	_ =	sdelay $0x4  }
0x68: {  	v4 =	vshrl.u32 v4, $0x18;
	_ =	sdelay $0x4  }
0x69: {  	[tilespmem:v4+s1+$0x0] =	vst.idx.add.s32.msk $0xffff, v5  }
0x6a: {  	v4 =	vld [tilespmem:$0x130];
	_ =	sdelay $0x4  }
0x6b: {  	v4 =	vshrl.u32 v4, $0x18;
	_ =	sdelay $0x4  }
0x6c: {  	[tilespmem:v4+s1+$0x0] =	vst.idx.add.s32.msk $0xffff, v5  }
0x6d: {  	v4 =	vld [tilespmem:$0x140];
	_ =	sdelay $0x4  }
0x6e: {  	v4 =	vshrl.u32 v4, $0x18;
	_ =	sdelay $0x4  }
0x6f: {  	[tilespmem:v4+s1+$0x0] =	vst.idx.add.s32.msk $0xffff, v5  }
0x70: {  	v4 =	vld [tilespmem:$0x150];
	_ =	sdelay $0x4  }
0x71: {  	v4 =	vshrl.u32 v4, $0x18;
	_ =	sdelay $0x4  }
0x72: {  	[tilespmem:v4+s1+$0x0] =	vst.idx.add.s32.msk $0xffff, v5  }
0x73: {  	v4 =	vld [tilespmem:$0x160];
	_ =	sdelay $0x4  }
0x74: {  	v4 =	vshrl.u32 v4, $0x18;
	_ =	sdelay $0x4  }
0x75: {  	[tilespmem:v4+s1+$0x0] =	vst.idx.add.s32.msk $0xffff, v5  }
0x76: {  	v4 =	vld [tilespmem:$0x170];
	_ =	sdelay $0x4  }
0x77: {  	v4 =	vshrl.u32 v4, $0x18;
	_ =	sdelay $0x4  }
0x78: {  	[tilespmem:v4+s1+$0x0] =	vst.idx.add.s32.msk $0xffff, v5  }
0x79: {  	v4 =	vld [tilespmem:$0x180];
	_ =	sdelay $0x4  }
0x7a: {  	v4 =	vshrl.u32 v4, $0x18;
	_ =	sdelay $0x4  }
0x7b: {  	[tilespmem:v4+s1+$0x0] =	vst.idx.add.s32.msk $0xffff, v5  }
0x7c: {  	v4 =	vld [tilespmem:$0x190];
	_ =	sdelay $0x4  }
0x7d: {  	v4 =	vshrl.u32 v4, $0x18;
	_ =	sdelay $0x4  }
0x7e: {  	[tilespmem:v4+s1+$0x0] =	vst.idx.add.s32.msk $0xffff, v5  }
0x7f: {  	v4 =	vld [tilespmem:$0x1A0];
	_ =	sdelay $0x4  }
0x80: {  	v4 =	vshrl.u32 v4, $0x18;
	_ =	sdelay $0x4  }
0x81: {  	[tilespmem:v4+s1+$0x0] =	vst.idx.add.s32.msk $0xffff, v5  }
0x82: {  	v4 =	vld [tilespmem:$0x1B0];
	_ =	sdelay $0x4  }
0x83: {  	v4 =	vshrl.u32 v4, $0x18;
	_ =	sdelay $0x4  }
0x84: {  	[tilespmem:v4+s1+$0x0] =	vst.idx.add.s32.msk $0xffff, v5  }
0x85: {  	v4 =	vld [tilespmem:$0x1C0];
	_ =	sdelay $0x4  }
0x86: {  	v4 =	vshrl.u32 v4, $0x18;
	_ =	sdelay $0x4  }
0x87: {  	[tilespmem:v4+s1+$0x0] =	vst.idx.add.s32.msk $0xffff, v5  }
0x88: {  	v4 =	vld [tilespmem:$0x1D0];
	_ =	sdelay $0x4  }
0x89: {  	v4 =	vshrl.u32 v4, $0x18;
	_ =	sdelay $0x4  }
0x8a: {  	[tilespmem:v4+s1+$0x0] =	vst.idx.add.s32.msk $0xffff, v5  }
0x8b: {  	v4 =	vld [tilespmem:$0x1E0];
	_ =	sdelay $0x4  }
0x8c: {  	v4 =	vshrl.u32 v4, $0x18;
	_ =	sdelay $0x4  }
0x8d: {  	[tilespmem:v4+s1+$0x0] =	vst.idx.add.s32.msk $0xffff, v5  }
0x8e: {  	v4 =	vld [tilespmem:$0x1F0];
	_ =	sdelay $0x4  }
0x8f: {  	v4 =	vshrl.u32 v4, $0x18;
	_ =	sdelay $0x4  }
0x90: {  	s2 =	simm.s32 $0x80;
	s4 =	simm.s32 $0x680;
	s5 =	simm.s32 $0x1;
	[tilespmem:v4+s1+$0x0] =	vst.idx.add.s32.msk $0xffff, v5  }
0x91: {  	[spmem:s0] =	stream.indirect.scatter.add.s32 [tilespmem:s1], [sflag:$0x1], $0x1, s4, s2, $0xb8;
	[tilespmem:$0x9F0] =	vst v63  }
0x92: {  	_ =	swait.ge [sflag:s5], $0x80  }
0x93: {  	[sflag:s5] =	ssyncset.done $0x0  }
0x94: {  	s6 =	simm.s32 $0x700;
	s4 =	simm.s32 $0x280;
	[sflag:s5] =	ssyncadd.s32 $0xFFFFFF80  }
0x95: {  	[spmem:s0] =	stream.indirect.scatter.add.s32 [tilespmem:s4], [sflag:$0x1], $0x1, s6, s2, $0xb8;
	[tilespmem:$0x9F0] =	vst v63  }
0x96: {  	_ =	swait.ge [sflag:s5], $0x80  }
0x97: {  	[sflag:s5] =	ssyncset.done $0x0  }
0x98: {  	[sflag:s5] =	ssyncadd.s32 $0xFFFFFF80  }
0x99: {  	s7 =	simm.s32 $0x300;
	[bflag:$0x0] =	sbarrier.arrive $0xFFFF  }
0x9a: {  	[tilespmem:s7], [sflag:$0x1] =	stream.linear.gather [spmem:s0], $0x100, $0x38;
	[tilespmem:$0x9F0] =	vst v63  }
0x9b: {  	_ =	swait.ge [sflag:s5], $0x100  }
0x9c: {  	[sflag:s5] =	ssyncset.done $0x0  }
0x9d: {  	s8 =	simm.s32 $0x3F0;
	[sflag:s5] =	ssyncadd.s32 $0xFFFFFF00  }
0x9e: {  	v9 =	vld [tilespmem:s8+$0x0];
	_ =	sdelay $0x2  }
0x9f: {  	v4 =	vlaneseq.u32  }
0xa0: {  	v5 =	vmul.u32 $0xFFFFFFFF, v4  }
0xa1: {  	(xrf0) =	vadd.scan.msk.s32 $0xffff, v9  }
0xa2: {  	v5 =	vadd.s32 $0xF, v5  }
0xa3: {  	v7 =	vperm.xlane v9, v5;
	_ =	sdelay $0x2  }
0xa4: {  	s9 =	simm.s32 $0x3E0  }
0xa5: {  	v6 =	vld [tilespmem:s9+$0x0];
	(xrf0) =	vadd.scan.msk.s32 $0xffff, v7;
	v7, _, _ =	vpop (xrf0)  }
0xa6: {  	(v2sf) =	vpush v7, $0xF;
	_ =	sdelay $0x3  }
0xa7: {  	(xrf0) =	vadd.scan.msk.s32 $0xffff, v6  }
0xa8: {  	s9 =	simm.s32 $0x0;
	v13, _, _ =	vpop (xrf0)  }
0xa9: {  	v8 =	vperm.xlane v6, v5;
	v7 =	vadd.s32 s9, v13  }
0xaa: {  	vm2 =	vgt.s32 v7, $0x1FF  }
0xab: {  	v7 =	vsel vm2, $0x1, v3  }
0xac: {  	s10 =	simm.s32 $0x3D0;
	(xrf0) =	vadd.scan.msk.s32 $0xffff, v7  }
0xad: {  	v10 =	vmctz.xlane vm2;
	v7 =	vld [tilespmem:s10+$0x0];
	(xrf0) =	vadd.scan.msk.s32 $0xffff, v8;
	v8, _, _ =	vpop (xrf0)  }
0xae: {  	(v2sf) =	vpush v8, $0xF  }
0xaf: {  	v8 =	vxor.u32 $0x80000000, v10  }
0xb0: {  	(xrf0) =	vmax.scan.msk.u32 $0xffff, v8;
	_ =	sdelay $0x1  }
0xb1: {  	(xrf0) =	vadd.scan.msk.s32 $0xffff, v7;
	v8, _, _ =	vpop (xrf0);
	s11 =	spop (v2sf)  }
0xb2: {  	v14, _, _ =	vpop (xrf0);
	s10 =	sadd.s32 $0x0, s11  }
0xb3: {  	v11 =	vperm.xlane v7, v5;
	v10 =	vadd.s32 s10, v14  }
0xb4: {  	vm2 =	vgt.s32 v10, $0x1FF  }
0xb5: {  	(v2sf) =	vpush v8, $0xF;
	v8, _, _ =	vpop (xrf0);
	v10 =	vsel vm2, $0x1, v3  }
0xb6: {  	(v2sf) =	vpush v8, $0xF;
	v8 =	vmctz.xlane vm2;
	(xrf0) =	vadd.scan.msk.s32 $0xffff, v10  }
0xb7: {  	(xrf0) =	vadd.scan.msk.s32 $0xffff, v11;
	v11, _, _ =	vpop (xrf0)  }
0xb8: {  	s12 =	simm.s32 $0x3C0;
	v8 =	vxor.u32 $0x80000000, v8;
	(v2sf) =	vpush v11, $0xF  }
0xb9: {  	v10 =	vld [tilespmem:s12+$0x0];
	(xrf0) =	vmax.scan.msk.u32 $0xffff, v8;
	_ =	sdelay $0x2  }
0xba: {  	s13 =	spop (v2sf);
	v8, _, _ =	vpop (xrf0)  }
0xbb: {  	s11 =	sadd.s32 s10, s13;
	v11, _, _ =	vpop (xrf0)  }
0xbc: {  	(xrf0) =	vadd.scan.msk.s32 $0xffff, v10;
	v12 =	vadd.s32 s11, v11  }
0xbd: {  	(v2sf) =	vpush v8, $0xF;
	v8, _, _ =	vpop (xrf0);
	vm2 =	vgt.s32 v12, $0x1FF  }
0xbe: {  	(v2sf) =	vpush v8, $0xF;
	v8 =	vperm.xlane v10, v5;
	v12 =	vsel vm2, $0x1, v3  }
0xbf: {  	(xrf0) =	vadd.scan.msk.s32 $0xffff, v12  }
0xc0: {  	(xrf0) =	vadd.scan.msk.s32 $0xffff, v8  }
0xc1: {  	v12 =	vmctz.xlane vm2  }
0xc2: {  	s14 =	simm.s32 $0x3B0;
	s15 =	spop (v2sf);
	v8, _, _ =	vpop (xrf0)  }
0xc3: {  	s16 =	spop (v2sf);
	v12 =	vxor.u32 $0x80000000, v12;
	(v2sf) =	vpush v8, $0xF;
	v8 =	vld [tilespmem:s14+$0x0]  }
0xc4: {  	s17 =	sxor.u32 $0x80000000, s16  }
0xc5: {  	v15 =	vmov s17;
	s0 =	ssub.s32 $0xF, s17;
	v16, _, _ =	vpop (xrf0);
	s18 =	spop (v2sf)  }
0xc6: {  	(xrf0) =	vmax.scan.msk.u32 $0xffff, v12;
	vm2 =	veq.s32 v15, v4;
	v15 =	vmov s0;
	v12, _, _ =	vpop (xrf0);
	s12 =	sadd.s32 s11, s18  }
0xc7: {  	v13 =	vnsel vm2, $0x0, v13;
	vm2 =	veq.s32 v15, v4;
	v15 =	vadd.s32 s12, v12  }
0xc8: {  	v9 =	vnsel vm2, $0x0, v9;
	(xrf0) =	vadd.scan.msk.s32 $0xffff, v8;
	vm2 =	vgt.s32 v15, $0x1FF  }
0xc9: {  	(xrf0) =	vadd.scan.msk.s32 $0xffff, v13;
	v13 =	vsel vm2, $0x1, v3  }
0xca: {  	(v2sf) =	vpush v16, $0xF  }
0xcb: {  	(xrf0) =	vadd.scan.msk.s32 $0xffff, v9;
	v9 =	vperm.xlane v8, v5;
	v15 =	vmctz.xlane vm2  }
0xcc: {  	(xrf0) =	vadd.scan.msk.s32 $0xffff, v13;
	s19 =	spop (v2sf);
	v13, _, _ =	vpop (xrf0)  }
0xcd: {  	s30 =	simm.s32 $0x800000DF;
	s25 =	simm.s32 $0x800000CF;
	(xrf0) =	vadd.scan.msk.s32 $0xffff, v9;
	v9 =	vxor.u32 $0x80000000, v15;
	s22 =	spop (v2sf);
	(v2sf) =	vpush v13, $0xF  }
0xce: {  	s23 =	simm.s32 $0x800000BF;
	(xrf0) =	vmax.scan.msk.u32 $0xffff, v9;
	s26 =	sxor.u32 $0x80000000, s22  }
0xcf: {  	s21 =	simm.s32 $0x800000AF;
	p0 =	por $0x1, $0x1;
	s0 =	simm.s32 $0x3A0;
	v15, _, _ =	vpop (xrf0);
	v16 =	vmov s26  }
0xd0: {  	s24 =	simm.s32 $0x8000009F;
	s20 =	simm.s32 $0x8000008F;
	p1 =	sgt.s32 s15, $0x0;
	v9 =	vld [tilespmem:s0+$0x0];
	v13, _, _ =	vpop (xrf0)  }
0xd1: {  	s29 =	simm.s32 $0x8000007F;
	s7 =	simm.s32 $0x0;
	p0 =	por !p0, !p1;
	(v2sf) =	vpush v15, $0xF;
	v15, _, _ =	vpop (xrf0)  }
0xd2: {  	s2 =	ssub.s32 $0x800000FF, s16;
	p0 =	por !p0, !p0;
	s18 =	simm.s32 $0x0;
	(v2sf) =	vpush v13, $0xF;
	vm2 =	veq.s32 v16, v4;
	v16, _, _ =	vpop (xrf0)  }
0xd3: {  	s18 =	simm.s32 @p0 $0x1;
	s28 =	ssub.s32 $0xF, s26;
	(v2sf) =	vpush v15, $0xF;
	s31 =	spop (v2sf);
	v13, _, _ =	vpop (xrf0)  }
0xd4: {  	p6 =	seq.s32 s18, $0x0;
	p2 =	sgt.s32 s19, $0x0;
	v15 =	vmov s28;
	v14 =	vnsel vm2, $0x0, v14;
	s13 =	sadd.s32 s12, s31;
	(v2sf) =	vpush v16, $0xF;
	v16, _, _ =	vpop (xrf0)  }
0xd5: {  	s7 =	smov.u32 @p0 s2;
	s14 =	simm.s32 $0x0;
	p1 =	por !p6, !p2;
	(xrf0) =	vadd.scan.msk.s32 $0xffff, v9;
	vm2 =	veq.s32 v15, v4;
	v15 =	vadd.s32 s13, v13;
	(v2sf) =	vpush v16, $0xF  }
0xd6: {  	p2 =	por !p1, !p1;
	s1 =	ssub.s32 $0x800000EF, s22;
	p1 =	por p0, p0;
	(xrf0) =	vadd.scan.msk.s32 $0xffff, v14;
	v6 =	vnsel vm2, $0x0, v6;
	vm2 =	vgt.s32 v15, $0x1FF  }
0xd7: {  	s7 =	smov.u32 @p2 s1;
	s18 =	simm.s32 @p2 $0x1;
	s1 =	simm.s32 $0x8000006F;
	(xrf0) =	vadd.scan.msk.s32 $0xffff, v6;
	v15 =	vperm.xlane v9, v5;
	v6 =	vsel vm2, $0x1, v3;
	v14 =	vmctz.xlane vm2  }
.LBB2_4:
0xd8: {  	p0 =	sne.s32 s1, $0x8000000F;
	s0 =	sadd.s32 $0xFFFFFFF0, s0  }
0xd9: {  	s3 =	spop (v2sf);
	s2 =	smov.u32 s13;
	s4 =	smov.u32 s20  }
0xda: {  	(xrf0) =	vadd.scan.msk.s32 $0xffff, v6;
	s20 =	smov.u32 s29;
	p3 =	por p1, p1;
	p1 =	por p2, p2  }
0xdb: {  	p2 =	seq.s32 s18, $0x0;
	s29 =	smov.u32 s1;
	v6 =	vld [tilespmem:s0+$0x0];
	(xrf0) =	vadd.scan.msk.s32 $0xffff, v15;
	v15, _, _ =	vpop (xrf0);
	v16 =	vxor.u32 $0x80000000, v14;
	p4 =	sgt.s32 s3, $0x0  }
0xdc: {  	(v2sf) =	vpush v15, $0xF;
	(xrf0) =	vmax.scan.msk.u32 $0xffff, v16;
	p2 =	por !p2, !p4;
	s3 =	spop (v2sf);
	v14, _, _ =	vpop (xrf0)  }
0xdd: {  	s5 =	sxor.u32 $0x80000000, s3;
	p2 =	por !p2, !p2;
	s3 =	ssub.s32 s30, s3;
	(v2sf) =	vpush v14, $0xF;
	v14, _, _ =	vpop (xrf0)  }
0xde: {  	v16 =	vmov s5;
	s5 =	ssub.s32 $0xF, s5;
	s7 =	smov.u32 @p2 s3;
	s18 =	simm.s32 @p2 $0x1;
	(v2sf) =	vpush v14, $0xF  }
0xdf: {  	s30 =	smov.u32 s25;
	s25 =	smov.u32 s23;
	s23 =	smov.u32 s21;
	vm2 =	veq.s32 v16, v4;
	v17 =	vmov s5  }
.Ltmp2:
0xe0: {  	s21 =	smov.u32 s24;
	(xrf0) =	vadd.scan.msk.s32 $0xffff, v6;
	v15, _, _ =	vpop (xrf0);
	s3 =	spop (v2sf);
	v18 =	vnsel vm2, $0x0, v11;
	vm2 =	veq.s32 v17, v4;
	v11 =	vmov v12;
	(pc) =	sbr.rel @p0 .LBB2_4-.Ltmp2, $4  }
0xe1: {  	s24 =	smov.u32 s4;
	v14, _, _ =	vpop (xrf0);
	s13 =	sadd.s32 s13, s3;
	(v2sf) =	vpush v15, $0xF;
	v17 =	vnsel vm2, $0x0, v7;
	(xrf0) =	vadd.scan.msk.s32 $0xffff, v18;
	s3 =	spop (v2sf);
	v7 =	vmov v10  }
0xe2: {  	v10 =	vmov v8;
	v8 =	vmov v9;
	v15 =	vadd.s32 s13, v14;
	v16, _, _ =	vpop (xrf0);
	(xrf0) =	vadd.scan.msk.s32 $0xffff, v17;
	s3 =	sadd.s32 s14, s3;
	s4 =	spop (v2sf);
	s14 =	smov.u32 s10  }
0xe3: {  	v12 =	vmovc v13;
	v9 =	vmovc v6;
	v13 =	vmov v14;
	s10 =	smov.u32 s11;
	s11 =	smov.u32 s12;
	vm2 =	vgt.s32 v15, $0x1FF;
	(v2sf) =	vpush v16, $0xF;
	s3 =	ssub.s32 s3, s4  }
0xe4: {  	s1 =	sadd.s32 $0xFFFFFFF0, s1;
	s12 =	smov.u32 s2;
	v15 =	vperm.xlane v9, v5;
	v6 =	vsel vm2, $0x1, v3;
	v14 =	vmctz.xlane vm2;
	s9 =	smov.u32 @p3 s3  }
0xe5: {  	(xrf0) =	vadd.scan.msk.s32 $0xffff, v6  }
0xe6: {  	s0 =	sadd.s32 $0xFFFFFFF0, s0;
	s15 =	spop (v2sf);
	(xrf0) =	vadd.scan.msk.s32 $0xffff, v15;
	v14 =	vxor.u32 $0x80000000, v14  }
0xe7: {  	v6 =	vld [tilespmem:s0+$0x0];
	v15, _, _ =	vpop (xrf0);
	s4 =	spop (v2sf)  }
0xe8: {  	(v2sf) =	vpush v15, $0xF;
	(xrf0) =	vmax.scan.msk.u32 $0xffff, v14;
	s1 =	sxor.u32 $0x80000000, s4  }
0xe9: {  	v16 =	vmov s1;
	v14, _, _ =	vpop (xrf0)  }
0xea: {  	s1 =	ssub.s32 $0xF, s1;
	vm2 =	veq.s32 v16, v4;
	v15, _, _ =	vpop (xrf0)  }
0xeb: {  	(v2sf) =	vpush v14, $0xF;
	v14 =	vmov s1;
	v11 =	vnsel vm2, $0x0, v11;
	v17, _, _ =	vpop (xrf0);
	s2 =	spop (v2sf)  }
0xec: {  	(xrf0) =	vadd.scan.msk.s32 $0xffff, v6;
	vm2 =	veq.s32 v14, v4;
	v16, _, _ =	vpop (xrf0);
	s17 =	sadd.s32 s13, s2  }
0xed: {  	(v2sf) =	vpush v15, $0xF;
	v7 =	vnsel vm2, $0x0, v7;
	v14 =	vadd.s32 s17, v16  }
0xee: {  	(xrf0) =	vadd.scan.msk.s32 $0xffff, v11;
	(v2sf) =	vpush v17, $0xF;
	v11, _, _ =	vpop (xrf0);
	vm2 =	vgt.s32 v14, $0x1FF;
	v14 =	vperm.xlane v6, v5  }
0xef: {  	(xrf0) =	vadd.scan.msk.s32 $0xffff, v7;
	(v2sf) =	vpush v11, $0xF;
	v11 =	vmctz.xlane vm2  }
0xf0: {  	s6 =	spop (v2sf);
	v7 =	vsel vm2, $0x1, v3  }
0xf1: {  	s0 =	sadd.s32 $0xFFFFFFF0, s0;
	s8 =	spop (v2sf);
	(xrf0) =	vadd.scan.msk.s32 $0xffff, v7;
	v11 =	vxor.u32 $0x80000000, v11  }
0xf2: {  	[dreg:$0xd] =	wrdreg s6;
	v7 =	vld [tilespmem:s0+$0x0];
	s6 =	spop (v2sf);
	(xrf0) =	vadd.scan.msk.s32 $0xffff, v14;
	v14, _, _ =	vpop (xrf0)  }
0xf3: {  	s5 =	spop (v2sf);
	(v2sf) =	vpush v14, $0xF  }
0xf4: {  	(xrf0) =	vmax.scan.msk.u32 $0xffff, v11;
	s16 =	sxor.u32 $0x80000000, s5;
	v11, _, _ =	vpop (xrf0)  }
0xf5: {  	s1 =	ssub.s32 $0xF, s16;
	v14, _, _ =	vpop (xrf0);
	(v2sf) =	vpush v11, $0xF;
	v11 =	vmov s16  }
0xf6: {  	(v2sf) =	vpush v14, $0xF;
	vm2 =	veq.s32 v11, v4;
	v14 =	vmov s1  }
0xf7: {  	(xrf0) =	vadd.scan.msk.s32 $0xffff, v7;
	v15, _, _ =	vpop (xrf0);
	s19 =	spop (v2sf);
	v12 =	vnsel vm2, $0x0, v12;
	vm2 =	veq.s32 v14, v4  }
0xf8: {  	s16 =	sadd.s32 s17, s19;
	v11, _, _ =	vpop (xrf0);
	v10 =	vnsel vm2, $0x0, v10;
	(xrf0) =	vadd.scan.msk.s32 $0xffff, v12  }
0xf9: {  	v14 =	vadd.s32 s16, v11;
	(xrf0) =	vadd.scan.msk.s32 $0xffff, v10;
	v10 =	vperm.xlane v7, v5  }
0xfa: {  	(v2sf) =	vpush v15, $0xF;
	v12, _, _ =	vpop (xrf0);
	vm2 =	vgt.s32 v14, $0x1FF  }
0xfb: {  	(v2sf) =	vpush v12, $0xF;
	v12 =	vsel vm2, $0x1, v3  }
0xfc: {  	(xrf0) =	vadd.scan.msk.s32 $0xffff, v12  }
0xfd: {  	s28 =	spop (v2sf);
	(xrf0) =	vadd.scan.msk.s32 $0xffff, v10;
	v10, _, _ =	vpop (xrf0)  }
0xfe: {  	s0 =	sadd.s32 $0xFFFFFFF0, s0;
	s22 =	spop (v2sf);
	v12 =	vmctz.xlane vm2;
	(v2sf) =	vpush v10, $0xF  }
0xff: {  	s3 =	spop (v2sf);
	v10 =	vld [tilespmem:s0+$0x0]  }
0x100: {  	s31 =	spop (v2sf);
	v14, _, _ =	vpop (xrf0);
	v12 =	vxor.u32 $0x80000000, v12  }
0x101: {  	s26 =	sxor.u32 $0x80000000, s31;
	v15, _, _ =	vpop (xrf0)  }
0x102: {  	v17 =	vmov s26;
	s0 =	ssub.s32 $0xF, s26;
	v18, _, _ =	vpop (xrf0);
	s1 =	spop (v2sf)  }
0x103: {  	[dreg:$0x12] =	wrdreg s22;
	(xrf0) =	vmax.scan.msk.u32 $0xffff, v12;
	v19 =	vmov s0;
	vm2 =	veq.s32 v17, v4;
	v12, _, _ =	vpop (xrf0);
	s22 =	sadd.s32 s16, s1  }
0x104: {  	v13 =	vnsel vm2, $0x0, v13;
	vm2 =	veq.s32 v19, v4;
	(xrf0) =	vadd.scan.msk.s32 $0xffff, v10;
	v17 =	vadd.s32 s22, v12  }
0x105: {  	v8 =	vnsel vm2, $0x0, v8;
	(xrf0) =	vadd.scan.msk.s32 $0xffff, v13;
	vm2 =	vgt.s32 v17, $0x1FF  }
0x106: {  	v5 =	vperm.xlane v10, v5;
	(xrf0) =	vadd.scan.msk.s32 $0xffff, v8;
	v8 =	vsel vm2, $0x1, v3  }
0x107: {  	(xrf0) =	vadd.scan.msk.s32 $0xffff, v8  }
0x108: {  	s26 =	spop (v2sf);
	(xrf0) =	vadd.scan.msk.s32 $0xffff, v5  }
0x109: {  	s19 =	spop (v2sf);
	v8, _, _ =	vpop (xrf0)  }
0x10a: {  	s1 =	spop (v2sf);
	v5 =	vmctz.xlane vm2;
	v13, _, _ =	vpop (xrf0)  }
0x10b: {  	[dreg:$0xf] =	wrdreg s8;
	s8 =	spop (v2sf);
	v17, _, _ =	vpop (xrf0)  }
0x10c: {  	(v2sf) =	vpush v14, $0xF;
	s2 =	sxor.u32 $0x80000000, s8;
	v19, _, _ =	vpop (xrf0)  }
0x10d: {  	(v2sf) =	vpush v15, $0xF;
	s0 =	ssub.s32 $0xF, s2;
	v20 =	vmov s2;
	v14, _, _ =	vpop (xrf0);
	s2 =	spop (v2sf)  }
0x10e: {  	v15 =	vxor.u32 $0x80000000, v5;
	v21 =	vmov s0;
	vm2 =	veq.s32 v20, v4;
	v5, _, _ =	vpop (xrf0);
	s2 =	sadd.s32 s22, s2  }
0x10f: {  	p3 =	seq.s32 s18, $0x0;
	p0 =	sgt.s32 s15, $0x0;
	(xrf0) =	vmax.scan.msk.u32 $0xffff, v15;
	v15 =	vnsel vm2, $0x0, v16;
	vm2 =	veq.s32 v21, v4;
	v16 =	vadd.s32 s2, v5  }
0x110: {  	p0 =	por !p3, !p0;
	(v2sf) =	vpush v18, $0xF;
	v9 =	vnsel vm2, $0x0, v9;
	vm2 =	vgt.s32 v16, $0x1FF  }
0x111: {  	p4 =	por !p0, !p0;
	(v2sf) =	vpush v8, $0xF;
	(xrf0) =	vadd.scan.msk.s32 $0xffff, v15;
	v8 =	vmctz.xlane vm2  }
0x112: {  	s18 =	simm.s32 @p4 $0x1;
	(xrf0) =	vadd.scan.msk.s32 $0xffff, v9;
	v3 =	vsel vm2, $0x1, v3  }
0x113: {  	p6 =	seq.s32 s18, $0x0;
	p5 =	sgt.s32 s6, $0x0;
	(v2sf) =	vpush v13, $0xF;
	(xrf0) =	vadd.scan.msk.s32 $0xffff, v3;
	v3 =	vxor.u32 $0x80000000, v8  }
0x114: {  	p0 =	por !p6, !p5;
	(v2sf) =	vpush v17, $0xF  }
0x115: {  	p5 =	por !p0, !p0;
	(v2sf) =	vpush v19, $0xF;
	(xrf0) =	vmax.scan.msk.u32 $0xffff, v3  }
0x116: {  	s18 =	simm.s32 @p5 $0x1;
	(v2sf) =	vpush v14, $0xF;
	v3, _, _ =	vpop (xrf0)  }
0x117: {  	p6 =	seq.s32 s18, $0x0;
	p3 =	sgt.s32 s3, $0x0;
	(v2sf) =	vpush v3, $0xF;
	v3, _, _ =	vpop (xrf0)  }
0x118: {  	p0 =	por !p6, !p3;
	s0 =	simm.s32 @!p4 $0x0;
	(v2sf) =	vpush v3, $0xF;
	v3, _, _ =	vpop (xrf0)  }
0x119: {  	p0 =	por !p0, !p0;
	s0 =	simm.s32 @p4 $0x1;
	(v2sf) =	vpush v3, $0xF;
	v3, _, _ =	vpop (xrf0)  }
0x11a: {  	s18 =	simm.s32 @p0 $0x1;
	[smem:$0x7FA] =	sst s0;
	s0 =	simm.s32 @!p5 $0x0;
	(v2sf) =	vpush v3, $0xF  }
0x11b: {  	p6 =	seq.s32 s18, $0x0;
	s0 =	simm.s32 @p5 $0x1;
	v3, _, _ =	vpop (xrf0)  }
0x11c: {  	p3 =	sgt.s32 s1, $0x0;
	[smem:$0x7FB] =	sst s0;
	s0 =	ssub.s32 s30, s4;
	(v2sf) =	vpush v3, $0xF  }
0x11d: {  	s30 =	spop (v2sf);
	s7 =	smov.u32 @p4 s0;
	s0 =	simm.s32 @!p0 $0x0  }
0x11e: {  	p4 =	por p0, p0;
	s0 =	simm.s32 @p0 $0x1;
	p0 =	por !p6, !p3  }
0x11f: {  	[smem:$0x7FC] =	sst s0;
	s0 =	ssub.s32 s25, s5;
	s25 =	spop (v2sf)  }
0x120: {  	p6 =	por !p0, !p0;
	s4 =	spop (v2sf)  }
0x121: {  	s7 =	smov.u32 @p5 s0;
	s18 =	simm.s32 @p6 $0x1;
	s3 =	spop (v2sf)  }
0x122: {  	p3 =	sgt.s32 s4, $0x0;
	p5 =	seq.s32 s18, $0x0;
	s5 =	spop (v2sf)  }
0x123: {  	p0 =	por !p5, !p3;
	v3 =	vimm.s32 $0x0;
	s4 =	spop (v2sf)  }
0x124: {  	s0 =	ssub.s32 s23, s31;
	p5 =	por !p0, !p0;
	[tilespmem:$0x200] =	vst v3;
	s23 =	spop (v2sf)  }
0x125: {  	s7 =	smov.u32 @p4 s0;
	s18 =	simm.s32 @p5 $0x1;
	[tilespmem:$0x210] =	vst v3;
	s6 =	spop (v2sf)  }
0x126: {  	p4 =	seq.s32 s18, $0x0;
	[tilespmem:$0x220] =	vst v3;
	p0 =	sgt.s32 s6, $0x0;
	s31 =	spop (v2sf)  }
0x127: {  	s0 =	ssub.s32 s21, s8;
	[tilespmem:$0x230] =	vst v3;
	p0 =	por !p4, !p0;
	s5 =	spop (v2sf)  }
0x128: {  	v8 =	vld [tilespmem:$0x100];
	s7 =	smov.u32 @p6 s0;
	[tilespmem:$0x240] =	vst v3;
	p4 =	por !p0, !p0;
	s21 =	spop (v2sf)  }
0x129: {  	s0 =	ssub.s32 s24, s3;
	[tilespmem:$0x250] =	vst v3;
	s18 =	simm.s32 @p4 $0x1;
	s15 =	spop (v2sf)  }
0x12a: {  	s7 =	smov.u32 @p5 s0;
	[tilespmem:$0x260] =	vst v3;
	p3 =	seq.s32 s18, $0x0;
	p0 =	sgt.s32 s15, $0x0  }
0x12b: {  	[tilespmem:$0x270] =	vst v3;
	s0 =	ssub.s32 s20, s31;
	s24 =	spop (v2sf);
	p0 =	por !p3, !p0  }
0x12c: {  	[tilespmem:$0x280] =	vst v3;
	s7 =	smov.u32 @p4 s0;
	s0 =	ssub.s32 s29, s24;
	p3 =	por !p0, !p0  }
0x12d: {  	v9 =	vshrl.u32 v8, $0x18;
	[tilespmem:$0x290] =	vst v3;
	s7 =	smov.u32 @p3 s0  }
0x12e: {  	v8 =	vshrl.u32 v8, $0x10;
	[tilespmem:$0x2A0] =	vst v3;
	vm2 =	veq.s32 v9, s7  }
0x12f: {  	[tilespmem:$0x2B0] =	vst v3;
	v9 =	vand.u32 $0xFF, v8  }
0x130: {  	[tilespmem:$0x2C0] =	vst v3  }
0x131: {  	[tilespmem:$0x2D0] =	vst v3  }
0x132: {  	[tilespmem:$0x2E0] =	vst v3  }
0x133: {  	[tilespmem:$0x2F0] =	vst v3;
	s29 =	simm.s32 $0x200;
	v8 =	vimm.s32 $0x1  }
0x134: {  	[tilespmem:v9+s29+$0x0] =	vst.idx.add.s32.msk vm2, v8  }
0x135: {  	v9 =	vld [tilespmem:$0x110];
	_ =	sdelay $0x4  }
0x136: {  	v13 =	vshrl.u32 v9, $0x18  }
0x137: {  	v9 =	vshrl.u32 v9, $0x10;
	vm2 =	veq.s32 v13, s7  }
0x138: {  	v9 =	vand.u32 $0xFF, v9;
	_ =	sdelay $0x4  }
0x139: {  	[tilespmem:v9+s29+$0x0] =	vst.idx.add.s32.msk vm2, v8  }
0x13a: {  	v9 =	vld [tilespmem:$0x120];
	_ =	sdelay $0x4  }
0x13b: {  	v13 =	vshrl.u32 v9, $0x18  }
0x13c: {  	v9 =	vshrl.u32 v9, $0x10;
	vm2 =	veq.s32 v13, s7  }
0x13d: {  	v9 =	vand.u32 $0xFF, v9;
	_ =	sdelay $0x4  }
0x13e: {  	[tilespmem:v9+s29+$0x0] =	vst.idx.add.s32.msk vm2, v8  }
0x13f: {  	v9 =	vld [tilespmem:$0x130];
	_ =	sdelay $0x4  }
0x140: {  	v13 =	vshrl.u32 v9, $0x18  }
0x141: {  	v9 =	vshrl.u32 v9, $0x10;
	vm2 =	veq.s32 v13, s7  }
0x142: {  	v9 =	vand.u32 $0xFF, v9;
	_ =	sdelay $0x4  }
0x143: {  	[tilespmem:v9+s29+$0x0] =	vst.idx.add.s32.msk vm2, v8  }
0x144: {  	v9 =	vld [tilespmem:$0x140];
	_ =	sdelay $0x4  }
0x145: {  	v13 =	vshrl.u32 v9, $0x18  }
0x146: {  	v9 =	vshrl.u32 v9, $0x10;
	vm2 =	veq.s32 v13, s7  }
0x147: {  	v9 =	vand.u32 $0xFF, v9;
	_ =	sdelay $0x4  }
0x148: {  	[tilespmem:v9+s29+$0x0] =	vst.idx.add.s32.msk vm2, v8  }
0x149: {  	v9 =	vld [tilespmem:$0x150];
	_ =	sdelay $0x4  }
0x14a: {  	v13 =	vshrl.u32 v9, $0x18  }
0x14b: {  	v9 =	vshrl.u32 v9, $0x10;
	vm2 =	veq.s32 v13, s7  }
0x14c: {  	v9 =	vand.u32 $0xFF, v9;
	_ =	sdelay $0x4  }
0x14d: {  	[tilespmem:v9+s29+$0x0] =	vst.idx.add.s32.msk vm2, v8  }
0x14e: {  	v9 =	vld [tilespmem:$0x160];
	_ =	sdelay $0x4  }
0x14f: {  	v13 =	vshrl.u32 v9, $0x18  }
0x150: {  	v9 =	vshrl.u32 v9, $0x10;
	vm2 =	veq.s32 v13, s7  }
0x151: {  	v9 =	vand.u32 $0xFF, v9;
	_ =	sdelay $0x4  }
0x152: {  	[tilespmem:v9+s29+$0x0] =	vst.idx.add.s32.msk vm2, v8  }
0x153: {  	v9 =	vld [tilespmem:$0x170];
	_ =	sdelay $0x4  }
0x154: {  	v13 =	vshrl.u32 v9, $0x18  }
0x155: {  	v9 =	vshrl.u32 v9, $0x10;
	vm2 =	veq.s32 v13, s7  }
0x156: {  	v9 =	vand.u32 $0xFF, v9;
	_ =	sdelay $0x4  }
0x157: {  	[tilespmem:v9+s29+$0x0] =	vst.idx.add.s32.msk vm2, v8  }
0x158: {  	v9 =	vld [tilespmem:$0x180];
	_ =	sdelay $0x4  }
0x159: {  	v13 =	vshrl.u32 v9, $0x18  }
0x15a: {  	v9 =	vshrl.u32 v9, $0x10;
	vm2 =	veq.s32 v13, s7  }
0x15b: {  	v9 =	vand.u32 $0xFF, v9;
	_ =	sdelay $0x4  }
0x15c: {  	[tilespmem:v9+s29+$0x0] =	vst.idx.add.s32.msk vm2, v8  }
0x15d: {  	v9 =	vld [tilespmem:$0x190];
	_ =	sdelay $0x4  }
0x15e: {  	v13 =	vshrl.u32 v9, $0x18  }
0x15f: {  	v9 =	vshrl.u32 v9, $0x10;
	vm2 =	veq.s32 v13, s7  }
0x160: {  	v9 =	vand.u32 $0xFF, v9;
	_ =	sdelay $0x4  }
0x161: {  	[tilespmem:v9+s29+$0x0] =	vst.idx.add.s32.msk vm2, v8  }
0x162: {  	v9 =	vld [tilespmem:$0x1A0];
	_ =	sdelay $0x4  }
0x163: {  	v13 =	vshrl.u32 v9, $0x18  }
0x164: {  	v9 =	vshrl.u32 v9, $0x10;
	vm2 =	veq.s32 v13, s7  }
0x165: {  	v9 =	vand.u32 $0xFF, v9;
	_ =	sdelay $0x4  }
0x166: {  	[tilespmem:v9+s29+$0x0] =	vst.idx.add.s32.msk vm2, v8  }
0x167: {  	v9 =	vld [tilespmem:$0x1B0];
	_ =	sdelay $0x4  }
0x168: {  	v13 =	vshrl.u32 v9, $0x18  }
0x169: {  	v9 =	vshrl.u32 v9, $0x10;
	vm2 =	veq.s32 v13, s7  }
0x16a: {  	v9 =	vand.u32 $0xFF, v9;
	_ =	sdelay $0x4  }
0x16b: {  	[tilespmem:v9+s29+$0x0] =	vst.idx.add.s32.msk vm2, v8  }
0x16c: {  	v9 =	vld [tilespmem:$0x1C0];
	_ =	sdelay $0x4  }
0x16d: {  	v13 =	vshrl.u32 v9, $0x18  }
0x16e: {  	v9 =	vshrl.u32 v9, $0x10;
	vm2 =	veq.s32 v13, s7  }
0x16f: {  	v9 =	vand.u32 $0xFF, v9;
	_ =	sdelay $0x4  }
0x170: {  	[tilespmem:v9+s29+$0x0] =	vst.idx.add.s32.msk vm2, v8  }
0x171: {  	v9 =	vld [tilespmem:$0x1D0];
	_ =	sdelay $0x4  }
0x172: {  	v13 =	vshrl.u32 v9, $0x18  }
0x173: {  	v9 =	vshrl.u32 v9, $0x10;
	vm2 =	veq.s32 v13, s7  }
0x174: {  	v9 =	vand.u32 $0xFF, v9;
	_ =	sdelay $0x2  }
0x175: {  	s3 =	sxor.u32 $0x80000000, s3  }
0x176: {  	s0 =	ssub.s32 $0xF, s3;
	v13 =	vmov s3  }
0x177: {  	s8 =	sxor.u32 $0x80000000, s31;
	v14 =	vmov s0;
	[tilespmem:v9+s29+$0x0] =	vst.idx.add.s32.msk vm2, v8;
	vm2 =	veq.s32 v13, v4  }
0x178: {  	s15 =	ssub.s32 $0xF, s8;
	v9 =	vld [tilespmem:$0x1E0];
	v11 =	vnsel vm2, $0x0, v11;
	vm2 =	veq.s32 v14, v4  }
0x179: {  	s20 =	sxor.u32 $0x80000000, s24;
	v13 =	vmov s8;
	v14 =	vmov s15;
	v6 =	vnsel vm2, $0x0, v6;
	(xrf0) =	vadd.scan.msk.s32 $0xffff, v11  }
0x17a: {  	s0 =	ssub.s32 $0xF, s20;
	vm2 =	veq.s32 v13, v4;
	vm3 =	veq.s32 v14, v4;
	(xrf0) =	vadd.scan.msk.s32 $0xffff, v6;
	v6 =	vmov s20  }
0x17b: {  	v7 =	vnsel vm3, $0x0, v7;
	vm3 =	veq.s32 v6, v4;
	v6 =	vmov s0  }
0x17c: {  	v11 =	vnsel vm2, $0x0, v12;
	v5 =	vnsel vm3, $0x0, v5;
	vm3 =	veq.s32 v6, v4  }
0x17d: {  	(xrf0) =	vadd.scan.msk.s32 $0xffff, v11;
	v12 =	vshrl.u32 v9, $0x18;
	v4 =	vnsel vm3, $0x0, v10  }
0x17e: {  	(xrf0) =	vadd.scan.msk.s32 $0xffff, v7;
	v9 =	vshrl.u32 v9, $0x10;
	vm2 =	veq.s32 v12, s7  }
0x17f: {  	(xrf0) =	vadd.scan.msk.s32 $0xffff, v5;
	v9 =	vand.u32 $0xFF, v9  }
0x180: {  	(xrf0) =	vadd.scan.msk.s32 $0xffff, v4;
	v4, _, _ =	vpop (xrf0)  }
0x181: {  	(v2sf) =	vpush v4, $0xF;
	v4, _, _ =	vpop (xrf0)  }
0x182: {  	(v2sf) =	vpush v4, $0xF  }
0x183: {  	v4, _, _ =	vpop (xrf0)  }
0x184: {  	(v2sf) =	vpush v4, $0xF;
	v4, _, _ =	vpop (xrf0);
	[tilespmem:v9+s29+$0x0] =	vst.idx.add.s32.msk vm2, v8  }
0x185: {  	(v2sf) =	vpush v4, $0xF;
	v4, _, _ =	vpop (xrf0);
	v5 =	vld [tilespmem:$0x1F0]  }
0x186: {  	(v2sf) =	vpush v4, $0xF;
	v4, _, _ =	vpop (xrf0)  }
0x187: {  	(v2sf) =	vpush v4, $0xF;
	_ =	sdelay $0x2  }
0x188: {  	v4 =	vshrl.u32 v5, $0x18  }
0x189: {  	v5 =	vshrl.u32 v5, $0x10;
	vm2 =	veq.s32 v4, s7  }
0x18a: {  	v4 =	vand.u32 $0xFF, v5;
	_ =	sdelay $0x3  }
0x18b: {  	s1 =	simm.s32 $0x80;
	s15 =	spop (v2sf)  }
0x18c: {  	s31 =	rddreg [dreg:$0x2];
	s24 =	simm.s32 $0x680;
	[tilespmem:v4+s29+$0x0] =	vst.idx.add.s32.msk vm2, v8;
	s18 =	spop (v2sf)  }
0x18d: {  	[spmem:s31] =	stream.indirect.scatter.add.s32 [tilespmem:s29], [sflag:$0x1], $0x1, s24, s1, $0xb8;
	[tilespmem:$0x9F0] =	vst v63  }
0x18e: {  	s8 =	spop (v2sf)  }
0x18f: {  	s6 =	spop (v2sf)  }
0x190: {  	s3 =	spop (v2sf)  }
0x191: {  	s20 =	simm.s32 $0x1;
	s0 =	spop (v2sf)  }
0x192: {  	_ =	swait.ge [sflag:s20], $0x80  }
0x193: {  	[sflag:s20] =	ssyncset.done $0x0  }
0x194: {  	s24 =	simm.s32 $0x700;
	s29 =	simm.s32 $0x280;
	[sflag:s20] =	ssyncadd.s32 $0xFFFFFF80  }
0x195: {  	[spmem:s31] =	stream.indirect.scatter.add.s32 [tilespmem:s29], [sflag:$0x1], $0x1, s24, s1, $0xb8;
	[tilespmem:$0x9F0] =	vst v63  }
0x196: {  	_ =	swait.ge [sflag:s20], $0x80  }
0x197: {  	[sflag:s20] =	ssyncset.done $0x0  }
0x198: {  	[sflag:s20] =	ssyncadd.s32 $0xFFFFFF80  }
0x199: {  	s29 =	simm.s32 $0x300;
	[bflag:$0x0] =	sbarrier.arrive $0xFFFF  }
0x19a: {  	[tilespmem:s29], [sflag:$0x1] =	stream.linear.gather [spmem:s31], $0x100, $0x38;
	[tilespmem:$0x9F0] =	vst v63  }
0x19b: {  	p2 =	por p2, p2;
	s10 =	sadd.s32 s10, s28;
	_ =	swait.ge [sflag:s20], $0x100  }
0x19c: {  	s24 =	simm.s32 $0x3F0;
	[sflag:s20] =	ssyncset.done $0x0;
	s29 =	rddreg [dreg:$0xd]  }
0x19d: {  	[sflag:s20] =	ssyncadd.s32 $0xFFFFFF00;
	s14 =	sadd.s32 s14, s29;
	s29 =	rddreg [dreg:$0x12]  }
0x19e: {  	s28 =	simm.s32 $0x3E0;
	s11 =	sadd.s32 s11, s26;
	v12 =	vld [tilespmem:s24+$0x0];
	s24 =	rddreg [dreg:$0xf]  }
0x19f: {  	p0 =	por p1, p1;
	s1 =	ssub.s32 s14, s24;
	s14 =	sld [smem:$0x7FA]  }
0x1a0: {  	s9 =	smov.u32 @p0 s1;
	s1 =	ssub.s32 s10, s29;
	p0 =	por p2, p2  }
0x1a1: {  	v4 =	vlaneseq.u32;
	s9 =	smov.u32 @p0 s1;
	s1 =	ssub.s32 s11, s19;
	s19 =	sld [smem:$0x7FB]  }
0x1a2: {  	p5 =	por p5, p5;
	s4 =	sadd.s32 s13, s4;
	s26 =	sadd.s32 s17, s5;
	v5 =	vmul.u32 $0xFFFFFFFF, v4  }
0x1a3: {  	s2 =	sadd.s32 s2, s3;
	s24 =	sld [smem:$0x7FC];
	p1 =	seq.s32 s14, $0x1;
	(xrf0) =	vadd.scan.msk.s32 $0xffff, v12  }
0x1a4: {  	v6 =	vadd.s32 $0xF, v5;
	s20 =	sadd.s32 s12, s30;
	p0 =	por p1, p1;
	p2 =	seq.s32 s19, $0x1  }
0x1a5: {  	s29 =	sadd.s32 s16, s15;
	v5 =	vperm.xlane v12, v6;
	p0 =	por p0, p0;
	p1 =	por p2, p2  }
0x1a6: {  	s9 =	smov.u32 @p0 s1;
	p2 =	seq.s32 s24, $0x1;
	s1 =	ssub.s32 s20, s25  }
0x1a7: {  	p0 =	por p1, p1;
	p1 =	por p2, p2;
	p2 =	por p6, p6  }
0x1a8: {  	s9 =	smov.u32 @p0 s1;
	p0 =	por p1, p1;
	s1 =	ssub.s32 s4, s23  }
0x1a9: {  	(xrf0) =	vadd.scan.msk.s32 $0xffff, v5;
	p6 =	por p4, p4;
	s4 =	sadd.s32 s22, s8;
	s9 =	smov.u32 @p0 s1;
	v5, _, _ =	vpop (xrf0)  }
0x1aa: {  	v7 =	vld [tilespmem:s28+$0x0];
	p0 =	por p2, p2;
	s1 =	ssub.s32 s26, s21;
	p2 =	por p3, p3;
	(v2sf) =	vpush v5, $0xF  }
0x1ab: {  	s9 =	smov.u32 @p0 s1;
	p0 =	por p5, p5;
	s1 =	ssub.s32 s29, s18  }
0x1ac: {  	s9 =	smov.u32 @p0 s1;
	p0 =	por p6, p6;
	s1 =	ssub.s32 s4, s6  }
0x1ad: {  	s0 =	ssub.s32 s2, s0;
	s9 =	smov.u32 @p0 s1;
	p0 =	por p2, p2  }
0x1ae: {  	s9 =	smov.u32 @p0 s0  }
0x1af: {  	(xrf0) =	vadd.scan.msk.s32 $0xffff, v7;
	v14, _, _ =	vpop (xrf0);
	s0 =	ssub.s32 $0x200, s9;
	s9 =	simm.s32 $0x0  }
0x1b0: {  	v5 =	vmov s0;
	v8 =	vadd.s32 s9, v14  }
0x1b1: {  	v9 =	vperm.xlane v7, v6;
	vm2 =	vge.s32 v8, v5  }
0x1b2: {  	v8 =	vsel vm2, $0x1, v3  }
0x1b3: {  	(xrf0) =	vadd.scan.msk.s32 $0xffff, v8  }
0x1b4: {  	s5 =	simm.s32 $0x3D0;
	v10 =	vmctz.xlane vm2;
	(xrf0) =	vadd.scan.msk.s32 $0xffff, v9  }
0x1b5: {  	v8 =	vld [tilespmem:s5+$0x0];
	v9, _, _ =	vpop (xrf0)  }
0x1b6: {  	(v2sf) =	vpush v9, $0xF;
	v9 =	vxor.u32 $0x80000000, v10;
	_ =	sdelay $0x1  }
0x1b7: {  	(xrf0) =	vmax.scan.msk.u32 $0xffff, v9  }
0x1b8: {  	v9, _, _ =	vpop (xrf0);
	s6 =	spop (v2sf)  }
0x1b9: {  	(xrf0) =	vadd.scan.msk.s32 $0xffff, v8;
	v15, _, _ =	vpop (xrf0);
	s10 =	sadd.s32 $0x0, s6  }
0x1ba: {  	v10 =	vadd.s32 s10, v15  }
0x1bb: {  	vm2 =	vge.s32 v10, v5;
	v10 =	vperm.xlane v8, v6;
	_ =	sdelay $0x1  }
0x1bc: {  	(v2sf) =	vpush v9, $0xF;
	v9, _, _ =	vpop (xrf0);
	v11 =	vsel vm2, $0x1, v3  }
0x1bd: {  	(v2sf) =	vpush v9, $0xF;
	v9 =	vmctz.xlane vm2;
	(xrf0) =	vadd.scan.msk.s32 $0xffff, v11  }
0x1be: {  	(xrf0) =	vadd.scan.msk.s32 $0xffff, v10;
	v10, _, _ =	vpop (xrf0)  }
0x1bf: {  	s8 =	simm.s32 $0x3C0;
	v9 =	vxor.u32 $0x80000000, v9;
	(v2sf) =	vpush v10, $0xF  }
0x1c0: {  	v11 =	vld [tilespmem:s8+$0x0];
	(xrf0) =	vmax.scan.msk.u32 $0xffff, v9;
	_ =	sdelay $0x2  }
0x1c1: {  	s11 =	spop (v2sf);
	v9, _, _ =	vpop (xrf0)  }
0x1c2: {  	s11 =	sadd.s32 s10, s11;
	v10, _, _ =	vpop (xrf0)  }
0x1c3: {  	(xrf0) =	vadd.scan.msk.s32 $0xffff, v11;
	v13 =	vadd.s32 s11, v10  }
0x1c4: {  	(v2sf) =	vpush v9, $0xF;
	v9, _, _ =	vpop (xrf0);
	vm2 =	vge.s32 v13, v5  }
0x1c5: {  	(v2sf) =	vpush v9, $0xF;
	v9 =	vperm.xlane v11, v6;
	v13 =	vsel vm2, $0x1, v3  }
0x1c6: {  	(xrf0) =	vadd.scan.msk.s32 $0xffff, v13  }
0x1c7: {  	(xrf0) =	vadd.scan.msk.s32 $0xffff, v9  }
0x1c8: {  	v13 =	vmctz.xlane vm2  }
0x1c9: {  	s12 =	simm.s32 $0x3B0;
	s13 =	spop (v2sf);
	v9, _, _ =	vpop (xrf0)  }
0x1ca: {  	s14 =	spop (v2sf);
	v13 =	vxor.u32 $0x80000000, v13;
	(v2sf) =	vpush v9, $0xF;
	v9 =	vld [tilespmem:s12+$0x0]  }
0x1cb: {  	s15 =	sxor.u32 $0x80000000, s14  }
0x1cc: {  	[dreg:$0xa] =	wrdreg s0;
	v16 =	vmov s15;
	s0 =	ssub.s32 $0xF, s15;
	v17, _, _ =	vpop (xrf0);
	s16 =	spop (v2sf)  }
0x1cd: {  	(xrf0) =	vmax.scan.msk.u32 $0xffff, v13;
	vm2 =	veq.s32 v16, v4;
	v16 =	vmov s0;
	v13, _, _ =	vpop (xrf0);
	s12 =	sadd.s32 s11, s16  }
0x1ce: {  	v14 =	vnsel vm2, $0x0, v14;
	vm2 =	veq.s32 v16, v4;
	v16 =	vadd.s32 s12, v13  }
0x1cf: {  	v12 =	vnsel vm2, $0x0, v12;
	(xrf0) =	vadd.scan.msk.s32 $0xffff, v9;
	vm2 =	vge.s32 v16, v5  }
0x1d0: {  	(xrf0) =	vadd.scan.msk.s32 $0xffff, v14;
	v14 =	vsel vm2, $0x1, v3  }
0x1d1: {  	(v2sf) =	vpush v17, $0xF  }
0x1d2: {  	(xrf0) =	vadd.scan.msk.s32 $0xffff, v12;
	v12 =	vperm.xlane v9, v6;
	v16 =	vmctz.xlane vm2  }
0x1d3: {  	s17 =	spop (v2sf);
	(xrf0) =	vadd.scan.msk.s32 $0xffff, v14;
	v14, _, _ =	vpop (xrf0)  }
0x1d4: {  	s31 =	simm.s32 $0x800000DF;
	(xrf0) =	vadd.scan.msk.s32 $0xffff, v12;
	v12 =	vxor.u32 $0x80000000, v16;
	s18 =	spop (v2sf);
	(v2sf) =	vpush v14, $0xF  }
0x1d5: {  	s30 =	simm.s32 $0x8000007F;
	s19 =	simm.s32 $0x0;
	(xrf0) =	vmax.scan.msk.u32 $0xffff, v12;
	s22 =	sxor.u32 $0x80000000, s18  }
0x1d6: {  	p3 =	por $0x1, $0x1;
	p4 =	sgt.s32 s13, $0x0;
	s0 =	simm.s32 $0x3A0;
	v16, _, _ =	vpop (xrf0);
	v17 =	vmov s22  }
0x1d7: {  	s24 =	simm.s32 $0x800000BF;
	s25 =	simm.s32 $0x8000009F;
	p0 =	por !p3, !p4;
	v12 =	vld [tilespmem:s0+$0x0];
	v14, _, _ =	vpop (xrf0)  }
0x1d8: {  	s20 =	simm.s32 $0x8000008F;
	s23 =	simm.s32 $0x800000AF;
	p0 =	por !p0, !p0;
	(v2sf) =	vpush v16, $0xF;
	v16, _, _ =	vpop (xrf0)  }
0x1d9: {  	s26 =	simm.s32 $0x800000CF;
	s21 =	simm.s32 $0x0;
	s19 =	simm.s32 @p0 $0x1;
	vm2 =	veq.s32 v17, v4;
	(v2sf) =	vpush v14, $0xF;
	v17, _, _ =	vpop (xrf0)  }
0x1da: {  	s2 =	ssub.s32 $0x800000FF, s14;
	s28 =	ssub.s32 $0xF, s22;
	s29 =	spop (v2sf);
	(v2sf) =	vpush v16, $0xF;
	v14, _, _ =	vpop (xrf0)  }
0x1db: {  	p5 =	seq.s32 s19, $0x0;
	p6 =	sgt.s32 s17, $0x0;
	v15 =	vnsel vm2, $0x0, v15;
	v16 =	vmov s28;
	s13 =	sadd.s32 s12, s29;
	(v2sf) =	vpush v17, $0xF;
	v17, _, _ =	vpop (xrf0)  }
0x1dc: {  	s14 =	simm.s32 $0x0;
	s21 =	smov.u32 @p0 s2;
	p1 =	por !p5, !p6;
	(xrf0) =	vadd.scan.msk.s32 $0xffff, v12;
	vm2 =	veq.s32 v16, v4;
	v16 =	vadd.s32 s13, v14;
	(v2sf) =	vpush v17, $0xF  }
0x1dd: {  	p2 =	por !p1, !p1;
	s1 =	ssub.s32 $0x800000EF, s18;
	p1 =	por p0, p0;
	(xrf0) =	vadd.scan.msk.s32 $0xffff, v15;
	v7 =	vnsel vm2, $0x0, v7;
	vm2 =	vge.s32 v16, v5  }
0x1de: {  	s21 =	smov.u32 @p2 s1;
	s19 =	simm.s32 @p2 $0x1;
	s1 =	simm.s32 $0x8000006F;
	(xrf0) =	vadd.scan.msk.s32 $0xffff, v7;
	v16 =	vperm.xlane v12, v6;
	v7 =	vsel vm2, $0x1, v3;
	v15 =	vmctz.xlane vm2  }
.LBB2_6:
0x1df: {  	p0 =	sne.s32 s1, $0x8000000F;
	s0 =	sadd.s32 $0xFFFFFFF0, s0  }
0x1e0: {  	s3 =	spop (v2sf);
	s2 =	smov.u32 s13;
	s4 =	smov.u32 s20  }
0x1e1: {  	(xrf0) =	vadd.scan.msk.s32 $0xffff, v7;
	s20 =	smov.u32 s30;
	p3 =	por p1, p1;
	p1 =	por p2, p2  }
0x1e2: {  	p2 =	seq.s32 s19, $0x0;
	s30 =	smov.u32 s1;
	v7 =	vld [tilespmem:s0+$0x0];
	(xrf0) =	vadd.scan.msk.s32 $0xffff, v16;
	v16, _, _ =	vpop (xrf0);
	v17 =	vxor.u32 $0x80000000, v15;
	p4 =	sgt.s32 s3, $0x0  }
0x1e3: {  	(v2sf) =	vpush v16, $0xF;
	(xrf0) =	vmax.scan.msk.u32 $0xffff, v17;
	p2 =	por !p2, !p4;
	s3 =	spop (v2sf);
	v15, _, _ =	vpop (xrf0)  }
0x1e4: {  	s5 =	sxor.u32 $0x80000000, s3;
	p2 =	por !p2, !p2;
	s3 =	ssub.s32 s31, s3;
	(v2sf) =	vpush v15, $0xF;
	v15, _, _ =	vpop (xrf0)  }
0x1e5: {  	v17 =	vmov s5;
	s5 =	ssub.s32 $0xF, s5;
	s21 =	smov.u32 @p2 s3;
	s19 =	simm.s32 @p2 $0x1;
	(v2sf) =	vpush v15, $0xF  }
0x1e6: {  	s31 =	smov.u32 s26;
	s26 =	smov.u32 s24;
	s24 =	smov.u32 s23;
	vm2 =	veq.s32 v17, v4;
	v18 =	vmov s5  }
.Ltmp3:
0x1e7: {  	s23 =	smov.u32 s25;
	(xrf0) =	vadd.scan.msk.s32 $0xffff, v7;
	v16, _, _ =	vpop (xrf0);
	s3 =	spop (v2sf);
	v19 =	vnsel vm2, $0x0, v10;
	vm2 =	veq.s32 v18, v4;
	v10 =	vmov v13;
	(pc) =	sbr.rel @p0 .LBB2_6-.Ltmp3, $4  }
0x1e8: {  	s25 =	smov.u32 s4;
	v15, _, _ =	vpop (xrf0);
	s13 =	sadd.s32 s13, s3;
	(v2sf) =	vpush v16, $0xF;
	v18 =	vnsel vm2, $0x0, v8;
	(xrf0) =	vadd.scan.msk.s32 $0xffff, v19;
	s3 =	spop (v2sf);
	v8 =	vmov v11  }
0x1e9: {  	v11 =	vmov v9;
	v9 =	vmov v12;
	v16 =	vadd.s32 s13, v15;
	v17, _, _ =	vpop (xrf0);
	(xrf0) =	vadd.scan.msk.s32 $0xffff, v18;
	s3 =	sadd.s32 s14, s3;
	s4 =	spop (v2sf);
	s14 =	smov.u32 s10  }
0x1ea: {  	v13 =	vmovc v14;
	v12 =	vmovc v7;
	v14 =	vmov v15;
	s10 =	smov.u32 s11;
	s11 =	smov.u32 s12;
	vm2 =	vge.s32 v16, v5;
	(v2sf) =	vpush v17, $0xF;
	s3 =	ssub.s32 s3, s4  }
0x1eb: {  	s1 =	sadd.s32 $0xFFFFFFF0, s1;
	s12 =	smov.u32 s2;
	v16 =	vperm.xlane v12, v6;
	v7 =	vsel vm2, $0x1, v3;
	v15 =	vmctz.xlane vm2;
	s9 =	smov.u32 @p3 s3  }
0x1ec: {  	(xrf0) =	vadd.scan.msk.s32 $0xffff, v7  }
0x1ed: {  	s0 =	sadd.s32 $0xFFFFFFF0, s0;
	s15 =	spop (v2sf);
	(xrf0) =	vadd.scan.msk.s32 $0xffff, v16;
	v15 =	vxor.u32 $0x80000000, v15  }
0x1ee: {  	v7 =	vld [tilespmem:s0+$0x0];
	v16, _, _ =	vpop (xrf0);
	s4 =	spop (v2sf)  }
0x1ef: {  	(v2sf) =	vpush v16, $0xF;
	(xrf0) =	vmax.scan.msk.u32 $0xffff, v15;
	s1 =	sxor.u32 $0x80000000, s4  }
0x1f0: {  	v17 =	vmov s1;
	v15, _, _ =	vpop (xrf0)  }
0x1f1: {  	s1 =	ssub.s32 $0xF, s1;
	vm2 =	veq.s32 v17, v4;
	v16, _, _ =	vpop (xrf0)  }
0x1f2: {  	(v2sf) =	vpush v15, $0xF;
	v15 =	vmov s1;
	v10 =	vnsel vm2, $0x0, v10;
	v18, _, _ =	vpop (xrf0);
	s2 =	spop (v2sf)  }
0x1f3: {  	(xrf0) =	vadd.scan.msk.s32 $0xffff, v7;
	vm2 =	veq.s32 v15, v4;
	v17, _, _ =	vpop (xrf0);
	s18 =	sadd.s32 s13, s2  }
0x1f4: {  	(v2sf) =	vpush v16, $0xF;
	v8 =	vnsel vm2, $0x0, v8;
	v15 =	vadd.s32 s18, v17  }
0x1f5: {  	(xrf0) =	vadd.scan.msk.s32 $0xffff, v10;
	(v2sf) =	vpush v18, $0xF;
	v10, _, _ =	vpop (xrf0);
	vm2 =	vge.s32 v15, v5;
	v15 =	vperm.xlane v7, v6  }
0x1f6: {  	(v2sf) =	vpush v10, $0xF;
	v10 =	vmctz.xlane vm2  }
0x1f7: {  	s8 =	spop (v2sf);
	(xrf0) =	vadd.scan.msk.s32 $0xffff, v8;
	v8 =	vsel vm2, $0x1, v3  }
0x1f8: {  	s0 =	sadd.s32 $0xFFFFFFF0, s0;
	s16 =	spop (v2sf);
	(xrf0) =	vadd.scan.msk.s32 $0xffff, v8;
	v10 =	vxor.u32 $0x80000000, v10  }
0x1f9: {  	v8 =	vld [tilespmem:s0+$0x0];
	s6 =	spop (v2sf);
	(xrf0) =	vadd.scan.msk.s32 $0xffff, v15;
	v15, _, _ =	vpop (xrf0)  }
0x1fa: {  	s5 =	spop (v2sf);
	(v2sf) =	vpush v15, $0xF  }
0x1fb: {  	(xrf0) =	vmax.scan.msk.u32 $0xffff, v10;
	s17 =	sxor.u32 $0x80000000, s5;
	v10, _, _ =	vpop (xrf0)  }
0x1fc: {  	s1 =	ssub.s32 $0xF, s17;
	(v2sf) =	vpush v10, $0xF;
	v10 =	vmov s17  }
0x1fd: {  	v15, _, _ =	vpop (xrf0);
	v18 =	vmov s1;
	vm2 =	veq.s32 v10, v4  }
0x1fe: {  	(xrf0) =	vadd.scan.msk.s32 $0xffff, v8;
	v16, _, _ =	vpop (xrf0);
	s22 =	spop (v2sf);
	v13 =	vnsel vm2, $0x0, v13;
	vm2 =	veq.s32 v18, v4  }
0x1ff: {  	[dreg:$0xe] =	wrdreg s16;
	s16 =	sadd.s32 s18, s22;
	v10, _, _ =	vpop (xrf0);
	v11 =	vnsel vm2, $0x0, v11;
	(xrf0) =	vadd.scan.msk.s32 $0xffff, v13  }
0x200: {  	(v2sf) =	vpush v15, $0xF;
	v15 =	vadd.s32 s16, v10;
	(xrf0) =	vadd.scan.msk.s32 $0xffff, v11;
	v11 =	vperm.xlane v8, v6  }
0x201: {  	(v2sf) =	vpush v16, $0xF;
	v13, _, _ =	vpop (xrf0);
	vm2 =	vge.s32 v15, v5  }
0x202: {  	(v2sf) =	vpush v13, $0xF;
	v13 =	vsel vm2, $0x1, v3  }
0x203: {  	(xrf0) =	vadd.scan.msk.s32 $0xffff, v13  }
0x204: {  	s3 =	spop (v2sf);
	(xrf0) =	vadd.scan.msk.s32 $0xffff, v11;
	v11, _, _ =	vpop (xrf0)  }
0x205: {  	[dreg:$0xc] =	wrdreg s8;
	s0 =	sadd.s32 $0xFFFFFFF0, s0;
	s8 =	spop (v2sf);
	v13 =	vmctz.xlane vm2;
	(v2sf) =	vpush v11, $0xF  }
0x206: {  	[dreg:$0x14] =	wrdreg s3;
	s3 =	spop (v2sf);
	v11 =	vld [tilespmem:s0+$0x0]  }
0x207: {  	[dreg:$0x13] =	wrdreg s8;
	s8 =	spop (v2sf);
	v15, _, _ =	vpop (xrf0);
	v13 =	vxor.u32 $0x80000000, v13  }
0x208: {  	s17 =	sxor.u32 $0x80000000, s8;
	v16, _, _ =	vpop (xrf0)  }
0x209: {  	v18 =	vmov s17;
	s0 =	ssub.s32 $0xF, s17;
	v19, _, _ =	vpop (xrf0);
	s22 =	spop (v2sf)  }
0x20a: {  	(xrf0) =	vmax.scan.msk.u32 $0xffff, v13;
	v20 =	vmov s0;
	vm2 =	veq.s32 v18, v4;
	v13, _, _ =	vpop (xrf0);
	s22 =	sadd.s32 s16, s22  }
0x20b: {  	v14 =	vnsel vm2, $0x0, v14;
	vm2 =	veq.s32 v20, v4;
	(xrf0) =	vadd.scan.msk.s32 $0xffff, v11;
	v18 =	vadd.s32 s22, v13  }
0x20c: {  	v9 =	vnsel vm2, $0x0, v9;
	(xrf0) =	vadd.scan.msk.s32 $0xffff, v14;
	vm2 =	vge.s32 v18, v5  }
0x20d: {  	v6 =	vperm.xlane v11, v6;
	(xrf0) =	vadd.scan.msk.s32 $0xffff, v9;
	v9 =	vsel vm2, $0x1, v3  }
0x20e: {  	(xrf0) =	vadd.scan.msk.s32 $0xffff, v9  }
0x20f: {  	s2 =	spop (v2sf);
	(xrf0) =	vadd.scan.msk.s32 $0xffff, v6  }
0x210: {  	s28 =	spop (v2sf);
	v9, _, _ =	vpop (xrf0)  }
0x211: {  	[dreg:$0x17] =	wrdreg s2;
	s2 =	spop (v2sf);
	v6 =	vmctz.xlane vm2;
	v14, _, _ =	vpop (xrf0)  }
0x212: {  	s1 =	spop (v2sf);
	v18, _, _ =	vpop (xrf0)  }
0x213: {  	(v2sf) =	vpush v15, $0xF;
	s17 =	sxor.u32 $0x80000000, s1;
	v63, _, _ =	vpop (xrf0)  }
0x214: {  	(v2sf) =	vpush v16, $0xF;
	s0 =	ssub.s32 $0xF, s17;
	v21 =	vmov s17;
	v15, _, _ =	vpop (xrf0);
	s17 =	spop (v2sf)  }
0x215: {  	v16 =	vxor.u32 $0x80000000, v6;
	v22 =	vmov s0;
	vm2 =	veq.s32 v21, v4;
	v6, _, _ =	vpop (xrf0);
	s17 =	sadd.s32 s22, s17  }
0x216: {  	p3 =	seq.s32 s19, $0x0;
	p0 =	sgt.s32 s15, $0x0;
	(xrf0) =	vmax.scan.msk.u32 $0xffff, v16;
	v16 =	vnsel vm2, $0x0, v17;
	vm2 =	veq.s32 v22, v4;
	v17 =	vadd.s32 s17, v6  }
0x217: {  	p0 =	por !p3, !p0;
	v12 =	vnsel vm2, $0x0, v12;
	vm2 =	vge.s32 v17, v5  }
0x218: {  	p4 =	por !p0, !p0;
	(v2sf) =	vpush v19, $0xF;
	(xrf0) =	vadd.scan.msk.s32 $0xffff, v16;
	v5 =	vmctz.xlane vm2  }
0x219: {  	s19 =	simm.s32 @p4 $0x1;
	(v2sf) =	vpush v9, $0xF;
	(xrf0) =	vadd.scan.msk.s32 $0xffff, v12;
	v3 =	vsel vm2, $0x1, v3  }
0x21a: {  	p6 =	seq.s32 s19, $0x0;
	p5 =	sgt.s32 s6, $0x0;
	(v2sf) =	vpush v14, $0xF;
	(xrf0) =	vadd.scan.msk.s32 $0xffff, v3;
	v3 =	vxor.u32 $0x80000000, v5  }
0x21b: {  	p0 =	por !p6, !p5;
	(v2sf) =	vpush v18, $0xF  }
0x21c: {  	p5 =	por !p0, !p0;
	(v2sf) =	vpush v63, $0xF;
	(xrf0) =	vmax.scan.msk.u32 $0xffff, v3  }
0x21d: {  	s19 =	simm.s32 @p5 $0x1;
	(v2sf) =	vpush v15, $0xF;
	v3, _, _ =	vpop (xrf0)  }
0x21e: {  	p6 =	seq.s32 s19, $0x0;
	p3 =	sgt.s32 s3, $0x0;
	(v2sf) =	vpush v3, $0xF;
	v3, _, _ =	vpop (xrf0)  }
0x21f: {  	p0 =	por !p6, !p3;
	s0 =	simm.s32 @!p4 $0x0;
	(v2sf) =	vpush v3, $0xF;
	v3, _, _ =	vpop (xrf0)  }
0x220: {  	p0 =	por !p0, !p0;
	s0 =	simm.s32 @p4 $0x1;
	(v2sf) =	vpush v3, $0xF;
	v3, _, _ =	vpop (xrf0)  }
0x221: {  	s19 =	simm.s32 @p0 $0x1;
	[smem:$0x7F7] =	sst s0;
	s0 =	simm.s32 @!p5 $0x0;
	(v2sf) =	vpush v3, $0xF  }
0x222: {  	p6 =	seq.s32 s19, $0x0;
	s0 =	simm.s32 @p5 $0x1;
	v3, _, _ =	vpop (xrf0)  }
0x223: {  	p3 =	sgt.s32 s2, $0x0;
	[smem:$0x7F8] =	sst s0;
	s0 =	ssub.s32 s31, s4;
	(v2sf) =	vpush v3, $0xF  }
0x224: {  	s31 =	spop (v2sf);
	s21 =	smov.u32 @p4 s0;
	s0 =	simm.s32 @!p0 $0x0  }
0x225: {  	p4 =	por p0, p0;
	s0 =	simm.s32 @p0 $0x1;
	p0 =	por !p6, !p3  }
0x226: {  	[smem:$0x7F9] =	sst s0;
	s0 =	ssub.s32 s26, s5;
	s26 =	spop (v2sf)  }
0x227: {  	p6 =	por !p0, !p0;
	s5 =	spop (v2sf)  }
0x228: {  	s21 =	smov.u32 @p5 s0;
	s19 =	simm.s32 @p6 $0x1;
	s3 =	spop (v2sf)  }
0x229: {  	p3 =	sgt.s32 s5, $0x0;
	p5 =	seq.s32 s19, $0x0;
	s6 =	spop (v2sf)  }
0x22a: {  	s0 =	ssub.s32 s24, s8;
	p0 =	por !p5, !p3;
	s24 =	spop (v2sf)  }
0x22b: {  	p5 =	por !p0, !p0;
	v3 =	vimm.s32 $0x0;
	s4 =	spop (v2sf)  }
0x22c: {  	s21 =	smov.u32 @p4 s0;
	s19 =	simm.s32 @p5 $0x1;
	[tilespmem:$0x200] =	vst v3;
	s8 =	spop (v2sf)  }
0x22d: {  	p4 =	seq.s32 s19, $0x0;
	[tilespmem:$0x210] =	vst v3;
	p0 =	sgt.s32 s8, $0x0;
	s15 =	spop (v2sf)  }
0x22e: {  	s0 =	ssub.s32 s23, s1;
	[tilespmem:$0x220] =	vst v3;
	p0 =	por !p4, !p0;
	s23 =	spop (v2sf)  }
0x22f: {  	s21 =	smov.u32 @p6 s0;
	[tilespmem:$0x230] =	vst v3;
	p4 =	por !p0, !p0;
	s5 =	spop (v2sf)  }
0x230: {  	v5 =	vld [tilespmem:$0x100];
	s0 =	ssub.s32 s25, s3;
	[tilespmem:$0x240] =	vst v3;
	s19 =	simm.s32 @p4 $0x1;
	s25 =	spop (v2sf)  }
0x231: {  	s21 =	smov.u32 @p5 s0;
	[tilespmem:$0x250] =	vst v3;
	p3 =	seq.s32 s19, $0x0;
	p0 =	sgt.s32 s25, $0x0  }
0x232: {  	[tilespmem:$0x260] =	vst v3;
	s0 =	ssub.s32 s20, s15;
	s2 =	spop (v2sf);
	p0 =	por !p3, !p0  }
0x233: {  	[tilespmem:$0x270] =	vst v3;
	s21 =	smov.u32 @p4 s0;
	s0 =	ssub.s32 s30, s2;
	p3 =	por !p0, !p0  }
0x234: {  	s7 =	sshll.u32 s7, $0x8;
	[tilespmem:$0x280] =	vst v3;
	s21 =	smov.u32 @p3 s0  }
0x235: {  	v9 =	vshrl.u32 v5, $0x10;
	[tilespmem:$0x290] =	vst v3;
	s29 =	sor.u32 s7, s21  }
0x236: {  	v5 =	vshrl.u32 v5, $0x8;
	[tilespmem:$0x2A0] =	vst v3;
	vm2 =	veq.s32 v9, s29  }
0x237: {  	[tilespmem:$0x2B0] =	vst v3;
	v9 =	vand.u32 $0xFF, v5  }
0x238: {  	[tilespmem:$0x2C0] =	vst v3  }
0x239: {  	[tilespmem:$0x2D0] =	vst v3  }
0x23a: {  	[tilespmem:$0x2E0] =	vst v3  }
0x23b: {  	[tilespmem:$0x2F0] =	vst v3;
	s19 =	simm.s32 $0x200;
	v5 =	vimm.s32 $0x1  }
0x23c: {  	[tilespmem:v9+s19+$0x0] =	vst.idx.add.s32.msk vm2, v5  }
0x23d: {  	v9 =	vld [tilespmem:$0x110];
	_ =	sdelay $0x4  }
0x23e: {  	v12 =	vshrl.u32 v9, $0x10  }
0x23f: {  	v9 =	vshrl.u32 v9, $0x8;
	vm2 =	veq.s32 v12, s29  }
0x240: {  	v9 =	vand.u32 $0xFF, v9;
	_ =	sdelay $0x4  }
0x241: {  	[tilespmem:v9+s19+$0x0] =	vst.idx.add.s32.msk vm2, v5  }
0x242: {  	v9 =	vld [tilespmem:$0x120];
	_ =	sdelay $0x4  }
0x243: {  	v12 =	vshrl.u32 v9, $0x10  }
0x244: {  	v9 =	vshrl.u32 v9, $0x8;
	vm2 =	veq.s32 v12, s29  }
0x245: {  	v9 =	vand.u32 $0xFF, v9;
	_ =	sdelay $0x4  }
0x246: {  	[tilespmem:v9+s19+$0x0] =	vst.idx.add.s32.msk vm2, v5  }
0x247: {  	v9 =	vld [tilespmem:$0x130];
	_ =	sdelay $0x4  }
0x248: {  	v12 =	vshrl.u32 v9, $0x10  }
0x249: {  	v9 =	vshrl.u32 v9, $0x8;
	vm2 =	veq.s32 v12, s29  }
0x24a: {  	v9 =	vand.u32 $0xFF, v9;
	_ =	sdelay $0x4  }
0x24b: {  	[tilespmem:v9+s19+$0x0] =	vst.idx.add.s32.msk vm2, v5  }
0x24c: {  	v9 =	vld [tilespmem:$0x140];
	_ =	sdelay $0x4  }
0x24d: {  	v12 =	vshrl.u32 v9, $0x10  }
0x24e: {  	v9 =	vshrl.u32 v9, $0x8;
	vm2 =	veq.s32 v12, s29  }
0x24f: {  	v9 =	vand.u32 $0xFF, v9;
	_ =	sdelay $0x4  }
0x250: {  	[tilespmem:v9+s19+$0x0] =	vst.idx.add.s32.msk vm2, v5  }
0x251: {  	v9 =	vld [tilespmem:$0x150];
	_ =	sdelay $0x4  }
0x252: {  	v12 =	vshrl.u32 v9, $0x10  }
0x253: {  	v9 =	vshrl.u32 v9, $0x8;
	vm2 =	veq.s32 v12, s29  }
0x254: {  	v9 =	vand.u32 $0xFF, v9;
	_ =	sdelay $0x4  }
0x255: {  	[tilespmem:v9+s19+$0x0] =	vst.idx.add.s32.msk vm2, v5  }
0x256: {  	v9 =	vld [tilespmem:$0x160];
	_ =	sdelay $0x4  }
0x257: {  	v12 =	vshrl.u32 v9, $0x10  }
0x258: {  	v9 =	vshrl.u32 v9, $0x8;
	vm2 =	veq.s32 v12, s29  }
0x259: {  	v9 =	vand.u32 $0xFF, v9;
	_ =	sdelay $0x4  }
0x25a: {  	[tilespmem:v9+s19+$0x0] =	vst.idx.add.s32.msk vm2, v5  }
0x25b: {  	v9 =	vld [tilespmem:$0x170];
	_ =	sdelay $0x4  }
0x25c: {  	v12 =	vshrl.u32 v9, $0x10  }
0x25d: {  	v9 =	vshrl.u32 v9, $0x8;
	vm2 =	veq.s32 v12, s29  }
0x25e: {  	v9 =	vand.u32 $0xFF, v9;
	_ =	sdelay $0x4  }
0x25f: {  	[tilespmem:v9+s19+$0x0] =	vst.idx.add.s32.msk vm2, v5  }
0x260: {  	v9 =	vld [tilespmem:$0x180];
	_ =	sdelay $0x4  }
0x261: {  	v12 =	vshrl.u32 v9, $0x10  }
0x262: {  	v9 =	vshrl.u32 v9, $0x8;
	vm2 =	veq.s32 v12, s29  }
0x263: {  	v9 =	vand.u32 $0xFF, v9;
	_ =	sdelay $0x4  }
0x264: {  	[tilespmem:v9+s19+$0x0] =	vst.idx.add.s32.msk vm2, v5  }
0x265: {  	v9 =	vld [tilespmem:$0x190];
	_ =	sdelay $0x4  }
0x266: {  	v12 =	vshrl.u32 v9, $0x10  }
0x267: {  	v9 =	vshrl.u32 v9, $0x8;
	vm2 =	veq.s32 v12, s29  }
0x268: {  	v9 =	vand.u32 $0xFF, v9;
	_ =	sdelay $0x4  }
0x269: {  	[tilespmem:v9+s19+$0x0] =	vst.idx.add.s32.msk vm2, v5  }
0x26a: {  	v9 =	vld [tilespmem:$0x1A0];
	_ =	sdelay $0x4  }
0x26b: {  	v12 =	vshrl.u32 v9, $0x10  }
0x26c: {  	v9 =	vshrl.u32 v9, $0x8;
	vm2 =	veq.s32 v12, s29  }
0x26d: {  	v9 =	vand.u32 $0xFF, v9;
	_ =	sdelay $0x4  }
0x26e: {  	[tilespmem:v9+s19+$0x0] =	vst.idx.add.s32.msk vm2, v5  }
0x26f: {  	v9 =	vld [tilespmem:$0x1B0];
	_ =	sdelay $0x4  }
0x270: {  	v12 =	vshrl.u32 v9, $0x10  }
0x271: {  	v9 =	vshrl.u32 v9, $0x8;
	vm2 =	veq.s32 v12, s29  }
0x272: {  	v9 =	vand.u32 $0xFF, v9;
	_ =	sdelay $0x4  }
0x273: {  	[tilespmem:v9+s19+$0x0] =	vst.idx.add.s32.msk vm2, v5  }
0x274: {  	v9 =	vld [tilespmem:$0x1C0];
	_ =	sdelay $0x4  }
0x275: {  	v12 =	vshrl.u32 v9, $0x10  }
0x276: {  	v9 =	vshrl.u32 v9, $0x8;
	vm2 =	veq.s32 v12, s29  }
0x277: {  	v9 =	vand.u32 $0xFF, v9;
	_ =	sdelay $0x4  }
0x278: {  	[tilespmem:v9+s19+$0x0] =	vst.idx.add.s32.msk vm2, v5  }
0x279: {  	v9 =	vld [tilespmem:$0x1D0];
	_ =	sdelay $0x4  }
0x27a: {  	v12 =	vshrl.u32 v9, $0x10  }
0x27b: {  	v9 =	vshrl.u32 v9, $0x8;
	vm2 =	veq.s32 v12, s29  }
0x27c: {  	v9 =	vand.u32 $0xFF, v9;
	_ =	sdelay $0x1  }
0x27d: {  	s15 =	sxor.u32 $0x80000000, s15  }
0x27e: {  	s8 =	sxor.u32 $0x80000000, s3;
	v15 =	vmov s15  }
0x27f: {  	vm3 =	veq.s32 v15, v4;
	s20 =	sxor.u32 $0x80000000, s2;
	s0 =	ssub.s32 $0xF, s8;
	v12 =	vmov s8  }
0x280: {  	v17 =	vmov s20;
	s21 =	ssub.s32 $0xF, s15;
	v14 =	vmov s0;
	[tilespmem:v9+s19+$0x0] =	vst.idx.add.s32.msk vm2, v5;
	vm2 =	veq.s32 v12, v4  }
0x281: {  	s25 =	ssub.s32 $0xF, s20;
	v16 =	vmov s21;
	v9 =	vld [tilespmem:$0x1E0];
	v10 =	vnsel vm2, $0x0, v10;
	vm2 =	veq.s32 v14, v4  }
0x282: {  	v18 =	vmov s25;
	v7 =	vnsel vm2, $0x0, v7;
	(xrf0) =	vadd.scan.msk.s32 $0xffff, v10;
	vm2 =	veq.s32 v16, v4  }
0x283: {  	v10 =	vnsel vm3, $0x0, v13;
	(xrf0) =	vadd.scan.msk.s32 $0xffff, v7;
	v8 =	vnsel vm2, $0x0, v8;
	vm2 =	veq.s32 v17, v4  }
0x284: {  	(xrf0) =	vadd.scan.msk.s32 $0xffff, v10;
	v6 =	vnsel vm2, $0x0, v6;
	vm2 =	veq.s32 v18, v4  }
0x285: {  	v4 =	vnsel vm2, $0x0, v11  }
0x286: {  	(xrf0) =	vadd.scan.msk.s32 $0xffff, v8;
	v12 =	vshrl.u32 v9, $0x10  }
0x287: {  	v7 =	vshrl.u32 v9, $0x8;
	(xrf0) =	vadd.scan.msk.s32 $0xffff, v6;
	vm3 =	veq.s32 v12, s29  }
0x288: {  	v7 =	vand.u32 $0xFF, v7;
	(xrf0) =	vadd.scan.msk.s32 $0xffff, v4;
	v4, _, _ =	vpop (xrf0)  }
0x289: {  	(v2sf) =	vpush v4, $0xF;
	v4, _, _ =	vpop (xrf0)  }
0x28a: {  	(v2sf) =	vpush v4, $0xF;
	v4, _, _ =	vpop (xrf0)  }
0x28b: {  	(v2sf) =	vpush v4, $0xF  }
0x28c: {  	v4, _, _ =	vpop (xrf0)  }
0x28d: {  	(v2sf) =	vpush v4, $0xF;
	v4, _, _ =	vpop (xrf0);
	[tilespmem:v7+s19+$0x0] =	vst.idx.add.s32.msk vm3, v5  }
0x28e: {  	(v2sf) =	vpush v4, $0xF;
	v4, _, _ =	vpop (xrf0);
	v6 =	vld [tilespmem:$0x1F0]  }
0x28f: {  	(v2sf) =	vpush v4, $0xF;
	_ =	sdelay $0x3  }
0x290: {  	v4 =	vshrl.u32 v6, $0x10  }
0x291: {  	v6 =	vshrl.u32 v6, $0x8;
	vm2 =	veq.s32 v4, s29  }
0x292: {  	v4 =	vand.u32 $0xFF, v6;
	_ =	sdelay $0x2  }
0x293: {  	s15 =	spop (v2sf)  }
0x294: {  	s30 =	simm.s32 $0x80;
	s8 =	spop (v2sf)  }
0x295: {  	s20 =	simm.s32 $0x680;
	s7 =	rddreg [dreg:$0x3];
	[tilespmem:v4+s19+$0x0] =	vst.idx.add.s32.msk vm2, v5;
	s6 =	spop (v2sf)  }
0x296: {  	[spmem:s7] =	stream.indirect.scatter.add.s32 [tilespmem:s19], [sflag:$0x1], $0x1, s20, s30, $0xb8;
	[tilespmem:$0x9F0] =	vst v63  }
0x297: {  	s3 =	spop (v2sf)  }
0x298: {  	s1 =	spop (v2sf)  }
0x299: {  	s19 =	simm.s32 $0x1;
	s0 =	spop (v2sf)  }
0x29a: {  	_ =	swait.ge [sflag:s19], $0x80  }
0x29b: {  	[sflag:s19] =	ssyncset.done $0x0  }
0x29c: {  	s25 =	simm.s32 $0x280;
	s21 =	simm.s32 $0x700;
	[sflag:s19] =	ssyncadd.s32 $0xFFFFFF80  }
0x29d: {  	[spmem:s7] =	stream.indirect.scatter.add.s32 [tilespmem:s25], [sflag:$0x1], $0x1, s21, s30, $0xb8;
	[tilespmem:$0x9F0] =	vst v63  }
0x29e: {  	_ =	swait.ge [sflag:s19], $0x80  }
0x29f: {  	[sflag:s19] =	ssyncset.done $0x0  }
0x2a0: {  	[sflag:s19] =	ssyncadd.s32 $0xFFFFFF80  }
0x2a1: {  	s30 =	simm.s32 $0x300;
	[bflag:$0x0] =	sbarrier.arrive $0xFFFF  }
0x2a2: {  	[tilespmem:s30], [sflag:$0x1] =	stream.linear.gather [spmem:s7], $0x100, $0x38;
	[tilespmem:$0x9F0] =	vst v63  }
0x2a3: {  	_ =	swait.ge [sflag:s19], $0x100  }
0x2a4: {  	s21 =	rddreg [dreg:$0xc]  }
0x2a5: {  	s25 =	rddreg [dreg:$0xe]  }
0x2a6: {  	[sflag:s19] =	ssyncset.done $0x0;
	s30 =	rddreg [dreg:$0x14]  }
0x2a7: {  	p2 =	por p2, p2;
	[sflag:s19] =	ssyncadd.s32 $0xFFFFFF00;
	s19 =	rddreg [dreg:$0x17]  }
0x2a8: {  	s20 =	simm.s32 $0x3F0;
	s14 =	sadd.s32 s14, s21;
	s21 =	sld [smem:$0x7F8]  }
0x2a9: {  	p5 =	por p5, p5;
	s10 =	sadd.s32 s10, s30;
	s30 =	sld [smem:$0x7F9];
	v10 =	vld [tilespmem:s20+$0x0]  }
0x2aa: {  	p0 =	por p1, p1;
	s1 =	sadd.s32 s17, s1;
	s20 =	sld [smem:$0x7F7]  }
0x2ab: {  	s2 =	ssub.s32 s14, s25;
	s14 =	rddreg [dreg:$0x13];
	s25 =	sadd.s32 s12, s31  }
0x2ac: {  	v4 =	vlaneseq.u32;
	s9 =	smov.u32 @p0 s2;
	s2 =	ssub.s32 s10, s14;
	p0 =	por p2, p2  }
0x2ad: {  	v5 =	vmul.u32 $0xFFFFFFFF, v4;
	s9 =	smov.u32 @p0 s2;
	s2 =	sadd.s32 s11, s19;
	p1 =	seq.s32 s20, $0x1  }
0x2ae: {  	p2 =	seq.s32 s21, $0x1;
	s2 =	ssub.s32 s2, s28;
	p0 =	por p1, p1;
	(xrf0) =	vadd.scan.msk.s32 $0xffff, v10  }
0x2af: {  	v5 =	vadd.s32 $0xF, v5;
	p1 =	por p2, p2;
	p2 =	seq.s32 s30, $0x1;
	p0 =	por p0, p0  }
0x2b0: {  	v6 =	vperm.xlane v10, v5;
	s9 =	smov.u32 @p0 s2;
	p0 =	por p1, p1;
	s2 =	ssub.s32 s25, s26  }
0x2b1: {  	s31 =	sadd.s32 s13, s24;
	p1 =	por p2, p2;
	s9 =	smov.u32 @p0 s2  }
0x2b2: {  	p0 =	por p1, p1;
	s2 =	ssub.s32 s31, s4;
	s4 =	sadd.s32 s18, s23  }
0x2b3: {  	s9 =	smov.u32 @p0 s2;
	s2 =	ssub.s32 s4, s5;
	s5 =	simm.s32 $0x3E0  }
0x2b4: {  	s7 =	sadd.s32 s16, s15;
	s10 =	sadd.s32 s22, s6;
	p2 =	por p6, p6;
	(xrf0) =	vadd.scan.msk.s32 $0xffff, v6;
	v7 =	vld [tilespmem:s5+$0x0];
	v6, _, _ =	vpop (xrf0)  }
0x2b5: {  	p6 =	por p4, p4;
	p0 =	por p2, p2;
	p2 =	por p3, p3;
	(v2sf) =	vpush v6, $0xF  }
0x2b6: {  	s9 =	smov.u32 @p0 s2;
	p0 =	por p5, p5;
	s2 =	ssub.s32 s7, s8  }
0x2b7: {  	s9 =	smov.u32 @p0 s2;
	p0 =	por p6, p6;
	s2 =	ssub.s32 s10, s3  }
0x2b8: {  	s0 =	ssub.s32 s1, s0;
	s9 =	smov.u32 @p0 s2;
	p0 =	por p2, p2  }
0x2b9: {  	s11 =	rddreg [dreg:$0xa];
	s9 =	smov.u32 @p0 s0;
	(xrf0) =	vadd.scan.msk.s32 $0xffff, v7  }
0x2ba: {  	s8 =	simm.s32 $0x0;
	s0 =	ssub.s32 s11, s9;
	v14, _, _ =	vpop (xrf0)  }
0x2bb: {  	v6 =	vmov s0;
	v8 =	vadd.s32 s8, v14;
	v9 =	vperm.xlane v7, v5  }
0x2bc: {  	vm2 =	vge.s32 v8, v6  }
0x2bd: {  	v8 =	vsel vm2, $0x1, v3  }
0x2be: {  	s12 =	simm.s32 $0x3D0;
	(xrf0) =	vadd.scan.msk.s32 $0xffff, v8  }
0x2bf: {  	v11 =	vmctz.xlane vm2;
	v8 =	vld [tilespmem:s12+$0x0];
	(xrf0) =	vadd.scan.msk.s32 $0xffff, v9;
	v9, _, _ =	vpop (xrf0)  }
0x2c0: {  	(v2sf) =	vpush v9, $0xF  }
0x2c1: {  	v9 =	vxor.u32 $0x80000000, v11  }
0x2c2: {  	(xrf0) =	vmax.scan.msk.u32 $0xffff, v9;
	_ =	sdelay $0x1  }
0x2c3: {  	(xrf0) =	vadd.scan.msk.s32 $0xffff, v8;
	v9, _, _ =	vpop (xrf0);
	s13 =	spop (v2sf)  }
0x2c4: {  	v15, _, _ =	vpop (xrf0);
	s9 =	sadd.s32 $0x0, s13  }
0x2c5: {  	v12 =	vperm.xlane v8, v5;
	v11 =	vadd.s32 s9, v15  }
0x2c6: {  	vm2 =	vge.s32 v11, v6  }
0x2c7: {  	(v2sf) =	vpush v9, $0xF;
	v9, _, _ =	vpop (xrf0);
	v11 =	vsel vm2, $0x1, v3  }
0x2c8: {  	(v2sf) =	vpush v9, $0xF;
	v9 =	vmctz.xlane vm2;
	(xrf0) =	vadd.scan.msk.s32 $0xffff, v11  }
0x2c9: {  	(xrf0) =	vadd.scan.msk.s32 $0xffff, v12;
	v12, _, _ =	vpop (xrf0)  }
0x2ca: {  	s14 =	simm.s32 $0x3C0;
	v9 =	vxor.u32 $0x80000000, v9;
	(v2sf) =	vpush v12, $0xF  }
0x2cb: {  	v11 =	vld [tilespmem:s14+$0x0];
	(xrf0) =	vmax.scan.msk.u32 $0xffff, v9;
	_ =	sdelay $0x2  }
0x2cc: {  	s15 =	spop (v2sf);
	v9, _, _ =	vpop (xrf0)  }
0x2cd: {  	s10 =	sadd.s32 s9, s15;
	v12, _, _ =	vpop (xrf0)  }
0x2ce: {  	(xrf0) =	vadd.scan.msk.s32 $0xffff, v11;
	v13 =	vadd.s32 s10, v12  }
0x2cf: {  	(v2sf) =	vpush v9, $0xF;
	v9, _, _ =	vpop (xrf0);
	vm2 =	vge.s32 v13, v6  }
0x2d0: {  	(v2sf) =	vpush v9, $0xF;
	v9 =	vperm.xlane v11, v5;
	v13 =	vsel vm2, $0x1, v3  }
0x2d1: {  	(xrf0) =	vadd.scan.msk.s32 $0xffff, v13  }
0x2d2: {  	(xrf0) =	vadd.scan.msk.s32 $0xffff, v9  }
0x2d3: {  	v13 =	vmctz.xlane vm2  }
0x2d4: {  	s16 =	simm.s32 $0x3B0;
	s17 =	spop (v2sf);
	v9, _, _ =	vpop (xrf0)  }
0x2d5: {  	s18 =	spop (v2sf);
	v13 =	vxor.u32 $0x80000000, v13;
	(v2sf) =	vpush v9, $0xF;
	v9 =	vld [tilespmem:s16+$0x0]  }
0x2d6: {  	s20 =	sxor.u32 $0x80000000, s18  }
0x2d7: {  	[dreg:$0xb] =	wrdreg s0;
	v16 =	vmov s20;
	s0 =	ssub.s32 $0xF, s20;
	v17, _, _ =	vpop (xrf0);
	s21 =	spop (v2sf)  }
0x2d8: {  	(xrf0) =	vmax.scan.msk.u32 $0xffff, v13;
	vm2 =	veq.s32 v16, v4;
	v16 =	vmov s0;
	v13, _, _ =	vpop (xrf0);
	s11 =	sadd.s32 s10, s21  }
0x2d9: {  	v14 =	vnsel vm2, $0x0, v14;
	vm2 =	veq.s32 v16, v4;
	v16 =	vadd.s32 s11, v13  }
0x2da: {  	v10 =	vnsel vm2, $0x0, v10;
	(xrf0) =	vadd.scan.msk.s32 $0xffff, v9;
	vm2 =	vge.s32 v16, v6  }
0x2db: {  	(xrf0) =	vadd.scan.msk.s32 $0xffff, v14;
	v14 =	vsel vm2, $0x1, v3  }
0x2dc: {  	(v2sf) =	vpush v17, $0xF  }
0x2dd: {  	(xrf0) =	vadd.scan.msk.s32 $0xffff, v10;
	v10 =	vperm.xlane v9, v5;
	v16 =	vmctz.xlane vm2  }
0x2de: {  	(xrf0) =	vadd.scan.msk.s32 $0xffff, v14;
	s22 =	spop (v2sf);
	v14, _, _ =	vpop (xrf0)  }
0x2df: {  	s19 =	simm.s32 $0x800000AF;
	(xrf0) =	vadd.scan.msk.s32 $0xffff, v10;
	v10 =	vxor.u32 $0x80000000, v16;
	s24 =	spop (v2sf);
	(v2sf) =	vpush v14, $0xF  }
0x2e0: {  	p3 =	por $0x1, $0x1;
	p4 =	sgt.s32 s17, $0x0;
	(xrf0) =	vmax.scan.msk.u32 $0xffff, v10;
	s26 =	sxor.u32 $0x80000000, s24  }
0x2e1: {  	s28 =	simm.s32 $0x800000DF;
	p0 =	por !p3, !p4;
	s0 =	simm.s32 $0x3A0;
	v16, _, _ =	vpop (xrf0);
	v17 =	vmov s26  }
0x2e2: {  	s25 =	simm.s32 $0x800000CF;
	p0 =	por !p0, !p0;
	s16 =	simm.s32 $0x0;
	v10 =	vld [tilespmem:s0+$0x0];
	v14, _, _ =	vpop (xrf0)  }
0x2e3: {  	s23 =	simm.s32 $0x8000009F;
	s13 =	simm.s32 $0x0;
	s16 =	simm.s32 @p0 $0x1;
	(v2sf) =	vpush v16, $0xF;
	v16, _, _ =	vpop (xrf0)  }
0x2e4: {  	s17 =	simm.s32 $0x8000008F;
	s2 =	ssub.s32 $0x800000FF, s18;
	p5 =	seq.s32 s16, $0x0;
	(v2sf) =	vpush v14, $0xF;
	vm2 =	veq.s32 v17, v4;
	v17, _, _ =	vpop (xrf0)  }
0x2e5: {  	p6 =	sgt.s32 s22, $0x0;
	s30 =	ssub.s32 $0xF, s26;
	(v2sf) =	vpush v16, $0xF;
	s31 =	spop (v2sf);
	v14, _, _ =	vpop (xrf0)  }
0x2e6: {  	s18 =	simm.s32 $0x0;
	p1 =	por !p5, !p6;
	v16 =	vmov s30;
	v15 =	vnsel vm2, $0x0, v15;
	s12 =	sadd.s32 s11, s31;
	(v2sf) =	vpush v17, $0xF;
	v17, _, _ =	vpop (xrf0)  }
0x2e7: {  	s18 =	smov.u32 @p0 s2;
	s21 =	simm.s32 $0x800000BF;
	p2 =	por !p1, !p1;
	(xrf0) =	vadd.scan.msk.s32 $0xffff, v10;
	vm2 =	veq.s32 v16, v4;
	v16 =	vadd.s32 s12, v14;
	(v2sf) =	vpush v17, $0xF  }
0x2e8: {  	s1 =	ssub.s32 $0x800000EF, s24;
	p1 =	por p0, p0;
	s26 =	simm.s32 $0x8000007F;
	(xrf0) =	vadd.scan.msk.s32 $0xffff, v15;
	v7 =	vnsel vm2, $0x0, v7;
	vm2 =	vge.s32 v16, v6  }
0x2e9: {  	s18 =	smov.u32 @p2 s1;
	s16 =	simm.s32 @p2 $0x1;
	s1 =	simm.s32 $0x8000006F;
	(xrf0) =	vadd.scan.msk.s32 $0xffff, v7;
	v16 =	vperm.xlane v10, v5;
	v7 =	vsel vm2, $0x1, v3;
	v15 =	vmctz.xlane vm2  }
.LBB2_8:
0x2ea: {  	p0 =	sne.s32 s1, $0x8000000F;
	s0 =	sadd.s32 $0xFFFFFFF0, s0  }
0x2eb: {  	s3 =	spop (v2sf);
	s2 =	smov.u32 s12;
	s4 =	smov.u32 s17  }
0x2ec: {  	(xrf0) =	vadd.scan.msk.s32 $0xffff, v7;
	s17 =	smov.u32 s26;
	p3 =	por p1, p1;
	p1 =	por p2, p2  }
0x2ed: {  	p2 =	seq.s32 s16, $0x0;
	s26 =	smov.u32 s1;
	v7 =	vld [tilespmem:s0+$0x0];
	(xrf0) =	vadd.scan.msk.s32 $0xffff, v16;
	v16, _, _ =	vpop (xrf0);
	v17 =	vxor.u32 $0x80000000, v15;
	p4 =	sgt.s32 s3, $0x0  }
0x2ee: {  	(v2sf) =	vpush v16, $0xF;
	(xrf0) =	vmax.scan.msk.u32 $0xffff, v17;
	p2 =	por !p2, !p4;
	s3 =	spop (v2sf);
	v15, _, _ =	vpop (xrf0)  }
0x2ef: {  	s5 =	sxor.u32 $0x80000000, s3;
	p2 =	por !p2, !p2;
	s3 =	ssub.s32 s28, s3;
	(v2sf) =	vpush v15, $0xF;
	v15, _, _ =	vpop (xrf0)  }
0x2f0: {  	v17 =	vmov s5;
	s5 =	ssub.s32 $0xF, s5;
	s18 =	smov.u32 @p2 s3;
	s16 =	simm.s32 @p2 $0x1;
	(v2sf) =	vpush v15, $0xF  }
0x2f1: {  	s28 =	smov.u32 s25;
	s25 =	smov.u32 s21;
	s21 =	smov.u32 s19;
	vm2 =	veq.s32 v17, v4;
	v18 =	vmov s5  }
.Ltmp4:
0x2f2: {  	s19 =	smov.u32 s23;
	(xrf0) =	vadd.scan.msk.s32 $0xffff, v7;
	v16, _, _ =	vpop (xrf0);
	s3 =	spop (v2sf);
	v19 =	vnsel vm2, $0x0, v12;
	vm2 =	veq.s32 v18, v4;
	v12 =	vmov v13;
	(pc) =	sbr.rel @p0 .LBB2_8-.Ltmp4, $4  }
0x2f3: {  	s23 =	smov.u32 s4;
	v15, _, _ =	vpop (xrf0);
	s12 =	sadd.s32 s12, s3;
	(v2sf) =	vpush v16, $0xF;
	v18 =	vnsel vm2, $0x0, v8;
	(xrf0) =	vadd.scan.msk.s32 $0xffff, v19;
	s3 =	spop (v2sf);
	v8 =	vmov v11  }
0x2f4: {  	v11 =	vmov v9;
	v9 =	vmov v10;
	v16 =	vadd.s32 s12, v15;
	v17, _, _ =	vpop (xrf0);
	(xrf0) =	vadd.scan.msk.s32 $0xffff, v18;
	s3 =	sadd.s32 s13, s3;
	s4 =	spop (v2sf);
	s13 =	smov.u32 s9  }
0x2f5: {  	v13 =	vmovc v14;
	v10 =	vmovc v7;
	v14 =	vmov v15;
	s9 =	smov.u32 s10;
	s10 =	smov.u32 s11;
	vm2 =	vge.s32 v16, v6;
	(v2sf) =	vpush v17, $0xF;
	s3 =	ssub.s32 s3, s4  }
0x2f6: {  	s1 =	sadd.s32 $0xFFFFFFF0, s1;
	s11 =	smov.u32 s2;
	v16 =	vperm.xlane v10, v5;
	v7 =	vsel vm2, $0x1, v3;
	v15 =	vmctz.xlane vm2;
	s8 =	smov.u32 @p3 s3  }
0x2f7: {  	s0 =	sadd.s32 $0xFFFFFFF0, s0;
	(xrf0) =	vadd.scan.msk.s32 $0xffff, v7  }
0x2f8: {  	v7 =	vld [tilespmem:s0+$0x0];
	(xrf0) =	vadd.scan.msk.s32 $0xffff, v16;
	v38, _, _ =	vpop (xrf0)  }
0x2f9: {  	(v2sf) =	vpush v38, $0xF  }
0x2fa: {  	s3 =	spop (v2sf);
	v15 =	vxor.u32 $0x80000000, v15  }
0x2fb: {  	s4 =	spop (v2sf);
	(xrf0) =	vmax.scan.msk.u32 $0xffff, v15;
	v39, _, _ =	vpop (xrf0)  }
0x2fc: {  	s1 =	sxor.u32 $0x80000000, s4;
	v40, _, _ =	vpop (xrf0)  }
0x2fd: {  	v17 =	vmov s1;
	s1 =	ssub.s32 $0xF, s1;
	(xrf0) =	vadd.scan.msk.s32 $0xffff, v7;
	v18, _, _ =	vpop (xrf0);
	s2 =	spop (v2sf)  }
0x2fe: {  	(v2sf) =	vpush v39, $0xF;
	vm2 =	veq.s32 v17, v4;
	v41 =	vmov s1;
	v42, _, _ =	vpop (xrf0);
	s14 =	sadd.s32 s12, s2  }
0x2ff: {  	v12 =	vnsel vm2, $0x0, v12;
	vm2 =	veq.s32 v41, v4;
	v43 =	vadd.s32 s14, v42  }
0x300: {  	(v2sf) =	vpush v40, $0xF;
	v8 =	vnsel vm2, $0x0, v8;
	(xrf0) =	vadd.scan.msk.s32 $0xffff, v12;
	vm2 =	vge.s32 v43, v6  }
0x301: {  	v45 =	vperm.xlane v7, v5;
	(v2sf) =	vpush v18, $0xF;
	v44, _, _ =	vpop (xrf0);
	(xrf0) =	vadd.scan.msk.s32 $0xffff, v8;
	v8 =	vsel vm2, $0x1, v3  }
0x302: {  	s0 =	sadd.s32 $0xFFFFFFF0, s0;
	(v2sf) =	vpush v44, $0xF;
	(xrf0) =	vadd.scan.msk.s32 $0xffff, v8  }
0x303: {  	s30 =	spop (v2sf);
	v46 =	vmctz.xlane vm2;
	v8 =	vld [tilespmem:s0+$0x0];
	(xrf0) =	vadd.scan.msk.s32 $0xffff, v45;
	v47, _, _ =	vpop (xrf0)  }
0x304: {  	s31 =	spop (v2sf);
	(v2sf) =	vpush v47, $0xF  }
0x305: {  	[dreg:$0x11] =	wrdreg s31;
	s31 =	spop (v2sf);
	v12 =	vxor.u32 $0x80000000, v46  }
0x306: {  	(xrf0) =	vmax.scan.msk.u32 $0xffff, v12;
	s5 =	spop (v2sf);
	v48, _, _ =	vpop (xrf0)  }
0x307: {  	v49, _, _ =	vpop (xrf0);
	s2 =	sxor.u32 $0x80000000, s5  }
0x308: {  	v50 =	vmov s2;
	s1 =	ssub.s32 $0xF, s2;
	(xrf0) =	vadd.scan.msk.s32 $0xffff, v8;
	v51, _, _ =	vpop (xrf0);
	s6 =	spop (v2sf)  }
0x309: {  	(v2sf) =	vpush v48, $0xF;
	v52 =	vmov s1;
	vm2 =	veq.s32 v50, v4;
	v12, _, _ =	vpop (xrf0);
	s15 =	sadd.s32 s14, s6  }
0x30a: {  	v13 =	vnsel vm2, $0x0, v13;
	vm2 =	veq.s32 v52, v4;
	v53 =	vadd.s32 s15, v12  }
0x30b: {  	(v2sf) =	vpush v49, $0xF;
	v11 =	vnsel vm2, $0x0, v11;
	(xrf0) =	vadd.scan.msk.s32 $0xffff, v13;
	vm2 =	vge.s32 v53, v6  }
0x30c: {  	v55 =	vperm.xlane v8, v5;
	(v2sf) =	vpush v51, $0xF;
	v54, _, _ =	vpop (xrf0);
	(xrf0) =	vadd.scan.msk.s32 $0xffff, v11;
	v56 =	vsel vm2, $0x1, v3  }
0x30d: {  	(v2sf) =	vpush v54, $0xF;
	(xrf0) =	vadd.scan.msk.s32 $0xffff, v56  }
0x30e: {  	s7 =	spop (v2sf);
	v57, _, _ =	vpop (xrf0);
	(xrf0) =	vadd.scan.msk.s32 $0xffff, v55  }
0x30f: {  	s0 =	sadd.s32 $0xFFFFFFF0, s0;
	s20 =	spop (v2sf);
	(v2sf) =	vpush v57, $0xF  }
0x310: {  	v58 =	vld [tilespmem:s0+$0x0];
	s2 =	spop (v2sf)  }
0x311: {  	v59 =	vmctz.xlane vm2;
	v60, _, _ =	vpop (xrf0);
	s6 =	spop (v2sf)  }
0x312: {  	v61, _, _ =	vpop (xrf0);
	s22 =	sxor.u32 $0x80000000, s6  }
0x313: {  	v13 =	vxor.u32 $0x80000000, v59;
	v62 =	vmov s22;
	s0 =	ssub.s32 $0xF, s22;
	v19, _, _ =	vpop (xrf0);
	s24 =	spop (v2sf)  }
0x314: {  	(xrf0) =	vmax.scan.msk.u32 $0xffff, v13;
	v20 =	vmov s0;
	vm2 =	veq.s32 v62, v4;
	v63, _, _ =	vpop (xrf0);
	s24 =	sadd.s32 s15, s24  }
0x315: {  	(xrf0) =	vadd.scan.msk.s32 $0xffff, v58;
	v14 =	vnsel vm2, $0x0, v14;
	vm2 =	veq.s32 v20, v4;
	v24 =	vadd.s32 s24, v63  }
0x316: {  	v9 =	vnsel vm2, $0x0, v9;
	(xrf0) =	vadd.scan.msk.s32 $0xffff, v14;
	vm2 =	vge.s32 v24, v6  }
0x317: {  	v5 =	vperm.xlane v58, v5;
	(xrf0) =	vadd.scan.msk.s32 $0xffff, v9;
	v25 =	vsel vm2, $0x1, v3  }
0x318: {  	(xrf0) =	vadd.scan.msk.s32 $0xffff, v25  }
0x319: {  	[dreg:$0x15] =	wrdreg s20;
	s20 =	spop (v2sf);
	(xrf0) =	vadd.scan.msk.s32 $0xffff, v5  }
0x31a: {  	s22 =	spop (v2sf);
	v26, _, _ =	vpop (xrf0)  }
0x31b: {  	v27, _, _ =	vpop (xrf0);
	s1 =	spop (v2sf);
	v5 =	vmctz.xlane vm2  }
0x31c: {  	s0 =	spop (v2sf);
	v28, _, _ =	vpop (xrf0)  }
0x31d: {  	[dreg:$0x10] =	wrdreg s30;
	s30 =	sxor.u32 $0x80000000, s0;
	v29, _, _ =	vpop (xrf0)  }
0x31e: {  	[dreg:$0x16] =	wrdreg s7;
	(v2sf) =	vpush v60, $0xF;
	s7 =	ssub.s32 $0xF, s30;
	v21 =	vmov s30;
	s30 =	spop (v2sf);
	v30, _, _ =	vpop (xrf0)  }
0x31f: {  	v31 =	vxor.u32 $0x80000000, v5;
	v22 =	vmov s7;
	vm2 =	veq.s32 v21, v4;
	s30 =	sadd.s32 s24, s30;
	v5, _, _ =	vpop (xrf0)  }
0x320: {  	(xrf0) =	vmax.scan.msk.u32 $0xffff, v31;
	v32 =	vnsel vm2, $0x0, v42;
	vm2 =	veq.s32 v22, v4;
	v33 =	vadd.s32 s30, v5  }
0x321: {  	(v2sf) =	vpush v61, $0xF;
	(xrf0) =	vadd.scan.msk.s32 $0xffff, v32;
	vm3 =	vge.s32 v33, v6;
	v6 =	vnsel vm2, $0x0, v10  }
0x322: {  	(v2sf) =	vpush v19, $0xF;
	(xrf0) =	vadd.scan.msk.s32 $0xffff, v6;
	v6 =	vmctz.xlane vm3  }
0x323: {  	p3 =	seq.s32 s16, $0x0;
	p0 =	sgt.s32 s3, $0x0;
	(v2sf) =	vpush v26, $0xF;
	v3 =	vsel vm3, $0x1, v3  }
0x324: {  	p0 =	por !p3, !p0;
	(v2sf) =	vpush v27, $0xF;
	(xrf0) =	vadd.scan.msk.s32 $0xffff, v3;
	v3 =	vxor.u32 $0x80000000, v6  }
0x325: {  	p5 =	por !p0, !p0;
	(v2sf) =	vpush v28, $0xF  }
0x326: {  	s16 =	simm.s32 @p5 $0x1;
	(v2sf) =	vpush v29, $0xF;
	(xrf0) =	vmax.scan.msk.u32 $0xffff, v3  }
0x327: {  	p4 =	seq.s32 s16, $0x0;
	p3 =	sgt.s32 s31, $0x0;
	(v2sf) =	vpush v30, $0xF;
	v3, _, _ =	vpop (xrf0)  }
0x328: {  	s3 =	simm.s32 @!p5 $0x0;
	p0 =	por !p4, !p3;
	(v2sf) =	vpush v3, $0xF;
	v3, _, _ =	vpop (xrf0)  }
0x329: {  	s3 =	simm.s32 @p5 $0x1;
	p3 =	por !p0, !p0;
	(v2sf) =	vpush v3, $0xF;
	v3, _, _ =	vpop (xrf0)  }
0x32a: {  	[smem:$0x7F4] =	sst s3;
	s16 =	simm.s32 @p3 $0x1;
	(v2sf) =	vpush v3, $0xF;
	v3, _, _ =	vpop (xrf0)  }
0x32b: {  	s3 =	simm.s32 @!p3 $0x0;
	p4 =	seq.s32 s16, $0x0;
	p6 =	sgt.s32 s2, $0x0;
	(v2sf) =	vpush v3, $0xF  }
0x32c: {  	s3 =	simm.s32 @p3 $0x1;
	p0 =	por !p4, !p6;
	v3, _, _ =	vpop (xrf0)  }
0x32d: {  	[smem:$0x7F5] =	sst s3;
	s2 =	ssub.s32 s28, s4;
	p4 =	por !p0, !p0;
	(v2sf) =	vpush v3, $0xF  }
0x32e: {  	s18 =	smov.u32 @p5 s2;
	s16 =	simm.s32 @p4 $0x1;
	s2 =	simm.s32 @!p4 $0x0  }
0x32f: {  	p6 =	seq.s32 s16, $0x0;
	p5 =	sgt.s32 s1, $0x0;
	s4 =	spop (v2sf)  }
0x330: {  	s1 =	ssub.s32 s25, s5;
	p0 =	por !p6, !p5;
	s25 =	spop (v2sf)  }
0x331: {  	s2 =	simm.s32 @p4 $0x1;
	p5 =	por !p0, !p0;
	s28 =	spop (v2sf)  }
0x332: {  	s18 =	smov.u32 @p3 s1;
	s16 =	simm.s32 @p5 $0x1;
	s3 =	spop (v2sf)  }
0x333: {  	p6 =	seq.s32 s16, $0x0;
	p3 =	sgt.s32 s28, $0x0;
	s31 =	spop (v2sf)  }
0x334: {  	[smem:$0x7F6] =	sst s2;
	p0 =	por !p6, !p3;
	s5 =	spop (v2sf)  }
0x335: {  	s1 =	ssub.s32 s21, s6;
	p6 =	por !p0, !p0;
	s21 =	spop (v2sf);
	v3 =	vimm.s32 $0x0  }
0x336: {  	s18 =	smov.u32 @p4 s1;
	s16 =	simm.s32 @p6 $0x1;
	[tilespmem:$0x200] =	vst v3;
	s2 =	spop (v2sf)  }
0x337: {  	p4 =	seq.s32 s16, $0x0;
	[tilespmem:$0x210] =	vst v3;
	p0 =	sgt.s32 s2, $0x0;
	s6 =	spop (v2sf)  }
0x338: {  	s0 =	ssub.s32 s19, s0;
	[tilespmem:$0x220] =	vst v3;
	p0 =	por !p4, !p0;
	s19 =	spop (v2sf)  }
0x339: {  	s18 =	smov.u32 @p5 s0;
	[tilespmem:$0x230] =	vst v3;
	p4 =	por !p0, !p0;
	s28 =	spop (v2sf)  }
0x33a: {  	v6 =	vld [tilespmem:$0x100];
	s0 =	ssub.s32 s23, s3;
	[tilespmem:$0x240] =	vst v3;
	s16 =	simm.s32 @p4 $0x1;
	s7 =	spop (v2sf)  }
0x33b: {  	s18 =	smov.u32 @p6 s0;
	[tilespmem:$0x250] =	vst v3;
	p3 =	seq.s32 s16, $0x0;
	p0 =	sgt.s32 s7, $0x0  }
0x33c: {  	[tilespmem:$0x260] =	vst v3;
	s0 =	ssub.s32 s17, s6;
	s17 =	spop (v2sf);
	p0 =	por !p3, !p0  }
0x33d: {  	[tilespmem:$0x270] =	vst v3;
	s18 =	smov.u32 @p4 s0;
	s0 =	ssub.s32 s26, s17;
	p3 =	por !p0, !p0  }
0x33e: {  	s23 =	sshll.u32 s29, $0x8;
	[tilespmem:$0x280] =	vst v3;
	s18 =	smov.u32 @p3 s0  }
0x33f: {  	v34 =	vshrl.u32 v6, $0x8;
	[tilespmem:$0x290] =	vst v3;
	s7 =	sor.u32 s23, s18  }
0x340: {  	[tilespmem:$0x2A0] =	vst v3;
	vm2 =	veq.s32 v34, s7  }
0x341: {  	v6 =	vand.u32 $0xFF, v6;
	[tilespmem:$0x2B0] =	vst v3  }
0x342: {  	[tilespmem:$0x2C0] =	vst v3  }
0x343: {  	[tilespmem:$0x2D0] =	vst v3  }
0x344: {  	[tilespmem:$0x2E0] =	vst v3  }
0x345: {  	v35 =	vimm.s32 $0x1;
	[tilespmem:$0x2F0] =	vst v3;
	s16 =	simm.s32 $0x200  }
0x346: {  	[tilespmem:v6+s16+$0x0] =	vst.idx.add.s32.msk vm2, v35  }
0x347: {  	v6 =	vld [tilespmem:$0x110];
	_ =	sdelay $0x4  }
0x348: {  	v36 =	vshrl.u32 v6, $0x8  }
0x349: {  	vm2 =	veq.s32 v36, s7  }
0x34a: {  	v6 =	vand.u32 $0xFF, v6;
	_ =	sdelay $0x4  }
0x34b: {  	[tilespmem:v6+s16+$0x0] =	vst.idx.add.s32.msk vm2, v35  }
0x34c: {  	v6 =	vld [tilespmem:$0x120];
	_ =	sdelay $0x4  }
0x34d: {  	v37 =	vshrl.u32 v6, $0x8  }
0x34e: {  	vm2 =	veq.s32 v37, s7  }
0x34f: {  	v6 =	vand.u32 $0xFF, v6;
	_ =	sdelay $0x4  }
0x350: {  	[tilespmem:v6+s16+$0x0] =	vst.idx.add.s32.msk vm2, v35  }
0x351: {  	v6 =	vld [tilespmem:$0x130];
	_ =	sdelay $0x4  }
0x352: {  	v38 =	vshrl.u32 v6, $0x8  }
0x353: {  	vm2 =	veq.s32 v38, s7  }
0x354: {  	v6 =	vand.u32 $0xFF, v6;
	_ =	sdelay $0x4  }
0x355: {  	[tilespmem:v6+s16+$0x0] =	vst.idx.add.s32.msk vm2, v35  }
0x356: {  	v6 =	vld [tilespmem:$0x140];
	_ =	sdelay $0x4  }
0x357: {  	v39 =	vshrl.u32 v6, $0x8  }
0x358: {  	vm2 =	veq.s32 v39, s7  }
0x359: {  	v6 =	vand.u32 $0xFF, v6;
	_ =	sdelay $0x4  }
0x35a: {  	[tilespmem:v6+s16+$0x0] =	vst.idx.add.s32.msk vm2, v35  }
0x35b: {  	v6 =	vld [tilespmem:$0x150];
	_ =	sdelay $0x4  }
0x35c: {  	v40 =	vshrl.u32 v6, $0x8  }
0x35d: {  	vm2 =	veq.s32 v40, s7  }
0x35e: {  	v6 =	vand.u32 $0xFF, v6;
	_ =	sdelay $0x4  }
0x35f: {  	[tilespmem:v6+s16+$0x0] =	vst.idx.add.s32.msk vm2, v35  }
0x360: {  	v6 =	vld [tilespmem:$0x160];
	_ =	sdelay $0x4  }
0x361: {  	v41 =	vshrl.u32 v6, $0x8  }
0x362: {  	vm2 =	veq.s32 v41, s7  }
0x363: {  	v6 =	vand.u32 $0xFF, v6;
	_ =	sdelay $0x4  }
0x364: {  	[tilespmem:v6+s16+$0x0] =	vst.idx.add.s32.msk vm2, v35  }
0x365: {  	v6 =	vld [tilespmem:$0x170];
	_ =	sdelay $0x4  }
0x366: {  	v42 =	vshrl.u32 v6, $0x8  }
0x367: {  	vm2 =	veq.s32 v42, s7  }
0x368: {  	v6 =	vand.u32 $0xFF, v6;
	_ =	sdelay $0x4  }
0x369: {  	[tilespmem:v6+s16+$0x0] =	vst.idx.add.s32.msk vm2, v35  }
0x36a: {  	v6 =	vld [tilespmem:$0x180];
	_ =	sdelay $0x4  }
0x36b: {  	v43 =	vshrl.u32 v6, $0x8  }
0x36c: {  	vm2 =	veq.s32 v43, s7  }
0x36d: {  	v6 =	vand.u32 $0xFF, v6;
	_ =	sdelay $0x4  }
0x36e: {  	[tilespmem:v6+s16+$0x0] =	vst.idx.add.s32.msk vm2, v35  }
0x36f: {  	v6 =	vld [tilespmem:$0x190];
	_ =	sdelay $0x4  }
0x370: {  	v44 =	vshrl.u32 v6, $0x8  }
0x371: {  	vm2 =	veq.s32 v44, s7  }
0x372: {  	v6 =	vand.u32 $0xFF, v6;
	_ =	sdelay $0x4  }
0x373: {  	[tilespmem:v6+s16+$0x0] =	vst.idx.add.s32.msk vm2, v35  }
0x374: {  	v6 =	vld [tilespmem:$0x1A0];
	_ =	sdelay $0x4  }
0x375: {  	v45 =	vshrl.u32 v6, $0x8  }
0x376: {  	vm2 =	veq.s32 v45, s7  }
0x377: {  	v6 =	vand.u32 $0xFF, v6;
	_ =	sdelay $0x4  }
0x378: {  	[tilespmem:v6+s16+$0x0] =	vst.idx.add.s32.msk vm2, v35  }
0x379: {  	v6 =	vld [tilespmem:$0x1B0];
	_ =	sdelay $0x4  }
0x37a: {  	v46 =	vshrl.u32 v6, $0x8  }
0x37b: {  	vm2 =	veq.s32 v46, s7  }
0x37c: {  	v6 =	vand.u32 $0xFF, v6;
	_ =	sdelay $0x4  }
0x37d: {  	[tilespmem:v6+s16+$0x0] =	vst.idx.add.s32.msk vm2, v35  }
0x37e: {  	v6 =	vld [tilespmem:$0x1C0];
	_ =	sdelay $0x4  }
0x37f: {  	v47 =	vshrl.u32 v6, $0x8  }
0x380: {  	vm2 =	veq.s32 v47, s7  }
0x381: {  	v6 =	vand.u32 $0xFF, v6;
	_ =	sdelay $0x4  }
0x382: {  	[tilespmem:v6+s16+$0x0] =	vst.idx.add.s32.msk vm2, v35  }
0x383: {  	v6 =	vld [tilespmem:$0x1D0];
	_ =	sdelay $0x4  }
0x384: {  	v48 =	vshrl.u32 v6, $0x8  }
0x385: {  	vm2 =	veq.s32 v48, s7  }
0x386: {  	v6 =	vand.u32 $0xFF, v6;
	_ =	sdelay $0x3  }
0x387: {  	s26 =	sxor.u32 $0x80000000, s3  }
0x388: {  	s31 =	ssub.s32 $0xF, s26;
	v49 =	vmov s26;
	[tilespmem:v6+s16+$0x0] =	vst.idx.add.s32.msk vm2, v35  }
0x389: {  	s29 =	sxor.u32 $0x80000000, s6;
	v50 =	vmov s31;
	vm2 =	veq.s32 v49, v4;
	v6 =	vld [tilespmem:$0x1E0]  }
0x38a: {  	v51 =	vmov s29;
	s3 =	ssub.s32 $0xF, s29;
	vm3 =	veq.s32 v50, v4;
	v12 =	vnsel vm2, $0x0, v12  }
0x38b: {  	s17 =	sxor.u32 $0x80000000, s17;
	v52 =	vmov s3;
	v7 =	vnsel vm3, $0x0, v7;
	vm2 =	veq.s32 v51, v4;
	(xrf0) =	vadd.scan.msk.s32 $0xffff, v12  }
0x38c: {  	v53 =	vmov s17;
	s18 =	ssub.s32 $0xF, s17;
	(xrf0) =	vadd.scan.msk.s32 $0xffff, v7;
	v7 =	vnsel vm2, $0x0, v63;
	vm2 =	veq.s32 v52, v4  }
0x38d: {  	v54 =	vmov s18;
	v8 =	vnsel vm2, $0x0, v8;
	vm2 =	veq.s32 v53, v4  }
0x38e: {  	v5 =	vnsel vm2, $0x0, v5;
	vm2 =	veq.s32 v54, v4;
	v55 =	vshrl.u32 v6, $0x8  }
0x38f: {  	(xrf0) =	vadd.scan.msk.s32 $0xffff, v7;
	v4 =	vnsel vm2, $0x0, v58;
	vm3 =	veq.s32 v55, s7  }
0x390: {  	(xrf0) =	vadd.scan.msk.s32 $0xffff, v8;
	v6 =	vand.u32 $0xFF, v6  }
0x391: {  	(xrf0) =	vadd.scan.msk.s32 $0xffff, v5  }
0x392: {  	(xrf0) =	vadd.scan.msk.s32 $0xffff, v4;
	v4, _, _ =	vpop (xrf0)  }
0x393: {  	(v2sf) =	vpush v4, $0xF  }
0x394: {  	v4, _, _ =	vpop (xrf0)  }
0x395: {  	(v2sf) =	vpush v4, $0xF;
	v4, _, _ =	vpop (xrf0);
	[tilespmem:v6+s16+$0x0] =	vst.idx.add.s32.msk vm3, v35  }
0x396: {  	(v2sf) =	vpush v4, $0xF;
	v4, _, _ =	vpop (xrf0);
	v5 =	vld [tilespmem:$0x1F0]  }
0x397: {  	(v2sf) =	vpush v4, $0xF;
	v4, _, _ =	vpop (xrf0)  }
0x398: {  	(v2sf) =	vpush v4, $0xF;
	v4, _, _ =	vpop (xrf0)  }
0x399: {  	(v2sf) =	vpush v4, $0xF;
	_ =	sdelay $0x1  }
0x39a: {  	v4 =	vshrl.u32 v5, $0x8  }
0x39b: {  	vm2 =	veq.s32 v4, s7  }
0x39c: {  	v4 =	vand.u32 $0xFF, v5;
	_ =	sdelay $0x3  }
0x39d: {  	s2 =	simm.s32 $0x80  }
0x39e: {  	s29 =	rddreg [dreg:$0x4];
	s23 =	simm.s32 $0x680;
	s17 =	spop (v2sf);
	[tilespmem:v4+s16+$0x0] =	vst.idx.add.s32.msk vm2, v35  }
0x39f: {  	[spmem:s29] =	stream.indirect.scatter.add.s32 [tilespmem:s16], [sflag:$0x1], $0x1, s23, s2, $0xb8;
	[tilespmem:$0x9F0] =	vst v63  }
0x3a0: {  	s16 =	spop (v2sf)  }
0x3a1: {  	s6 =	spop (v2sf)  }
0x3a2: {  	s3 =	spop (v2sf)  }
0x3a3: {  	s1 =	spop (v2sf)  }
0x3a4: {  	s18 =	simm.s32 $0x1;
	s0 =	spop (v2sf)  }
0x3a5: {  	_ =	swait.ge [sflag:s18], $0x80  }
0x3a6: {  	[sflag:s18] =	ssyncset.done $0x0  }
0x3a7: {  	s26 =	simm.s32 $0x700;
	s31 =	simm.s32 $0x280;
	[sflag:s18] =	ssyncadd.s32 $0xFFFFFF80  }
0x3a8: {  	[spmem:s29] =	stream.indirect.scatter.add.s32 [tilespmem:s31], [sflag:$0x1], $0x1, s26, s2, $0xb8;
	[tilespmem:$0x9F0] =	vst v63  }
0x3a9: {  	_ =	swait.ge [sflag:s18], $0x80  }
0x3aa: {  	[sflag:s18] =	ssyncset.done $0x0  }
0x3ab: {  	[sflag:s18] =	ssyncadd.s32 $0xFFFFFF80  }
0x3ac: {  	s23 =	simm.s32 $0x300;
	[bflag:$0x0] =	sbarrier.arrive $0xFFFF  }
0x3ad: {  	[tilespmem:s23], [sflag:$0x1] =	stream.linear.gather [spmem:s29], $0x100, $0x38;
	[tilespmem:$0x9F0] =	vst v63  }
0x3ae: {  	_ =	swait.ge [sflag:s18], $0x100  }
0x3af: {  	[sflag:s18] =	ssyncset.done $0x0  }
0x3b0: {  	s26 =	simm.s32 $0x3F0;
	s29 =	rddreg [dreg:$0x10];
	[sflag:s18] =	ssyncadd.s32 $0xFFFFFF00  }
0x3b1: {  	p2 =	por p2, p2;
	s11 =	sadd.s32 s11, s4;
	s31 =	rddreg [dreg:$0x11];
	v5 =	vld [tilespmem:s26+$0x0]  }
0x3b2: {  	s19 =	sadd.s32 s14, s19;
	p0 =	por p1, p1;
	s23 =	rddreg [dreg:$0x15]  }
0x3b3: {  	s1 =	sadd.s32 s30, s1;
	s13 =	sadd.s32 s13, s29;
	s18 =	rddreg [dreg:$0x16]  }
0x3b4: {  	s29 =	sadd.s32 s10, s20;
	s10 =	sld [smem:$0x7F5];
	s20 =	sadd.s32 s15, s17  }
0x3b5: {  	s2 =	ssub.s32 s13, s31;
	s9 =	sadd.s32 s9, s18;
	s26 =	sld [smem:$0x7F4]  }
0x3b6: {  	s31 =	simm.s32 $0x3E0;
	s13 =	sld [smem:$0x7F6];
	s18 =	sadd.s32 s12, s5;
	(xrf0) =	vadd.scan.msk.s32 $0xffff, v5  }
0x3b7: {  	s8 =	smov.u32 @p0 s2;
	s2 =	ssub.s32 s9, s23;
	p0 =	por p2, p2;
	v6 =	vld [tilespmem:s31+$0x0]  }
0x3b8: {  	v4 =	vlaneseq.u32;
	s8 =	smov.u32 @p0 s2;
	s2 =	ssub.s32 s29, s22;
	p1 =	seq.s32 s26, $0x1  }
0x3b9: {  	v4 =	vmul.u32 $0xFFFFFFFF, v4;
	p2 =	seq.s32 s10, $0x1;
	s22 =	sadd.s32 s24, s6;
	p0 =	por p1, p1  }
0x3ba: {  	p1 =	por p2, p2;
	p2 =	seq.s32 s13, $0x1;
	p0 =	por p0, p0  }
0x3bb: {  	v4 =	vadd.s32 $0xF, v4;
	s8 =	smov.u32 @p0 s2;
	p0 =	por p1, p1;
	p1 =	por p2, p2  }
0x3bc: {  	v5 =	vperm.xlane v5, v4;
	s2 =	ssub.s32 s11, s25;
	p2 =	por p6, p6;
	(xrf0) =	vadd.scan.msk.s32 $0xffff, v6;
	p6 =	por p3, p3;
	v7, _, _ =	vpop (xrf0)  }
0x3bd: {  	s8 =	smov.u32 @p0 s2;
	p0 =	por p1, p1;
	s2 =	ssub.s32 s18, s21;
	(v2sf) =	vpush v7, $0xF  }
0x3be: {  	p1 =	por p5, p5;
	(xrf0) =	vadd.scan.msk.s32 $0xffff, v5;
	p5 =	por p4, p4;
	s21 =	simm.s32 $0x3D0  }
0x3bf: {  	s8 =	smov.u32 @p0 s2;
	p0 =	por p1, p1;
	s2 =	ssub.s32 s19, s28  }
0x3c0: {  	s8 =	smov.u32 @p0 s2;
	p0 =	por p2, p2;
	s2 =	ssub.s32 s20, s16  }
0x3c1: {  	s8 =	smov.u32 @p0 s2;
	p0 =	por p5, p5;
	s2 =	ssub.s32 s22, s3;
	v7 =	vld [tilespmem:s21+$0x0]  }
0x3c2: {  	s0 =	ssub.s32 s1, s0;
	s8 =	smov.u32 @p0 s2;
	p0 =	por p6, p6;
	v5, _, _ =	vpop (xrf0)  }
0x3c3: {  	s23 =	rddreg [dreg:$0xb];
	s8 =	smov.u32 @p0 s0;
	(v2sf) =	vpush v5, $0xF  }
0x3c4: {  	s0 =	simm.s32 $0x0;
	s24 =	ssub.s32 s23, s8;
	v8, _, _ =	vpop (xrf0)  }
0x3c5: {  	v6 =	vperm.xlane v6, v4;
	v5 =	vmov s24;
	v8 =	vadd.s32 s0, v8  }
0x3c6: {  	s25 =	simm.s32 $0x3C0;
	vm2 =	vge.s32 v8, v5;
	(xrf0) =	vadd.scan.msk.s32 $0xffff, v7  }
0x3c7: {  	v8 =	vld [tilespmem:s25+$0x0];
	(xrf0) =	vadd.scan.msk.s32 $0xffff, v6;
	v6 =	vsel vm2, $0x1, v3  }
0x3c8: {  	(xrf0) =	vadd.scan.msk.s32 $0xffff, v6;
	v6 =	vmctz.xlane vm2;
	_ =	sdelay $0x1  }
0x3c9: {  	v6 =	vxor.u32 $0x80000000, v6  }
0x3ca: {  	(xrf0) =	vmax.scan.msk.u32 $0xffff, v6;
	v6 =	vperm.xlane v7, v4  }
0x3cb: {  	v56, _, _ =	vpop (xrf0);
	(xrf0) =	vadd.scan.msk.s32 $0xffff, v8;
	s26 =	spop (v2sf)  }
0x3cc: {  	(v2sf) =	vpush v56, $0xF;
	v7, _, _ =	vpop (xrf0);
	(xrf0) =	vadd.scan.msk.s32 $0xffff, v6;
	s1 =	sadd.s32 $0x0, s26  }
0x3cd: {  	v7 =	vadd.s32 s1, v7  }
0x3ce: {  	s28 =	simm.s32 $0x3B0;
	v6, _, _ =	vpop (xrf0);
	vm2 =	vge.s32 v7, v5  }
0x3cf: {  	(v2sf) =	vpush v6, $0xF;
	v7 =	vld [tilespmem:s28+$0x0];
	v6 =	vmctz.xlane vm2  }
0x3d0: {  	v58, _, _ =	vpop (xrf0);
	v57 =	vsel vm2, $0x1, v3  }
0x3d1: {  	s29 =	spop (v2sf);
	v59, _, _ =	vpop (xrf0);
	(xrf0) =	vadd.scan.msk.s32 $0xffff, v57;
	v6 =	vxor.u32 $0x80000000, v6  }
0x3d2: {  	s1 =	sadd.s32 s1, s29;
	(xrf0) =	vmax.scan.msk.u32 $0xffff, v6;
	v6 =	vperm.xlane v8, v4;
	v8, _, _ =	vpop (xrf0)  }
0x3d3: {  	v8 =	vadd.s32 s1, v8  }
0x3d4: {  	(xrf0) =	vadd.scan.msk.s32 $0xffff, v7;
	vm2 =	vge.s32 v8, v5  }
0x3d5: {  	(v2sf) =	vpush v58, $0xF;
	v8 =	vsel vm2, $0x1, v3;
	_ =	sdelay $0x1  }
0x3d6: {  	(xrf0) =	vadd.scan.msk.s32 $0xffff, v6  }
0x3d7: {  	(v2sf) =	vpush v59, $0xF;
	(xrf0) =	vadd.scan.msk.s32 $0xffff, v8;
	v8, _, _ =	vpop (xrf0)  }
0x3d8: {  	v61, _, _ =	vpop (xrf0);
	(v2sf) =	vpush v8, $0xF  }
0x3d9: {  	v63, _, _ =	vpop (xrf0);
	(v2sf) =	vpush v61, $0xF  }
0x3da: {  	s30 =	simm.s32 $0x3A0;
	v60 =	vmctz.xlane vm2;
	s31 =	spop (v2sf);
	(v2sf) =	vpush v63, $0xF  }
0x3db: {  	v6 =	vld [tilespmem:s30+$0x0]  }
0x3dc: {  	v62 =	vxor.u32 $0x80000000, v60  }
0x3dd: {  	v7 =	vperm.xlane v7, v4;
	(xrf0) =	vmax.scan.msk.u32 $0xffff, v62  }
0x3de: {  	s4 =	simm.s32 $0x0;
	s5 =	simm.s32 $0xD0  }
0x3df: {  	s9 =	simm.s32 $0x100;
	s6 =	simm.s32 $0xE0;
	s3 =	sadd.s32 s1, s31;
	v8, _, _ =	vpop (xrf0)  }
0x3e0: {  	s10 =	simm.s32 $0x390;
	s11 =	simm.s32 $0xA0;
	s2 =	simm.s32 $0xC0;
	(xrf0) =	vadd.scan.msk.s32 $0xffff, v6;
	v8 =	vadd.s32 s3, v8  }
0x3e1: {  	s8 =	simm.s32 $0xF0;
	s1 =	simm.s32 $0xB0;
	(xrf0) =	vadd.scan.msk.s32 $0xffff, v7;
	s12 =	spop (v2sf);
	v7, _, _ =	vpop (xrf0);
	vm2 =	vge.s32 v8, v5  }
.LBB2_10:
0x3e2: {  	p0 =	sne.s32 s11, $0x10;
	v10 =	vsel vm2, $0x1, v3;
	v9 =	vmctz.xlane vm2;
	(v2sf) =	vpush v7, $0xF;
	p1 =	seq.s32 s0, $0x0;
	p2 =	sgt.s32 s12, $0x0  }
0x3e3: {  	v7 =	vld [tilespmem:s10+$0x0];
	(xrf0) =	vadd.scan.msk.s32 $0xffff, v10;
	v8, _, _ =	vpop (xrf0);
	p1 =	por !p1, !p2;
	s12 =	spop (v2sf)  }
0x3e4: {  	v9 =	vxor.u32 $0x80000000, v9;
	(v2sf) =	vpush v8, $0xF;
	s12 =	sxor.u32 $0x7FFFFFFF, s12;
	p1 =	por !p1, !p1  }
.Ltmp5:
0x3e5: {  	(xrf0) =	vmax.scan.msk.u32 $0xffff, v9;
	s9 =	sadd.s32 s12, s9;
	s0 =	simm.s32 @p1 $0x1;
	(pc) =	sbr.rel @p0 .LBB2_10-.Ltmp5, $4  }
0x3e6: {  	v8, _, _ =	vpop (xrf0);
	s12 =	spop (v2sf);
	s4 =	smov.u32 @p1 s9;
	s9 =	smov.u32 s8  }
0x3e7: {  	v9 =	vperm.xlane v6, v4;
	s8 =	smov.u32 s6;
	s6 =	smov.u32 s5;
	(v2sf) =	vpush v8, $0xF;
	v6, _, _ =	vpop (xrf0);
	s3 =	sadd.s32 s3, s12  }
0x3e8: {  	s5 =	smov.u32 s2;
	s2 =	smov.u32 s1;
	s1 =	smov.u32 s11;
	(xrf0) =	vadd.scan.msk.s32 $0xffff, v7;
	v8 =	vadd.s32 s3, v6;
	v6 =	vmov v7  }
0x3e9: {  	s10 =	sadd.s32 $0xFFFFFFF0, s10;
	s11 =	sadd.s32 $0xFFFFFFF0, s11;
	(xrf0) =	vadd.scan.msk.s32 $0xffff, v9;
	vm2 =	vge.s32 v8, v5;
	v7, _, _ =	vpop (xrf0);
	s12 =	spop (v2sf)  }
0x3ea: {  	_ =	sdelay $0x1  }
0x3eb: {  	v8 =	vmctz.xlane vm2;
	v4 =	vperm.xlane v6, v4  }
0x3ec: {  	v9 =	vsel vm2, $0x1, v3  }
0x3ed: {  	(xrf0) =	vadd.scan.msk.s32 $0xffff, v9;
	v8 =	vxor.u32 $0x80000000, v8  }
0x3ee: {  	s10 =	spop (v2sf);
	v6, _, _ =	vpop (xrf0);
	(xrf0) =	vmax.scan.msk.u32 $0xffff, v8  }
0x3ef: {  	s11 =	spop (v2sf);
	(xrf0) =	vadd.scan.msk.s32 $0xffff, v4;
	v4, _, _ =	vpop (xrf0)  }
0x3f0: {  	s3 =	sadd.s32 s3, s11;
	v8, _, _ =	vpop (xrf0)  }
0x3f1: {  	v8 =	vadd.s32 s3, v8  }
0x3f2: {  	vm2 =	vge.s32 v8, v5  }
0x3f3: {  	(v2sf) =	vpush v7, $0xF;
	s29 =	spop (v2sf);
	v7 =	vsel vm2, $0x1, v3  }
0x3f4: {  	v8, _, _ =	vpop (xrf0);
	s13 =	spop (v2sf)  }
0x3f5: {  	v61, _, _ =	vpop (xrf0);
	s14 =	spop (v2sf)  }
0x3f6: {  	v10 =	vmctz.xlane vm2;
	(xrf0) =	vadd.scan.msk.s32 $0xffff, v7;
	v7, _, _ =	vpop (xrf0);
	s3 =	sadd.s32 s3, s14  }
0x3f7: {  	(v2sf) =	vpush v6, $0xF;
	v7 =	vadd.s32 s3, v7  }
0x3f8: {  	(v2sf) =	vpush v4, $0xF;
	v4 =	vxor.u32 $0x80000000, v10;
	vm2 =	vge.s32 v7, v5  }
0x3f9: {  	(xrf0) =	vmax.scan.msk.u32 $0xffff, v4;
	v4 =	vmctz.xlane vm2  }
0x3fa: {  	(v2sf) =	vpush v8, $0xF;
	v3 =	vsel vm2, $0x1, v3  }
0x3fb: {  	(xrf0) =	vadd.scan.msk.s32 $0xffff, v3;
	v3 =	vxor.u32 $0x80000000, v4  }
0x3fc: {  	(xrf0) =	vmax.scan.msk.u32 $0xffff, v3  }
0x3fd: {  	(v2sf) =	vpush v61, $0xF;
	v4, _, _ =	vpop (xrf0)  }
0x3fe: {  	p0 =	seq.s32 s0, $0x0;
	p1 =	sgt.s32 s12, $0x0;
	(v2sf) =	vpush v4, $0xF  }
0x3ff: {  	p0 =	por !p0, !p1  }
0x400: {  	p0 =	por !p0, !p0;
	v3, _, _ =	vpop (xrf0)  }
0x401: {  	s0 =	simm.s32 @p0 $0x1;
	(v2sf) =	vpush v3, $0xF;
	v3, _, _ =	vpop (xrf0)  }
0x402: {  	p3 =	seq.s32 s0, $0x0;
	p2 =	sgt.s32 s29, $0x0;
	(v2sf) =	vpush v3, $0xF;
	v3, _, _ =	vpop (xrf0)  }
0x403: {  	p1 =	por !p3, !p2;
	(v2sf) =	vpush v3, $0xF  }
0x404: {  	p1 =	por !p1, !p1  }
0x405: {  	s24 =	simm.s32 $0x0;
	s0 =	simm.s32 @p1 $0x1;
	s30 =	spop (v2sf)  }
0x406: {  	s10 =	sxor.u32 $0x7FFFFFFF, s10;
	p4 =	seq.s32 s0, $0x0;
	p3 =	sgt.s32 s30, $0x0  }
0x407: {  	s9 =	sadd.s32 s10, s9;
	s31 =	spop (v2sf);
	p2 =	por !p4, !p3  }
0x408: {  	s4 =	smov.u32 @p0 s9;
	p2 =	por !p2, !p2;
	s12 =	spop (v2sf)  }
0x409: {  	s15 =	sxor.u32 $0x7FFFFFFF, s13;
	s0 =	simm.s32 @p2 $0x1;
	s14 =	spop (v2sf)  }
0x40a: {  	s8 =	sadd.s32 s15, s8;
	p4 =	seq.s32 s0, $0x0;
	p5 =	sgt.s32 s14, $0x0  }
0x40b: {  	s26 =	simm.s32 $0x10;
	s4 =	smov.u32 @p1 s8;
	p6 =	por !p4, !p5  }
0x40c: {  	s3 =	sxor.u32 $0x7FFFFFFF, s31;
	s16 =	spop (v2sf);
	p0 =	por !p6, !p6  }
0x40d: {  	s3 =	sadd.s32 s3, s6;
	s0 =	simm.s32 @p0 $0x1;
	s17 =	spop (v2sf)  }
0x40e: {  	s18 =	sxor.u32 $0x7FFFFFFF, s16;
	p3 =	seq.s32 s0, $0x0;
	p4 =	sgt.s32 s17, $0x0  }
0x40f: {  	s4 =	smov.u32 @p2 s3;
	s3 =	sadd.s32 s18, s5;
	p1 =	por !p3, !p4  }
0x410: {  	s4 =	smov.u32 @p0 s3;
	s19 =	spop (v2sf);
	p1 =	por !p1, !p1  }
0x411: {  	s21 =	sxor.u32 $0x7FFFFFFF, s19;
	s20 =	spop (v2sf);
	s0 =	simm.s32 @p1 $0x1  }
0x412: {  	v6 =	vld [tilespmem:s24+$0x100];
	p6 =	sgt.s32 s20, $0x0;
	p5 =	seq.s32 s0, $0x0;
	s22 =	spop (v2sf)  }
0x413: {  	s0 =	sadd.s32 s21, s2;
	p0 =	por !p5, !p6;
	s23 =	sxor.u32 $0x7FFFFFFF, s22  }
0x414: {  	s4 =	smov.u32 @p1 s0;
	p0 =	por !p0, !p0;
	s0 =	sadd.s32 s23, s1  }
0x415: {  	s25 =	sshll.u32 s7, $0x8;
	v7 =	vld [tilespmem:s26+$0x100];
	s4 =	smov.u32 @p0 s0  }
0x416: {  	s29 =	simm.s32 $0x20;
	s0 =	sor.u32 s25, s4  }
0x417: {  	v62 =	vxor.u32 $0x80000000, v6;
	v8 =	vld [tilespmem:s29+$0x100];
	s28 =	sxor.u32 $0x80000000, s0;
	v4 =	vmov s0  }
0x418: {  	v5 =	vimm.s32 $0x0;
	v3 =	vmov s28;
	vm2 =	veq.s32 v6, v4  }
0x419: {  	vm3 =	vgt.s32 v62, v3;
	v6 =	vsel vm2, $0x1, v5  }
0x41a: {  	vm2 =	veq.s32 v7, v4;
	v9 =	vsel vm3, $0x1, v5;
	(xrf0) =	vadd.scan.msk.s32 $0xffff, v6;
	v6 =	vxor.u32 $0x80000000, v7  }
0x41b: {  	(xrf0) =	vadd.scan.msk.s32 $0xffff, v9;
	vm3 =	vgt.s32 v6, v3;
	v6 =	vsel vm2, $0x1, v5  }
0x41c: {  	(xrf0) =	vadd.scan.msk.s32 $0xffff, v6;
	v6 =	vxor.u32 $0x80000000, v8  }
0x41d: {  	v7 =	vsel vm3, $0x1, v5;
	vm3 =	vgt.s32 v6, v3  }
0x41e: {  	vm2 =	veq.s32 v8, v4;
	(xrf0) =	vadd.scan.msk.s32 $0xffff, v7;
	v7 =	vsel vm3, $0x1, v5  }
0x41f: {  	s30 =	simm.s32 $0x30;
	v6 =	vsel vm2, $0x1, v5  }
0x420: {  	(xrf0) =	vadd.scan.msk.s32 $0xffff, v6;
	v6 =	vld [tilespmem:s30+$0x100]  }
0x421: {  	(xrf0) =	vadd.scan.msk.s32 $0xffff, v7;
	v7, _, _ =	vpop (xrf0)  }
0x422: {  	v8, _, _ =	vpop (xrf0)  }
0x423: {  	(v2sf) =	vpush v8, $0xF;
	v8, _, _ =	vpop (xrf0)  }
0x424: {  	(v2sf) =	vpush v7, $0xF;
	v7, _, _ =	vpop (xrf0)  }
0x425: {  	(v2sf) =	vpush v7, $0xF;
	v7 =	vxor.u32 $0x80000000, v6;
	_ =	sdelay $0x1  }
0x426: {  	v63, _, _ =	vpop (xrf0)  }
0x427: {  	(v2sf) =	vpush v8, $0xF;
	vm3 =	vgt.s32 v7, v3;
	v7, _, _ =	vpop (xrf0)  }
0x428: {  	(v2sf) =	vpush v7, $0xF  }
0x429: {  	(v2sf) =	vpush v63, $0xF;
	_ =	sdelay $0x2  }
0x42a: {  	vm2 =	veq.s32 v6, v4  }
0x42b: {  	s31 =	simm.s32 $0x40;
	v6 =	vsel vm2, $0x1, v5  }
0x42c: {  	(xrf0) =	vadd.scan.msk.s32 $0xffff, v6;
	v6 =	vld [tilespmem:s31+$0x100]  }
0x42d: {  	v8 =	vsel vm3, $0x1, v5  }
0x42e: {  	(xrf0) =	vadd.scan.msk.s32 $0xffff, v8;
	_ =	sdelay $0x1  }
0x42f: {  	s2 =	simm.s32 $0x140;
	s1 =	simm.s32 $0x0;
	s0 =	simm.s32 $0x0  }
.LBB2_12:
0x430: {  	s3 =	sshra.s32 s2, $0x2;
	p0 =	sne.s32 s2, $0x3C0;
	s2 =	sadd.s32 $0x40, s2;
	v8 =	vxor.u32 $0x80000000, v6;
	vm2 =	veq.s32 v6, v4  }
.Ltmp6:
0x431: {  	v6 =	vld [tilespmem:s3+$0x100];
	vm3 =	vgt.s32 v8, v3;
	v9 =	vsel vm2, $0x1, v5;
	s3 =	spop (v2sf);
	(pc) =	sbr.rel @p0 .LBB2_12-.Ltmp6, $4  }
0x432: {  	v10 =	vsel vm3, $0x1, v5;
	(xrf0) =	vadd.scan.msk.s32 $0xffff, v9;
	v7, _, _ =	vpop (xrf0);
	s0 =	sadd.s32 s0, s3;
	s3 =	spop (v2sf)  }
0x433: {  	(xrf0) =	vadd.scan.msk.s32 $0xffff, v10;
	v8, _, _ =	vpop (xrf0);
	s1 =	sadd.s32 s1, s3  }
0x434: {  	(v2sf) =	vpush v8, $0xF  }
0x435: {  	(v2sf) =	vpush v7, $0xF  }
0x436: {  	v7 =	vxor.u32 $0x80000000, v6;
	vm2 =	veq.s32 v6, v4  }
0x437: {  	vm3 =	vgt.s32 v7, v3;
	v6 =	vsel vm2, $0x1, v5  }
0x438: {  	v5 =	vsel vm3, $0x1, v5;
	(xrf0) =	vadd.scan.msk.s32 $0xffff, v6  }
0x439: {  	(xrf0) =	vadd.scan.msk.s32 $0xffff, v5;
	_ =	sdelay $0x2  }
0x43a: {  	v5, _, _ =	vpop (xrf0)  }
0x43b: {  	v6, _, _ =	vpop (xrf0)  }
0x43c: {  	(v2sf) =	vpush v6, $0xF;
	v6, _, _ =	vpop (xrf0)  }
0x43d: {  	(v2sf) =	vpush v5, $0xF;
	v5, _, _ =	vpop (xrf0)  }
0x43e: {  	(v2sf) =	vpush v5, $0xF;
	_ =	sdelay $0x1  }
0x43f: {  	(v2sf) =	vpush v6, $0xF;
	_ =	sdelay $0x4  }
0x440: {  	s2 =	spop (v2sf)  }
0x441: {  	s3 =	spop (v2sf)  }
0x442: {  	s4 =	spop (v2sf)  }
0x443: {  	s5 =	spop (v2sf)  }
0x444: {  	s6 =	spop (v2sf)  }
0x445: {  	s0 =	sadd.s32 s0, s2;
	s14 =	spop (v2sf)  }
0x446: {  	s0 =	sadd.s32 s0, s4;
	s15 =	spop (v2sf)  }
0x447: {  	s1 =	sadd.s32 s1, s3;
	s0 =	sadd.s32 s0, s6;
	s16 =	spop (v2sf)  }
0x448: {  	s1 =	sadd.s32 s1, s5;
	s0 =	sadd.s32 s0, s15;
	s17 =	spop (v2sf)  }
0x449: {  	s1 =	sadd.s32 s1, s14;
	s18 =	sadd.s32 s0, s17  }
0x44a: {  	s19 =	sadd.s32 s1, s16;
	s20 =	spop (v2sf);
	v5 =	vmov s18  }
0x44b: {  	s1 =	sadd.s32 s19, s20;
	v5 =	vnsel vm0, $0x0, v5  }
0x44c: {  	[tilespmem:$0x580] =	vst v2;
	s21 =	simm.s32 $0x10;
	s22 =	simm.s32 $0x580;
	v5 =	vsel vm1, s1, v5  }
0x44d: {  	s23 =	simm.s32 $0x500;
	s24 =	rddreg [dreg:$0x5];
	s25 =	simm.s32 $0x1;
	[tilespmem:$0x500] =	vst v5  }
0x44e: {  	[spmem:s24] =	stream.indirect.scatter.add.s32 [tilespmem:s23], [sflag:$0x1], $0x1, s22, s21, $0xb8;
	[tilespmem:$0x9F0] =	vst v63  }
0x44f: {  	_ =	swait.ge [sflag:s25], $0x10  }
0x450: {  	[sflag:s25] =	ssyncset.done $0x0  }
0x451: {  	[sflag:s25] =	ssyncadd.s32 $0xFFFFFFF0  }
0x452: {  	s26 =	simm.s32 $0x600;
	[bflag:$0x0] =	sbarrier.arrive $0xFFFF  }
0x453: {  	[tilespmem:s26], [sflag:$0x1] =	stream.linear.gather [spmem:s24], $0x80, $0x38;
	[tilespmem:$0x9F0] =	vst v63  }
0x454: {  	_ =	swait.ge [sflag:s25], $0x80  }
0x455: {  	[sflag:s25] =	ssyncset.done $0x0  }
0x456: {  	[sflag:s25] =	ssyncadd.s32 $0xFFFFFF80  }
0x457: {  	v2 =	vld [tilespmem:$0x600];
	_ =	sdelay $0x4  }
0x458: {  	(xrf0) =	vadd.scan.msk.s32 $0xffff, v2;
	_ =	sdelay $0x3  }
0x459: {  	v5 =	vld [tilespmem:$0x610]  }
0x45a: {  	v2 =	vlaneseq.u32  }
0x45b: {  	vm0 =	veq.s32 v1, v2;
	v1, _, _ =	vpop (xrf0)  }
0x45c: {  	v6 =	vnsel vm0, $0x0, v1  }
0x45d: {  	(xrf0) =	vadd.scan.msk.s32 $0xffff, v6  }
0x45e: {  	(xrf0) =	vadd.scan.msk.s32 $0xffff, v5;
	_ =	sdelay $0x4  }
0x45f: {  	v5, _, _ =	vpop (xrf0)  }
0x460: {  	v6, _, _ =	vpop (xrf0)  }
0x461: {  	v6 =	vnsel vm0, $0x0, v6  }
0x462: {  	(xrf0) =	vadd.scan.msk.s32 $0xffff, v6;
	_ =	sdelay $0x4  }
0x463: {  	(v2sf) =	vpush v1, $0xF  }
0x464: {  	(v2sf) =	vpush v5, $0xF;
	v1, _, _ =	vpop (xrf0)  }
0x465: {  	(v2sf) =	vpush v1, $0xF;
	_ =	sdelay $0x6  }
0x466: {  	s0 =	simm.s32 $0x0  }
0x467: {  	v6 =	vld [tilespmem:s0+$0x100];
	_ =	sdelay $0x4  }
0x468: {  	v5 =	vimm.s32 $0x0;
	s28 =	spop (v2sf);
	vm0 =	veq.s32 v6, v4  }
0x469: {  	v1 =	vsel vm0, $0x1, v5;
	s29 =	spop (v2sf)  }
0x46a: {  	(xrf0) =	vadd.scan.msk.s32 $0xffff, v1;
	s30 =	spop (v2sf)  }
0x46b: {  	s3 =	ssub.s32 $0x200, s28;
	s5 =	ssub.s32 s30, s1  }
0x46c: {  	s6 =	ssub.s32 s3, s5  }
0x46d: {  	p0 =	sgt.s32 s6, $0x0  }
0x46e: {  	s6 =	simm.s32 @!p0 $0x0  }
0x46f: {  	p0 =	slt.s32 s1, s6  }
0x470: {  	v7, _, _ =	vpop (xrf0);
	s6 =	smov.u32 @p0 s1;
	s1 =	simm.s32 $0x0  }
0x471: {  	v1 =	vmov s6;
	v7 =	vadd.s32 s1, v7  }
0x472: {  	v6 =	vxor.u32 $0x80000000, v6;
	vm1 =	vle.s32 v7, v1  }
0x473: {  	vm2 =	vgt.s32 v6, v3;
	vm1 =	vmand vm0, vm1  }
0x474: {  	vm0 =	vmor vm2, vm1;
	v6 =	vsel vm1, $0x1, v5  }
0x475: {  	v7 =	vsel vm0, $0x1, v5;
	(xrf0) =	vadd.scan.msk.s32 $0xffff, v6  }
0x476: {  	p0 =	sgt.s32 s3, s5;
	(xrf0) =	vadd.scan.msk.s32 $0xffff, v7  }
0x477: {  	s2 =	ssub.s32 s29, s18;
	s3 =	smov.u32 @p0 s5  }
0x478: {  	s2 =	sadd.s32 s3, s2  }
0x479: {  	v6 =	vmov s2  }
0x47a: {  	s31 =	sld [smem:$0x7FD];
	v6 =	vadd.s32 $0xFFFFFFFF, v6  }
0x47b: {  	s7 =	rddreg [dreg:$0x9];
	v6 =	vbroadcast v6, $0x0;
	v7, _, _ =	vpop (xrf0)  }
0x47c: {  	s4 =	simm.s32 $0x80;
	v8 =	vor.u32 s7, v2;
	(v2sf) =	vpush v7, $0xF;
	v7, _, _ =	vpop (xrf0)  }
0x47d: {  	p1 =	seq.s32 s31, $0x1;
	[tilespmem:s0+$0x880] =	vst v8;
	s5 =	simm.s32 $0x40;
	s3 =	smov.u32 s7;
	v6 =	vadd.s32 v7, v6;
	(v2sf) =	vpush v7, $0xF  }
.LBB2_14:
0x47e: {  	p0 =	sne.s32 s4, $0x1C0;
	s5 =	sshra.s32 s5, $0x2;
	v6 =	vsel vm0, v6, v0;
	s3 =	sadd.s32 $0x10, s3  }
0x47f: {  	v7 =	vld [tilespmem:s5+$0x100];
	v8 =	vor.u32 s3, v2;
	[tilespmem:s0+$0x780] =	vst v6;
	s0 =	smov.u32 s5;
	s5 =	smov.u32 s4  }
0x480: {  	[tilespmem:s0+$0x880] =	vst v8;
	_ =	sdelay $0x3  }
0x481: {  	v6 =	vxor.u32 $0x80000000, v7;
	vm0 =	veq.s32 v7, v4  }
0x482: {  	vm1 =	vgt.s32 v6, v3;
	v6 =	vsel vm0, $0x1, v5  }
0x483: {  	(xrf0) =	vadd.scan.msk.s32 $0xffff, v6;
	_ =	sdelay $0x4  }
0x484: {  	s6 =	spop (v2sf)  }
0x485: {  	v6, _, _ =	vpop (xrf0);
	s1 =	sadd.s32 s1, s6;
	s6 =	spop (v2sf)  }
0x486: {  	v6 =	vadd.s32 s1, v6;
	s2 =	sadd.s32 s2, s6  }
0x487: {  	vm2 =	vle.s32 v6, v1;
	v6 =	vmov s2  }
0x488: {  	vm2 =	vmand vm0, vm2;
	v6 =	vadd.s32 $0xFFFFFFFF, v6  }
0x489: {  	vm0 =	vmor vm1, vm2;
	v6 =	vbroadcast v6, $0x0;
	v7 =	vsel vm2, $0x1, v5  }
0x48a: {  	v8 =	vsel vm0, $0x1, v5;
	(xrf0) =	vadd.scan.msk.s32 $0xffff, v7  }
0x48b: {  	(xrf0) =	vadd.scan.msk.s32 $0xffff, v8;
	_ =	sdelay $0x2  }
.Ltmp7:
0x48c: {  	(pc) =	sbr.rel @p0 .LBB2_14-.Ltmp7, $4  }
0x48d: {  	_ = 	snop  }
0x48e: {  	v7, _, _ =	vpop (xrf0)  }
0x48f: {  	v8, _, _ =	vpop (xrf0);
	(v2sf) =	vpush v7, $0xF  }
0x490: {  	s4 =	sadd.s32 $0x40, s4;
	v6 =	vadd.s32 v8, v6;
	(v2sf) =	vpush v8, $0xF  }
0x491: {  	s4 =	sshra.s32 s5, $0x2  }
0x492: {  	v7 =	vld [tilespmem:s4+$0x100];
	_ =	sdelay $0x4  }
0x493: {  	vm1 =	veq.s32 v7, v4  }
0x494: {  	v8 =	vsel vm1, $0x1, v5  }
0x495: {  	(xrf0) =	vadd.scan.msk.s32 $0xffff, v8;
	_ =	sdelay $0x4  }
0x496: {  	s28 =	spop (v2sf)  }
0x497: {  	v8, _, _ =	vpop (xrf0);
	s1 =	sadd.s32 s1, s28  }
0x498: {  	v8 =	vadd.s32 s1, v8  }
0x499: {  	v7 =	vxor.u32 $0x80000000, v7;
	vm2 =	vle.s32 v8, v1  }
0x49a: {  	vm1 =	vmand vm1, vm2;
	vm2 =	vgt.s32 v7, v3  }
0x49b: {  	vm2 =	vmor vm2, vm1;
	v7 =	vsel vm1, $0x1, v5  }
0x49c: {  	v5 =	vsel vm2, $0x1, v5;
	(xrf0) =	vadd.scan.msk.s32 $0xffff, v7  }
0x49d: {  	(xrf0) =	vadd.scan.msk.s32 $0xffff, v5  }
0x49e: {  	s29 =	spop (v2sf)  }
0x49f: {  	s2 =	sadd.s32 s2, s29  }
0x4a0: {  	v5 =	vmov s2  }
0x4a1: {  	v5 =	vadd.s32 $0xFFFFFFFF, v5  }
0x4a2: {  	v5 =	vbroadcast v5, $0x0;
	v7, _, _ =	vpop (xrf0)  }
0x4a3: {  	v6 =	vsel vm0, v6, v0;
	s3 =	sadd.s32 $0x10, s3;
	v8, _, _ =	vpop (xrf0)  }
0x4a4: {  	v2 =	vor.u32 s3, v2;
	[tilespmem:s0+$0x780] =	vst v6;
	(v2sf) =	vpush v7, $0xF;
	v5 =	vadd.s32 v8, v5  }
0x4a5: {  	[tilespmem:s4+$0x880] =	vst v2;
	v2 =	vsel vm2, v5, v0  }
0x4a6: {  	s0 =	simm.s32 $0x0;
	[tilespmem:s4+$0x780] =	vst v2  }
0x4a7: {  	v5 =	vld [tilespmem:s0+$0x180];
	_ =	sdelay $0x4  }
0x4a8: {  	(v2sf) =	vpush v8, $0xF;
	v2 =	vimm.s32 $0x0;
	vm0 =	veq.s32 v5, v4  }
0x4a9: {  	v6 =	vsel vm0, $0x1, v2  }
0x4aa: {  	(xrf0) =	vadd.scan.msk.s32 $0xffff, v6;
	_ =	sdelay $0x4  }
0x4ab: {  	s30 =	spop (v2sf)  }
0x4ac: {  	s3 =	sadd.s32 s1, s30;
	v6, _, _ =	vpop (xrf0)  }
0x4ad: {  	v6 =	vadd.s32 s3, v6  }
0x4ae: {  	v5 =	vxor.u32 $0x80000000, v5;
	vm1 =	vle.s32 v6, v1  }
0x4af: {  	vm2 =	vgt.s32 v5, v3;
	vm1 =	vmand vm0, vm1  }
0x4b0: {  	vm0 =	vmor vm2, vm1;
	v5 =	vsel vm1, $0x1, v2  }
0x4b1: {  	v6 =	vsel vm0, $0x1, v2;
	(xrf0) =	vadd.scan.msk.s32 $0xffff, v5  }
0x4b2: {  	(xrf0) =	vadd.scan.msk.s32 $0xffff, v6  }
0x4b3: {  	s31 =	spop (v2sf)  }
0x4b4: {  	s2 =	sadd.s32 s2, s31  }
0x4b5: {  	v5 =	vmov s2  }
0x4b6: {  	v6 =	vadd.s32 $0xFFFFFFFF, v5  }
0x4b7: {  	s1 =	sadd.s32 $0x80, s7;
	v5 =	vlaneseq.u32;
	v6 =	vbroadcast v6, $0x0;
	v7, _, _ =	vpop (xrf0)  }
0x4b8: {  	v8 =	vor.u32 s1, v5;
	(v2sf) =	vpush v7, $0xF;
	v7, _, _ =	vpop (xrf0)  }
0x4b9: {  	s5 =	simm.s32 $0x40;
	s4 =	simm.s32 $0x80;
	[tilespmem:s0+$0x900] =	vst v8;
	v6 =	vadd.s32 v7, v6;
	(v2sf) =	vpush v7, $0xF  }
.LBB2_16:
0x4ba: {  	p0 =	sne.s32 s4, $0x1C0;
	s5 =	sshra.s32 s5, $0x2;
	v6 =	vsel vm0, v6, v0;
	s1 =	sadd.s32 $0x10, s1  }
0x4bb: {  	v7 =	vld [tilespmem:s5+$0x180];
	v8 =	vor.u32 s1, v5;
	[tilespmem:s0+$0x800] =	vst v6;
	s0 =	smov.u32 s5;
	s5 =	smov.u32 s4  }
0x4bc: {  	[tilespmem:s0+$0x900] =	vst v8;
	_ =	sdelay $0x3  }
0x4bd: {  	v6 =	vxor.u32 $0x80000000, v7;
	vm0 =	veq.s32 v7, v4  }
0x4be: {  	vm1 =	vgt.s32 v6, v3;
	v6 =	vsel vm0, $0x1, v2  }
0x4bf: {  	(xrf0) =	vadd.scan.msk.s32 $0xffff, v6;
	_ =	sdelay $0x4  }
0x4c0: {  	s6 =	spop (v2sf)  }
0x4c1: {  	v6, _, _ =	vpop (xrf0);
	s3 =	sadd.s32 s3, s6;
	s6 =	spop (v2sf)  }
0x4c2: {  	v6 =	vadd.s32 s3, v6;
	s2 =	sadd.s32 s2, s6  }
0x4c3: {  	vm2 =	vle.s32 v6, v1;
	v6 =	vmov s2  }
0x4c4: {  	vm2 =	vmand vm0, vm2;
	v6 =	vadd.s32 $0xFFFFFFFF, v6  }
0x4c5: {  	vm0 =	vmor vm1, vm2;
	v6 =	vbroadcast v6, $0x0;
	v7 =	vsel vm2, $0x1, v2  }
0x4c6: {  	v8 =	vsel vm0, $0x1, v2;
	(xrf0) =	vadd.scan.msk.s32 $0xffff, v7  }
0x4c7: {  	(xrf0) =	vadd.scan.msk.s32 $0xffff, v8;
	_ =	sdelay $0x2  }
.Ltmp8:
0x4c8: {  	(pc) =	sbr.rel @p0 .LBB2_16-.Ltmp8, $4  }
0x4c9: {  	_ = 	snop  }
0x4ca: {  	v7, _, _ =	vpop (xrf0)  }
0x4cb: {  	v8, _, _ =	vpop (xrf0);
	(v2sf) =	vpush v7, $0xF  }
0x4cc: {  	s4 =	sadd.s32 $0x40, s4;
	v6 =	vadd.s32 v8, v6;
	(v2sf) =	vpush v8, $0xF  }
0x4cd: {  	s4 =	sshra.s32 s5, $0x2  }
0x4ce: {  	v7 =	vld [tilespmem:s4+$0x180];
	_ =	sdelay $0x4  }
0x4cf: {  	vm1 =	veq.s32 v7, v4  }
0x4d0: {  	v4 =	vsel vm1, $0x1, v2  }
0x4d1: {  	(xrf0) =	vadd.scan.msk.s32 $0xffff, v4;
	_ =	sdelay $0x4  }
0x4d2: {  	s23 =	spop (v2sf)  }
0x4d3: {  	s3 =	sadd.s32 s3, s23;
	v4, _, _ =	vpop (xrf0)  }
0x4d4: {  	v4 =	vadd.s32 s3, v4  }
0x4d5: {  	v55 =	vxor.u32 $0x80000000, v7;
	vm2 =	vle.s32 v4, v1  }
0x4d6: {  	vm15 =	vgt.s32 v55, v3;
	vm1 =	vmand vm1, vm2  }
0x4d7: {  	v56 =	vsel vm1, $0x1, v2;
	vm1 =	vmor vm15, vm1  }
0x4d8: {  	(xrf0) =	vadd.scan.msk.s32 $0xffff, v56;
	v57 =	vsel vm1, $0x1, v2  }
0x4d9: {  	(xrf0) =	vadd.scan.msk.s32 $0xffff, v57;
	_ =	sdelay $0x4  }
0x4da: {  	v58, _, _ =	vpop (xrf0)  }
0x4db: {  	(v2sf) =	vpush v58, $0xF;
	v59, _, _ =	vpop (xrf0)  }
0x4dc: {  	(v2sf) =	vpush v59, $0xF;
	_ =	sdelay $0x3  }
0x4dd: {  	s24 =	spop (v2sf)  }
0x4de: {  	s2 =	sadd.s32 s2, s24  }
0x4df: {  	v60 =	vmov s2  }
0x4e0: {  	v2 =	vadd.s32 $0xFFFFFFFF, v60  }
0x4e1: {  	v2 =	vbroadcast v2, $0x0  }
0x4e2: {  	v61 =	vsel vm0, v6, v0;
	s1 =	sadd.s32 $0x10, s1  }
0x4e3: {  	v62 =	vor.u32 s1, v5;
	[tilespmem:s0+$0x800] =	vst v61;
	v1 =	vadd.s32 v59, v2  }
0x4e4: {  	s26 =	simm.s32 $0x780;
	[tilespmem:s4+$0x900] =	vst v62;
	v63 =	vsel vm1, v1, v0  }
0x4e5: {  	s28 =	simm.s32 $0x880;
	s0 =	simm.s32 $0x80;
	[tilespmem:s4+$0x800] =	vst v63;
	s4 =	rddreg [dreg:$0x6]  }
0x4e6: {  	[spmem:s4] =	stream.indirect.scatter [tilespmem:s28], [sflag:$0x1], $0x1, s26, s0, $0xb8;
	[tilespmem:$0x9F0] =	vst v63  }
0x4e7: {  	s25 =	spop (v2sf)  }
0x4e8: {  	s1 =	simm.s32 $0x1;
	s29 =	spop (v2sf)  }
0x4e9: {  	_ =	swait.ge [sflag:s1], $0x80  }
0x4ea: {  	[sflag:s1] =	ssyncset.done $0x0  }
0x4eb: {  	s30 =	simm.s32 $0x800;
	s31 =	simm.s32 $0x900;
	[sflag:s1] =	ssyncadd.s32 $0xFFFFFF80  }
0x4ec: {  	[spmem:s4] =	stream.indirect.scatter [tilespmem:s31], [sflag:$0x1], $0x1, s30, s0, $0xb8;
	[tilespmem:$0x9F0] =	vst v63  }
0x4ed: {  	_ =	swait.ge [sflag:s1], $0x80  }
0x4ee: {  	[sflag:s1] =	ssyncset.done $0x0  }
0x4ef: {  	[sflag:s1] =	ssyncadd.s32 $0xFFFFFF80  }
0x4f0: {  	[bflag:$0x0] =	sbarrier.arrive $0xFFFF  }
0x4f1: {  	s0 =	sshrl.u32 @!p1 s4, $0x3;
	s1 =	simm.s32 @!p1 $0x1C01;
	s2 =	rddreg [dreg:$0x8]  }
0x4f2: {  	[hbm:s2], [sflag:s1] =	dma.local @!p1 [spmem:s0], $0x50  }
0x4f3: {  	s0 =	simm.s32 @!p1 $0x1  }
0x4f4: {  	_ =	swait.ge @!p1 [sflag:s0], $0x50  }
0x4f5: {  	[sflag:s0] =	ssyncset.done @!p1 $0x0  }
0x4f6: {  	[sflag:s0] =	ssyncadd.s32 @!p1 $0xFFFFFFB0  }
0x4f7: {  	s5 =	rddreg [dreg:$0x7]  }
.LBB2_18:
0x4f8: {  	_ =	sfence.sel $0x180000  }
0x4f9: {  	[bflag:$0x0] =	sbarrier.arrive $0xFFFF  }
0x4fa: {  	_ =	strace $0x90000047  }
0x4fb: {  	s0 =	sadd.s32 @!p1 $0x100000, s5;
	[bflag:$0x2] =	sbarrier.arrive $0xFFFF  }
0x4fc: {  	[sflag:s0] =	ssyncadd.tile.s32 @!p1 $0x1;
	_ =	shalt  }
.Lfunc_end2:
_tile_overlayer_lowered:
.L_overlay_start_2:
0x4fd: {  	(tag) =	ssettag $0x2  }
0x4fe: {  	s0 =	rddreg [dreg:$0x0];
	s2 =	stileid.u32  }
0x4ff: {  	s1 =	rddreg [dreg:$0x1];
	p0 =	sne.s32 s2, $0x0  }
0x500: {  	s3 =	rddreg [dreg:$0x2];
	[bflag:$0x3] =	sbarrier.arrive $0xFFFF;
	s2 =	simm.s32 @!p0 $0x1C01  }
0x501: {  	[timem:s3], [sflag:s2] =	dma.local @!p0 [hbm:s0], s1  }
0x502: {  	s0 =	simm.s32 @!p0 $0x1  }
0x503: {  	_ =	swait.ge @!p0 [sflag:s0], s1  }
0x504: {  	s1 =	ssub.s32 @!p0 $0x0, s1;
	[sflag:s0] =	ssyncset.done @!p0 $0x0  }
0x505: {  	[sflag:s0] =	ssyncadd.s32 @!p0 s1  }
0x506: {  	[bflag:$0x3] =	sbarrier.arrive $0xFFFF  }
0x507: {  	_ =	shalt  }

</sc_bundles>
